<compile_context>
chip_gen: v7x
topology: tpu7x:2x2x1
jax: 0.10.2.dev20260603
libtpu: 0.0.44.dev20260713+nightly
codegen_flags: <defaults>
</compile_context>

<pallas_src>
import functools

import jax
import jax.numpy as jnp
from jax import lax
from jax.experimental import pallas as pl
from jax.experimental.pallas import tpu as pltpu
from jax.experimental.pallas import tpu_sc as plsc

_B, _C = 2, 3
_H, _W = 400, 400
_OUT_H, _OUT_W = 100, 100
_STRIDE = 4
_N = _OUT_H * _OUT_W
_ND = 10240
_BIG = 1e18

_TI = 640
_NI = _ND // _TI

_NC, _NS, _L = 2, 16, 16
_NW = _NC * _NS
_D = 16
_QTOT = _B * _ND
_QPW = _QTOT // _NW
_ICH = 128
_NCH = _QPW // _ICH


def _downsample_kernel(t_ref, s_ref, sds_ref, trow_ref, srow_ref):
    hp = lax.broadcasted_iota(jnp.int32, (_OUT_H, _H), 0)
    hq = lax.broadcasted_iota(jnp.int32, (_OUT_H, _H), 1)
    selh = (hq == _STRIDE * hp).astype(jnp.float32)
    wp = lax.broadcasted_iota(jnp.int32, (_W, _OUT_W), 0)
    wq = lax.broadcasted_iota(jnp.int32, (_W, _OUT_W), 1)
    selw = (wp == _STRIDE * wq).astype(jnp.float32)
    tail = jnp.full((_ND - _N,), _BIG, jnp.float32)

    for ref, row_ref, is_source in (
        (t_ref, trow_ref, False),
        (s_ref, srow_ref, True),
    ):
        flats = []
        for c in range(_C):
            x = ref[0, c]
            hsel = jax.lax.dot_general(
                selh, x, (((1,), (0,)), ((), ())),
                precision=jax.lax.Precision.HIGHEST,
                preferred_element_type=jnp.float32,
            )
            dsc = jax.lax.dot_general(
                hsel, selw, (((1,), (0,)), ((), ())),
                precision=jax.lax.Precision.HIGHEST,
                preferred_element_type=jnp.float32,
            )
            flats.append(jnp.concatenate(
                [dsc[h] for h in range(_OUT_H)] + [tail]))
        ds = jnp.stack(flats)
        if is_source:
            s2 = jnp.sum(ds * ds, axis=0, keepdims=True)
            sds_ref[0] = jnp.concatenate([ds, s2])
        row_ref[0, :, 0:_C] = jnp.transpose(ds)
        row_ref[0, :, _C:_D] = jnp.zeros((_ND, _D - _C), jnp.float32)


def _argmin_kernel(t_ref, s_ref, idx_ref):
    b = pl.program_id(0)
    t = t_ref[0][:, 0:_C]
    sall = s_ref[0]
    s = sall[0:_C]
    s2 = sall[_C:_C + 1]
    g = jnp.dot(t, s, preferred_element_type=jnp.float32)
    approx = s2 - 2.0 * g
    idx = jnp.argmin(approx, axis=1).astype(jnp.int32)
    idx_ref[0, 0, 0, :] = idx + b * _ND


_sc_mesh = plsc.VectorSubcoreMesh(core_axis_name="c", subcore_axis_name="s")


@functools.partial(
    pl.kernel,
    mesh=_sc_mesh,
    compiler_params=pltpu.CompilerParams(use_tc_tiling_on_sc=False),
    out_type=jax.ShapeDtypeStruct((_NW, _L), jnp.float32),
    scratch_types=[
        pltpu.VMEM((_QPW,), jnp.int32),
        pltpu.VMEM((_QPW, _D), jnp.float32),
        pltpu.VMEM((_QPW, _D), jnp.float32),
        pltpu.VMEM((_L,), jnp.float32),
        pltpu.SemaphoreType.DMA,
    ],
)
def _sc_gather_mse(idx_hbm, s_hbm, t_hbm, out_hbm, idx_v, rows_v, t_v, acc_v, sem):
    wid = lax.axis_index("s") * _NC + lax.axis_index("c")
    pltpu.sync_copy(idx_hbm.at[wid], idx_v)
    pltpu.sync_copy(t_hbm.at[wid], t_v)
    copies = []
    for j in range(_NCH):
        copies.append(pltpu.async_copy(
            s_hbm.at[idx_v.at[pl.ds(j * _ICH, _ICH)]],
            rows_v.at[pl.ds(j * _ICH, _ICH)], sem))
    for c in copies:
        c.wait()

    def _body(i, acc):
        d = rows_v[i] - t_v[i]
        return acc + d * d

    acc_v[...] = lax.fori_loop(0, _QPW, _body, jnp.zeros((_L,), jnp.float32))
    pltpu.sync_copy(acc_v, out_hbm.at[wid])


def kernel(target_pc, source_pc):
    s_ds, t_rows, s_rows = pl.pallas_call(
        _downsample_kernel,
        grid=(_B,),
        in_specs=[
            pl.BlockSpec((1, _C, _H, _W), lambda b: (b, 0, 0, 0)),
            pl.BlockSpec((1, _C, _H, _W), lambda b: (b, 0, 0, 0)),
        ],
        out_specs=[
            pl.BlockSpec((1, _C + 1, _ND), lambda b: (b, 0, 0)),
            pl.BlockSpec((1, _ND, _D), lambda b: (b, 0, 0)),
            pl.BlockSpec((1, _ND, _D), lambda b: (b, 0, 0)),
        ],
        out_shape=[
            jax.ShapeDtypeStruct((_B, _C + 1, _ND), jnp.float32),
            jax.ShapeDtypeStruct((_B, _ND, _D), jnp.float32),
            jax.ShapeDtypeStruct((_B, _ND, _D), jnp.float32),
        ],
    )(target_pc, source_pc)

    idx = pl.pallas_call(
        _argmin_kernel,
        grid=(_B, _NI),
        in_specs=[
            pl.BlockSpec((1, _TI, _D), lambda b, i: (b, i, 0)),
            pl.BlockSpec((1, _C + 1, _ND), lambda b, i: (b, 0, 0)),
        ],
        out_specs=pl.BlockSpec((1, 1, 1, _TI), lambda b, i: (b, i, 0, 0)),
        out_shape=jax.ShapeDtypeStruct((_B, _NI, 1, _TI), jnp.int32),
    )(t_rows, s_ds)

    partials = _sc_gather_mse(
        idx.reshape(_NW, _QPW),
        s_rows.reshape(_QTOT, _D),
        t_rows.reshape(_NW, _QPW, _D),
    )
    return jnp.sum(partials) / (_B * _N * _C)

# --- scband reference (transcript-rebuilt; emitter-appended) ---
"""Pipeline reference for scband-knn-loss-37890201485849 (READ-ONLY COPY).

The authoritative reference and input builder live on the scoring server;
editing this copy changes nothing except your own understanding.
"""

import jax, jax.numpy as jnp
import numpy as np

B, H, W = 2, 400, 400
OUT_H, OUT_W = 100, 100
STRIDE = 4


def setup_inputs(seed: int = 0) -> dict:
    key = jax.random.key(seed)
    k1, k2 = jax.random.split(key)
    target_pc = jax.random.normal(k1, (B, 3, H, W), dtype=jnp.float32)
    source_pc = jax.random.normal(k2, (B, 3, H, W), dtype=jnp.float32)
    return {"target_pc": target_pc, "source_pc": source_pc}


def _downsample(pc):
    # pc: (B, 3, H, W) -> permute to (B, H, W, 3), strided-select, flatten to (B, N, 3)
    pc = jnp.transpose(pc, (0, 2, 3, 1))
    h_idx = jnp.arange(0, OUT_H * STRIDE, STRIDE)
    w_idx = jnp.arange(0, OUT_W * STRIDE, STRIDE)
    pc = jnp.take(pc, h_idx, axis=1)
    pc = jnp.take(pc, w_idx, axis=2)
    return pc.reshape(pc.shape[0], -1, 3)


def _knn_loss(target_pc, source_pc):
    t = _downsample(target_pc)  # (B, 10000, 3) queries
    s = _downsample(source_pc)  # (B, 10000, 3) reference points
    bsize = t.shape[0]
    N = t.shape[1]
    chunk = 2000
    losses = []
    for b in range(bsize):
        tb = t[b]
        sb = s[b]
        s2 = jnp.sum(sb * sb, axis=1)  # (Ns,)
        nearest_chunks = []
        for c0 in range(0, N, chunk):
            tc = tb[c0:c0 + chunk]
            # squared L2 distances (chunk, Ns)
            d2 = jnp.sum(tc * tc, axis=1)[:, None] + s2[None, :] - 2.0 * (tc @ sb.T)
            idx = jnp.argmin(d2, axis=1)  # 1-NN index into source points
            nearest_chunks.append(jnp.take(sb, idx, axis=0))
        nearest_source = jnp.concatenate(nearest_chunks, axis=0)  # (N, 3)
        # MSELoss (mean reduction) between nearest source point and target point
        losses.append(jnp.mean((nearest_source - tb) ** 2))
    return jnp.mean(jnp.stack(losses))


def reference(target_pc, source_pc):
    return _knn_loss(target_pc, source_pc)

if __name__ == "__main__":
    import jax
    _d = setup_inputs()
    print(jax.jit(kernel)(*tuple(_d.values())))

</pallas_src>

<mosaic_0001>
#map = affine_map<(d0, d1) -> (0, 0)>
#map1 = affine_map<(d0, d1) -> (0, 0, 0)>
module attributes {stable_mosaic.version = 14 : i64} {
  func.func @_sc_gather_mse(%arg0: i32, %arg1: i32, %arg2: memref<32x640xi32, #tpu.memory_space<hbm>>, %arg3: memref<20480x16xf32, #tpu.memory_space<hbm>>, %arg4: memref<32x640x16xf32, #tpu.memory_space<hbm>>, %arg5: memref<32x16xf32, #tpu.memory_space<hbm>>, %arg6: memref<640xi32, #tpu.memory_space<vmem>>, %arg7: memref<640x16xf32, #tpu.memory_space<vmem>>, %arg8: memref<640x16xf32, #tpu.memory_space<vmem>>, %arg9: memref<16xf32, #tpu.memory_space<vmem>>, %arg10: memref<!tpu.dma_semaphore, #tpu.memory_space<semaphore_mem>>) attributes {dimension_semantics = [#tpu.dimension_semantics<core_parallel>, #tpu.dimension_semantics<subcore_parallel>], iteration_bounds = array<i64: 2, 16>, scalar_prefetch = 0 : i64, scratch_operands = 5 : i64, tpu.core_type = #tpu.core_type<sc_vector_subcore>, window_params = [{transform_indices = #map}, {transform_indices = #map}, {transform_indices = #map1}, {transform_indices = #map}]} {
    %mul3A = arith.constant 2 : i32
    %mul3A_0 = arith.muli %arg1, %mul3A : i32
    %add3A = arith.addi %mul3A_0, %arg0 : i32
    "tpu.region"() ({
      %run_scoped3A = tpu.sem_alloc : memref<!tpu.dma_semaphore, #tpu.memory_space<semaphore_mem>>
      %dma_start3A_88 = arith.constant 0 : i32
      %dma_start3A_89 = tpu.memref_slice %arg2[%add3A, %dma_start3A_88] : memref<32x640xi32, #tpu.memory_space<hbm>> -> memref<1x640xi32, #tpu.memory_space<hbm>>
      %dma_start3A_90 = tpu.memref_squeeze %dma_start3A_89 : memref<1x640xi32, #tpu.memory_space<hbm>> -> memref<640xi32, #tpu.memory_space<hbm>>
      %dma_start3A_91 = arith.constant 0 : i32
      %dma_start3A_92 = tpu.memref_slice %arg2[%add3A, %dma_start3A_91] : memref<32x640xi32, #tpu.memory_space<hbm>> -> memref<1x640xi32, #tpu.memory_space<hbm>>
      %dma_start3A_93 = tpu.memref_squeeze %dma_start3A_92 : memref<1x640xi32, #tpu.memory_space<hbm>> -> memref<640xi32, #tpu.memory_space<hbm>>
      tpu.enqueue_dma source(%dma_start3A_93 : memref<640xi32, #tpu.memory_space<hbm>>) target(%arg6 : memref<640xi32, #tpu.memory_space<vmem>>) target_semaphore(%run_scoped3A : memref<!tpu.dma_semaphore, #tpu.memory_space<semaphore_mem>>)
      %dma_wait3A_94 = arith.constant 0 : i32
      %dma_wait3A_95 = tpu.memref_slice %arg2[%add3A, %dma_wait3A_94] : memref<32x640xi32, #tpu.memory_space<hbm>> -> memref<1x640xi32, #tpu.memory_space<hbm>>
      %dma_wait3A_96 = tpu.memref_squeeze %dma_wait3A_95 : memref<1x640xi32, #tpu.memory_space<hbm>> -> memref<640xi32, #tpu.memory_space<hbm>>
      %dma_wait3A_97 = arith.constant 0 : i32
      %dma_wait3A_98 = tpu.memref_slice %arg2[%add3A, %dma_wait3A_97] : memref<32x640xi32, #tpu.memory_space<hbm>> -> memref<1x640xi32, #tpu.memory_space<hbm>>
      %dma_wait3A_99 = tpu.memref_squeeze %dma_wait3A_98 : memref<1x640xi32, #tpu.memory_space<hbm>> -> memref<640xi32, #tpu.memory_space<hbm>>
      tpu.wait_dma2 semaphore(%run_scoped3A : memref<!tpu.dma_semaphore, #tpu.memory_space<semaphore_mem>>) src(%dma_wait3A_99 : memref<640xi32, #tpu.memory_space<hbm>>) dst(%arg6 : memref<640xi32, #tpu.memory_space<vmem>>)
      tpu.yield
    }) : () -> ()
    "tpu.region"() ({
      %run_scoped3A = tpu.sem_alloc : memref<!tpu.dma_semaphore, #tpu.memory_space<semaphore_mem>>
      %dma_start3A_88 = arith.constant 0 : i32
      %dma_start3A_89 = arith.constant 0 : i32
      %dma_start3A_90 = tpu.memref_slice %arg4[%add3A, %dma_start3A_88, %dma_start3A_89] : memref<32x640x16xf32, #tpu.memory_space<hbm>> -> memref<1x640x16xf32, #tpu.memory_space<hbm>>
      %dma_start3A_91 = tpu.memref_squeeze %dma_start3A_90 : memref<1x640x16xf32, #tpu.memory_space<hbm>> -> memref<640x16xf32, #tpu.memory_space<hbm>>
      %dma_start3A_92 = arith.constant 0 : i32
      %dma_start3A_93 = arith.constant 0 : i32
      %dma_start3A_94 = tpu.memref_slice %arg4[%add3A, %dma_start3A_92, %dma_start3A_93] : memref<32x640x16xf32, #tpu.memory_space<hbm>> -> memref<1x640x16xf32, #tpu.memory_space<hbm>>
      %dma_start3A_95 = tpu.memref_squeeze %dma_start3A_94 : memref<1x640x16xf32, #tpu.memory_space<hbm>> -> memref<640x16xf32, #tpu.memory_space<hbm>>
      tpu.enqueue_dma source(%dma_start3A_95 : memref<640x16xf32, #tpu.memory_space<hbm>>) target(%arg8 : memref<640x16xf32, #tpu.memory_space<vmem>>) target_semaphore(%run_scoped3A : memref<!tpu.dma_semaphore, #tpu.memory_space<semaphore_mem>>)
      %dma_wait3A_96 = arith.constant 0 : i32
      %dma_wait3A_97 = arith.constant 0 : i32
      %dma_wait3A_98 = tpu.memref_slice %arg4[%add3A, %dma_wait3A_96, %dma_wait3A_97] : memref<32x640x16xf32, #tpu.memory_space<hbm>> -> memref<1x640x16xf32, #tpu.memory_space<hbm>>
      %dma_wait3A_99 = tpu.memref_squeeze %dma_wait3A_98 : memref<1x640x16xf32, #tpu.memory_space<hbm>> -> memref<640x16xf32, #tpu.memory_space<hbm>>
      %dma_wait3A_100 = arith.constant 0 : i32
      %dma_wait3A_101 = arith.constant 0 : i32
      %dma_wait3A_102 = tpu.memref_slice %arg4[%add3A, %dma_wait3A_100, %dma_wait3A_101] : memref<32x640x16xf32, #tpu.memory_space<hbm>> -> memref<1x640x16xf32, #tpu.memory_space<hbm>>
      %dma_wait3A_103 = tpu.memref_squeeze %dma_wait3A_102 : memref<1x640x16xf32, #tpu.memory_space<hbm>> -> memref<640x16xf32, #tpu.memory_space<hbm>>
      tpu.wait_dma2 semaphore(%run_scoped3A : memref<!tpu.dma_semaphore, #tpu.memory_space<semaphore_mem>>) src(%dma_wait3A_103 : memref<640x16xf32, #tpu.memory_space<hbm>>) dst(%arg8 : memref<640x16xf32, #tpu.memory_space<vmem>>)
      tpu.yield
    }) : () -> ()
    %dma_start3A = arith.constant 0 : i32
    %dma_start3A_1 = arith.constant 0 : i32
    %dma_start3A_2 = tpu.memref_slice %arg7[%dma_start3A, %dma_start3A_1] : memref<640x16xf32, #tpu.memory_space<vmem>> -> memref<128x16xf32, #tpu.memory_space<vmem>>
    %dma_start3A_3 = arith.constant 0 : i32
    %dma_start3A_4 = tpu.memref_slice %arg6[%dma_start3A_3] : memref<640xi32, #tpu.memory_space<vmem>> -> memref<128xi32, #tpu.memory_space<vmem>>
    %dma_start3A_5 = arith.constant 0 : i32
    %dma_start3A_6 = arith.constant 0 : i32
    %dma_start3A_7 = tpu.memref_slice %arg3[%dma_start3A_5, %dma_start3A_6] : memref<20480x16xf32, #tpu.memory_space<hbm>> -> memref<20480x16xf32, #tpu.memory_space<hbm>>
    tpu.enqueue_indirect_dma source(%dma_start3A_7 : memref<20480x16xf32, #tpu.memory_space<hbm>>) target(%dma_start3A_2 : memref<128x16xf32, #tpu.memory_space<vmem>>) offsets(%dma_start3A_4 : memref<128xi32, #tpu.memory_space<vmem>>) semaphore(%arg10 : memref<!tpu.dma_semaphore, #tpu.memory_space<semaphore_mem>>)
    %dma_start3A_8 = arith.constant 128 : i32
    %dma_start3A_9 = arith.constant 0 : i32
    %dma_start3A_10 = tpu.memref_slice %arg7[%dma_start3A_8, %dma_start3A_9] : memref<640x16xf32, #tpu.memory_space<vmem>> -> memref<128x16xf32, #tpu.memory_space<vmem>>
    %dma_start3A_11 = arith.constant 128 : i32
    %dma_start3A_12 = tpu.memref_slice %arg6[%dma_start3A_11] : memref<640xi32, #tpu.memory_space<vmem>> -> memref<128xi32, #tpu.memory_space<vmem>>
    %dma_start3A_13 = arith.constant 0 : i32
    %dma_start3A_14 = arith.constant 0 : i32
    %dma_start3A_15 = tpu.memref_slice %arg3[%dma_start3A_13, %dma_start3A_14] : memref<20480x16xf32, #tpu.memory_space<hbm>> -> memref<20480x16xf32, #tpu.memory_space<hbm>>
    tpu.enqueue_indirect_dma source(%dma_start3A_15 : memref<20480x16xf32, #tpu.memory_space<hbm>>) target(%dma_start3A_10 : memref<128x16xf32, #tpu.memory_space<vmem>>) offsets(%dma_start3A_12 : memref<128xi32, #tpu.memory_space<vmem>>) semaphore(%arg10 : memref<!tpu.dma_semaphore, #tpu.memory_space<semaphore_mem>>)
    %dma_start3A_16 = arith.constant 256 : i32
    %dma_start3A_17 = arith.constant 0 : i32
    %dma_start3A_18 = tpu.memref_slice %arg7[%dma_start3A_16, %dma_start3A_17] : memref<640x16xf32, #tpu.memory_space<vmem>> -> memref<128x16xf32, #tpu.memory_space<vmem>>
    %dma_start3A_19 = arith.constant 256 : i32
    %dma_start3A_20 = tpu.memref_slice %arg6[%dma_start3A_19] : memref<640xi32, #tpu.memory_space<vmem>> -> memref<128xi32, #tpu.memory_space<vmem>>
    %dma_start3A_21 = arith.constant 0 : i32
    %dma_start3A_22 = arith.constant 0 : i32
    %dma_start3A_23 = tpu.memref_slice %arg3[%dma_start3A_21, %dma_start3A_22] : memref<20480x16xf32, #tpu.memory_space<hbm>> -> memref<20480x16xf32, #tpu.memory_space<hbm>>
    tpu.enqueue_indirect_dma source(%dma_start3A_23 : memref<20480x16xf32, #tpu.memory_space<hbm>>) target(%dma_start3A_18 : memref<128x16xf32, #tpu.memory_space<vmem>>) offsets(%dma_start3A_20 : memref<128xi32, #tpu.memory_space<vmem>>) semaphore(%arg10 : memref<!tpu.dma_semaphore, #tpu.memory_space<semaphore_mem>>)
    %dma_start3A_24 = arith.constant 384 : i32
    %dma_start3A_25 = arith.constant 0 : i32
    %dma_start3A_26 = tpu.memref_slice %arg7[%dma_start3A_24, %dma_start3A_25] : memref<640x16xf32, #tpu.memory_space<vmem>> -> memref<128x16xf32, #tpu.memory_space<vmem>>
    %dma_start3A_27 = arith.constant 384 : i32
    %dma_start3A_28 = tpu.memref_slice %arg6[%dma_start3A_27] : memref<640xi32, #tpu.memory_space<vmem>> -> memref<128xi32, #tpu.memory_space<vmem>>
    %dma_start3A_29 = arith.constant 0 : i32
    %dma_start3A_30 = arith.constant 0 : i32
    %dma_start3A_31 = tpu.memref_slice %arg3[%dma_start3A_29, %dma_start3A_30] : memref<20480x16xf32, #tpu.memory_space<hbm>> -> memref<20480x16xf32, #tpu.memory_space<hbm>>
    tpu.enqueue_indirect_dma source(%dma_start3A_31 : memref<20480x16xf32, #tpu.memory_space<hbm>>) target(%dma_start3A_26 : memref<128x16xf32, #tpu.memory_space<vmem>>) offsets(%dma_start3A_28 : memref<128xi32, #tpu.memory_space<vmem>>) semaphore(%arg10 : memref<!tpu.dma_semaphore, #tpu.memory_space<semaphore_mem>>)
    %dma_start3A_32 = arith.constant 512 : i32
    %dma_start3A_33 = arith.constant 0 : i32
    %dma_start3A_34 = tpu.memref_slice %arg7[%dma_start3A_32, %dma_start3A_33] : memref<640x16xf32, #tpu.memory_space<vmem>> -> memref<128x16xf32, #tpu.memory_space<vmem>>
    %dma_start3A_35 = arith.constant 512 : i32
    %dma_start3A_36 = tpu.memref_slice %arg6[%dma_start3A_35] : memref<640xi32, #tpu.memory_space<vmem>> -> memref<128xi32, #tpu.memory_space<vmem>>
    %dma_start3A_37 = arith.constant 0 : i32
    %dma_start3A_38 = arith.constant 0 : i32
    %dma_start3A_39 = tpu.memref_slice %arg3[%dma_start3A_37, %dma_start3A_38] : memref<20480x16xf32, #tpu.memory_space<hbm>> -> memref<20480x16xf32, #tpu.memory_space<hbm>>
    tpu.enqueue_indirect_dma source(%dma_start3A_39 : memref<20480x16xf32, #tpu.memory_space<hbm>>) target(%dma_start3A_34 : memref<128x16xf32, #tpu.memory_space<vmem>>) offsets(%dma_start3A_36 : memref<128xi32, #tpu.memory_space<vmem>>) semaphore(%arg10 : memref<!tpu.dma_semaphore, #tpu.memory_space<semaphore_mem>>)
    %dma_wait3A = arith.constant 0 : i32
    %dma_wait3A_40 = arith.constant 0 : i32
    %dma_wait3A_41 = tpu.memref_slice %arg7[%dma_wait3A, %dma_wait3A_40] : memref<640x16xf32, #tpu.memory_space<vmem>> -> memref<128x16xf32, #tpu.memory_space<vmem>>
    %dma_wait3A_42 = arith.constant 0 : i32
    %dma_wait3A_43 = tpu.memref_slice %arg6[%dma_wait3A_42] : memref<640xi32, #tpu.memory_space<vmem>> -> memref<128xi32, #tpu.memory_space<vmem>>
    %dma_wait3A_44 = arith.constant 0 : i32
    %dma_wait3A_45 = arith.constant 0 : i32
    %dma_wait3A_46 = tpu.memref_slice %arg3[%dma_wait3A_44, %dma_wait3A_45] : memref<20480x16xf32, #tpu.memory_space<hbm>> -> memref<20480x16xf32, #tpu.memory_space<hbm>>
    tpu.wait_indirect_dma semaphore(%arg10 : memref<!tpu.dma_semaphore, #tpu.memory_space<semaphore_mem>>) src(%dma_wait3A_46 : memref<20480x16xf32, #tpu.memory_space<hbm>>) dst(%dma_wait3A_41 : memref<128x16xf32, #tpu.memory_space<vmem>>)
    %dma_wait3A_47 = arith.constant 128 : i32
    %dma_wait3A_48 = arith.constant 0 : i32
    %dma_wait3A_49 = tpu.memref_slice %arg7[%dma_wait3A_47, %dma_wait3A_48] : memref<640x16xf32, #tpu.memory_space<vmem>> -> memref<128x16xf32, #tpu.memory_space<vmem>>
    %dma_wait3A_50 = arith.constant 128 : i32
    %dma_wait3A_51 = tpu.memref_slice %arg6[%dma_wait3A_50] : memref<640xi32, #tpu.memory_space<vmem>> -> memref<128xi32, #tpu.memory_space<vmem>>
    %dma_wait3A_52 = arith.constant 0 : i32
    %dma_wait3A_53 = arith.constant 0 : i32
    %dma_wait3A_54 = tpu.memref_slice %arg3[%dma_wait3A_52, %dma_wait3A_53] : memref<20480x16xf32, #tpu.memory_space<hbm>> -> memref<20480x16xf32, #tpu.memory_space<hbm>>
    tpu.wait_indirect_dma semaphore(%arg10 : memref<!tpu.dma_semaphore, #tpu.memory_space<semaphore_mem>>) src(%dma_wait3A_54 : memref<20480x16xf32, #tpu.memory_space<hbm>>) dst(%dma_wait3A_49 : memref<128x16xf32, #tpu.memory_space<vmem>>)
    %dma_wait3A_55 = arith.constant 256 : i32
    %dma_wait3A_56 = arith.constant 0 : i32
    %dma_wait3A_57 = tpu.memref_slice %arg7[%dma_wait3A_55, %dma_wait3A_56] : memref<640x16xf32, #tpu.memory_space<vmem>> -> memref<128x16xf32, #tpu.memory_space<vmem>>
    %dma_wait3A_58 = arith.constant 256 : i32
    %dma_wait3A_59 = tpu.memref_slice %arg6[%dma_wait3A_58] : memref<640xi32, #tpu.memory_space<vmem>> -> memref<128xi32, #tpu.memory_space<vmem>>
    %dma_wait3A_60 = arith.constant 0 : i32
    %dma_wait3A_61 = arith.constant 0 : i32
    %dma_wait3A_62 = tpu.memref_slice %arg3[%dma_wait3A_60, %dma_wait3A_61] : memref<20480x16xf32, #tpu.memory_space<hbm>> -> memref<20480x16xf32, #tpu.memory_space<hbm>>
    tpu.wait_indirect_dma semaphore(%arg10 : memref<!tpu.dma_semaphore, #tpu.memory_space<semaphore_mem>>) src(%dma_wait3A_62 : memref<20480x16xf32, #tpu.memory_space<hbm>>) dst(%dma_wait3A_57 : memref<128x16xf32, #tpu.memory_space<vmem>>)
    %dma_wait3A_63 = arith.constant 384 : i32
    %dma_wait3A_64 = arith.constant 0 : i32
    %dma_wait3A_65 = tpu.memref_slice %arg7[%dma_wait3A_63, %dma_wait3A_64] : memref<640x16xf32, #tpu.memory_space<vmem>> -> memref<128x16xf32, #tpu.memory_space<vmem>>
    %dma_wait3A_66 = arith.constant 384 : i32
    %dma_wait3A_67 = tpu.memref_slice %arg6[%dma_wait3A_66] : memref<640xi32, #tpu.memory_space<vmem>> -> memref<128xi32, #tpu.memory_space<vmem>>
    %dma_wait3A_68 = arith.constant 0 : i32
    %dma_wait3A_69 = arith.constant 0 : i32
    %dma_wait3A_70 = tpu.memref_slice %arg3[%dma_wait3A_68, %dma_wait3A_69] : memref<20480x16xf32, #tpu.memory_space<hbm>> -> memref<20480x16xf32, #tpu.memory_space<hbm>>
    tpu.wait_indirect_dma semaphore(%arg10 : memref<!tpu.dma_semaphore, #tpu.memory_space<semaphore_mem>>) src(%dma_wait3A_70 : memref<20480x16xf32, #tpu.memory_space<hbm>>) dst(%dma_wait3A_65 : memref<128x16xf32, #tpu.memory_space<vmem>>)
    %dma_wait3A_71 = arith.constant 512 : i32
    %dma_wait3A_72 = arith.constant 0 : i32
    %dma_wait3A_73 = tpu.memref_slice %arg7[%dma_wait3A_71, %dma_wait3A_72] : memref<640x16xf32, #tpu.memory_space<vmem>> -> memref<128x16xf32, #tpu.memory_space<vmem>>
    %dma_wait3A_74 = arith.constant 512 : i32
    %dma_wait3A_75 = tpu.memref_slice %arg6[%dma_wait3A_74] : memref<640xi32, #tpu.memory_space<vmem>> -> memref<128xi32, #tpu.memory_space<vmem>>
    %dma_wait3A_76 = arith.constant 0 : i32
    %dma_wait3A_77 = arith.constant 0 : i32
    %dma_wait3A_78 = tpu.memref_slice %arg3[%dma_wait3A_76, %dma_wait3A_77] : memref<20480x16xf32, #tpu.memory_space<hbm>> -> memref<20480x16xf32, #tpu.memory_space<hbm>>
    tpu.wait_indirect_dma semaphore(%arg10 : memref<!tpu.dma_semaphore, #tpu.memory_space<semaphore_mem>>) src(%dma_wait3A_78 : memref<20480x16xf32, #tpu.memory_space<hbm>>) dst(%dma_wait3A_73 : memref<128x16xf32, #tpu.memory_space<vmem>>)
    %broadcast_in_dim3A = arith.constant 0.000000e+00 : f32
    %broadcast_in_dim3A_79 = vector.broadcast %broadcast_in_dim3A : f32 to vector<16xf32>
    %scan3A = arith.constant 0 : i32
    %scan3A_80 = arith.constant 640 : i32
    %scan3A_81 = arith.addi %scan3A, %scan3A_80 : i32
    %scan3A_82 = arith.constant 1 : i32
    %scan3A_83 = scf.for %scan3A_88 = %scan3A to %scan3A_81 step %scan3A_82 iter_args(%scan3A_89 = %broadcast_in_dim3A_79) -> (vector<16xf32>)  : i32 {
      %get3A = arith.index_cast %scan3A_88 : i32 to index
      %get3A_90 = arith.constant 0 : index
      %get3A_91 = tpu.vector_load %arg7[%get3A, %get3A_90] {strides = array<i32>} : memref<640x16xf32, #tpu.memory_space<vmem>>, vector<1x16xf32>,
      %get3A_92 = vector.shape_cast %get3A_91 : vector<1x16xf32> to vector<16xf32>
      %get3A_93 = arith.index_cast %scan3A_88 : i32 to index
      %get3A_94 = arith.constant 0 : index
      %get3A_95 = tpu.vector_load %arg8[%get3A_93, %get3A_94] {strides = array<i32>} : memref<640x16xf32, #tpu.memory_space<vmem>>, vector<1x16xf32>,
      %get3A_96 = vector.shape_cast %get3A_95 : vector<1x16xf32> to vector<16xf32>
      %sub3A = arith.subf %get3A_92, %get3A_96 : vector<16xf32>
      %mul3A_97 = arith.mulf %sub3A, %sub3A : vector<16xf32>
      %add3A_98 = arith.addf %scan3A_89, %mul3A_97 : vector<16xf32>
      scf.yield %add3A_98 : vector<16xf32>
    }
    %scan3A_84 = arith.constant 640 : i32
    %swap3A = arith.constant 0 : index
    %swap3A_85 = tpu.vector_load %arg9[%swap3A] {strides = array<i32>} : memref<16xf32, #tpu.memory_space<vmem>>, vector<16xf32>,
    %swap3A_86 = vector.shape_cast %swap3A_85 : vector<16xf32> to vector<16xf32>
    %swap3A_87 = vector.shape_cast %scan3A_83 : vector<16xf32> to vector<16xf32>
    tpu.vector_store %arg9[%swap3A], %swap3A_87 {strides = array<i32>} : memref<16xf32, #tpu.memory_space<vmem>>, vector<16xf32>,
    "tpu.region"() ({
      %run_scoped3A = tpu.sem_alloc : memref<!tpu.dma_semaphore, #tpu.memory_space<semaphore_mem>>
      %dma_start3A_88 = arith.constant 0 : i32
      %dma_start3A_89 = tpu.memref_slice %arg5[%add3A, %dma_start3A_88] : memref<32x16xf32, #tpu.memory_space<hbm>> -> memref<1x16xf32, #tpu.memory_space<hbm>>
      %dma_start3A_90 = tpu.memref_squeeze %dma_start3A_89 : memref<1x16xf32, #tpu.memory_space<hbm>> -> memref<16xf32, #tpu.memory_space<hbm>>
      %dma_start3A_91 = arith.constant 0 : i32
      %dma_start3A_92 = tpu.memref_slice %arg5[%add3A, %dma_start3A_91] : memref<32x16xf32, #tpu.memory_space<hbm>> -> memref<1x16xf32, #tpu.memory_space<hbm>>
      %dma_start3A_93 = tpu.memref_squeeze %dma_start3A_92 : memref<1x16xf32, #tpu.memory_space<hbm>> -> memref<16xf32, #tpu.memory_space<hbm>>
      tpu.enqueue_dma source(%arg9 : memref<16xf32, #tpu.memory_space<vmem>>) target(%dma_start3A_93 : memref<16xf32, #tpu.memory_space<hbm>>) target_semaphore(%run_scoped3A : memref<!tpu.dma_semaphore, #tpu.memory_space<semaphore_mem>>)
      %dma_wait3A_94 = arith.constant 0 : i32
      %dma_wait3A_95 = tpu.memref_slice %arg5[%add3A, %dma_wait3A_94] : memref<32x16xf32, #tpu.memory_space<hbm>> -> memref<1x16xf32, #tpu.memory_space<hbm>>
      %dma_wait3A_96 = tpu.memref_squeeze %dma_wait3A_95 : memref<1x16xf32, #tpu.memory_space<hbm>> -> memref<16xf32, #tpu.memory_space<hbm>>
      %dma_wait3A_97 = arith.constant 0 : i32
      %dma_wait3A_98 = tpu.memref_slice %arg5[%add3A, %dma_wait3A_97] : memref<32x16xf32, #tpu.memory_space<hbm>> -> memref<1x16xf32, #tpu.memory_space<hbm>>
      %dma_wait3A_99 = tpu.memref_squeeze %dma_wait3A_98 : memref<1x16xf32, #tpu.memory_space<hbm>> -> memref<16xf32, #tpu.memory_space<hbm>>
      tpu.wait_dma2 semaphore(%run_scoped3A : memref<!tpu.dma_semaphore, #tpu.memory_space<semaphore_mem>>) src(%arg9 : memref<16xf32, #tpu.memory_space<vmem>>) dst(%dma_wait3A_99 : memref<16xf32, #tpu.memory_space<hbm>>)
      tpu.yield
    }) : () -> ()
    return
  }
}

module attributes {stable_mosaic.version = 14 : i64} {
  func.func @_argmin_kernel(%arg0: i32, %arg1: i32, %arg2: memref<1x640x16xf32, #tpu.memory_space<vmem>>, %arg3: memref<1x4x10240xf32, #tpu.memory_space<vmem>>, %arg4: memref<1x1x1x640xi32, #tpu.memory_space<vmem>>) attributes {dimension_semantics = [#tpu.dimension_semantics<arbitrary>, #tpu.dimension_semantics<arbitrary>], iteration_bounds = array<i64: 2, 16>, scalar_prefetch = 0 : i64, scratch_operands = 0 : i64, tpu.core_type = #tpu.core_type<tc>, window_params = [{transform_indices = @transform_0, window_bounds = array<i64: 1, 640, 16>}, {transform_indices = @transform_1, window_bounds = array<i64: 1, 4, 10240>}, {transform_indices = @transform_2, window_bounds = array<i64: 1, 1, 1, 640>}]} {
    %get3A = arith.constant 0 : index
    %get3A_0 = arith.constant 0 : index
    %get3A_1 = arith.constant 0 : index
    %get3A_2 = vector.load %arg2[%get3A, %get3A_0, %get3A_1] : memref<1x640x16xf32, #tpu.memory_space<vmem>>, vector<1x640x16xf32>
    %get3A_3 = vector.shape_cast %get3A_2 : vector<1x640x16xf32> to vector<640x16xf32>
    %slice3A = vector.extract_strided_slice %get3A_3 {offsets = [0, 0], sizes = [640, 3], strides = [1, 1]} : vector<640x16xf32> to vector<640x3xf32>
    %get3A_4 = arith.constant 0 : index
    %get3A_5 = arith.constant 0 : index
    %get3A_6 = arith.constant 0 : index
    %get3A_7 = vector.load %arg3[%get3A_4, %get3A_5, %get3A_6] : memref<1x4x10240xf32, #tpu.memory_space<vmem>>, vector<1x4x10240xf32>
    %get3A_8 = vector.shape_cast %get3A_7 : vector<1x4x10240xf32> to vector<4x10240xf32>
    %slice3A_9 = vector.extract_strided_slice %get3A_8 {offsets = [0, 0], sizes = [3, 10240], strides = [1, 1]} : vector<4x10240xf32> to vector<3x10240xf32>
    %slice3A_10 = vector.extract_strided_slice %get3A_8 {offsets = [3, 0], sizes = [1, 10240], strides = [1, 1]} : vector<4x10240xf32> to vector<1x10240xf32>
    %dot_general3A = arith.constant dense<0.000000e+00> : vector<640x10240xf32>
    %dot_general3A_11 = tpu.matmul %slice3A, %slice3A_9, %dot_general3A {dimension_numbers = #tpu.dot_dimension_numbers<[1], [0], [0], [1], [0, 0, 1, 1], [], []>, transpose_lhs_hint = false} : vector<640x3xf32>, vector<3x10240xf32>, vector<640x10240xf32> -> vector<640x10240xf32>
    %mul3A = arith.constant 2.000000e+00 : f32
    %mul3A_12 = vector.broadcast %mul3A : f32 to vector<640x10240xf32>
    %mul3A_13 = arith.mulf %mul3A_12, %dot_general3A_11 : vector<640x10240xf32>
    %sub3A = vector.broadcast %slice3A_10 : vector<1x10240xf32> to vector<640x10240xf32>
    %sub3A_14 = arith.subf %sub3A, %mul3A_13 : vector<640x10240xf32>
    %argmin3A = tpu.reduce_index %sub3A_14 {axis = 1 : i32, kind = #tpu.reduction_kind<arg_min>} : vector<640x10240xf32> -> vector<640xi32>
    %mul3A_15 = arith.constant 10240 : i32
    %mul3A_16 = arith.muli %arg0, %mul3A_15 : i32
    %add3A = vector.broadcast %mul3A_16 : i32 to vector<640xi32>
    %add3A_17 = arith.addi %argmin3A, %add3A : vector<640xi32>
    %swap3A = arith.constant 0 : index
    %swap3A_18 = arith.constant 0 : index
    %swap3A_19 = arith.constant 0 : index
    %swap3A_20 = arith.constant 0 : index
    %swap3A_21 = vector.load %arg4[%swap3A, %swap3A_18, %swap3A_19, %swap3A_20] : memref<1x1x1x640xi32, #tpu.memory_space<vmem>>, vector<1x1x1x640xi32>
    %swap3A_22 = vector.shape_cast %swap3A_21 : vector<1x1x1x640xi32> to vector<640xi32>
    %swap3A_23 = vector.shape_cast %add3A_17 : vector<640xi32> to vector<1x1x1x640xi32>
    tpu.vector_store %arg4[%swap3A, %swap3A_18, %swap3A_19, %swap3A_20], %swap3A_23 {strides = array<i32>} : memref<1x1x1x640xi32, #tpu.memory_space<vmem>>, vector<1x1x1x640xi32>,
    return
  }
  func.func @transform_0(%arg0: i32, %arg1: i32) -> (i32, i32, i32) {
    %c0_i32 = arith.constant 0 : i32
    %c0_i32_0 = arith.constant 0 : i32
    return %arg0, %arg1, %c0_i32 : i32, i32, i32
  }
  func.func @transform_1(%arg0: i32, %arg1: i32) -> (i32, i32, i32) {
    %c0_i32 = arith.constant 0 : i32
    %c0_i32_0 = arith.constant 0 : i32
    %c0_i32_1 = arith.constant 0 : i32
    return %arg0, %c0_i32, %c0_i32_0 : i32, i32, i32
  }
  func.func @transform_2(%arg0: i32, %arg1: i32) -> (i32, i32, i32, i32) {
    %c0_i32 = arith.constant 0 : i32
    %c0_i32_0 = arith.constant 0 : i32
    %c0_i32_1 = arith.constant 0 : i32
    return %arg0, %arg1, %c0_i32, %c0_i32_0 : i32, i32, i32, i32
  }
}

module attributes {stable_mosaic.version = 14 : i64} {
  func.func @_downsample_kernel(%arg0: i32, %arg1: memref<1x3x400x400xf32, #tpu.memory_space<vmem>>, %arg2: memref<1x3x400x400xf32, #tpu.memory_space<vmem>>, %arg3: memref<1x4x10240xf32, #tpu.memory_space<vmem>>, %arg4: memref<1x10240x16xf32, #tpu.memory_space<vmem>>, %arg5: memref<1x10240x16xf32, #tpu.memory_space<vmem>>) attributes {dimension_semantics = [#tpu.dimension_semantics<arbitrary>], iteration_bounds = array<i64: 2>, scalar_prefetch = 0 : i64, scratch_operands = 0 : i64, tpu.core_type = #tpu.core_type<tc>, window_params = [{transform_indices = @transform_0, window_bounds = array<i64: 1, 3, 400, 400>}, {transform_indices = @transform_1, window_bounds = array<i64: 1, 3, 400, 400>}, {transform_indices = @transform_2, window_bounds = array<i64: 1, 4, 10240>}, {transform_indices = @transform_3, window_bounds = array<i64: 1, 10240, 16>}, {transform_indices = @transform_4, window_bounds = array<i64: 1, 10240, 16>}]} {
    %iota3A = tpu.iota {dimensions = array<i32: 0>} : vector<100x400xi32>
    %iota3A_0 = tpu.iota {dimensions = array<i32: 1>} : vector<100x400xi32>
    %mul3A = arith.constant 4 : i32
    %mul3A_1 = vector.broadcast %mul3A : i32 to vector<100x400xi32>
    %mul3A_2 = arith.muli %mul3A_1, %iota3A : vector<100x400xi32>
    %eq3A = arith.cmpi eq, %iota3A_0, %mul3A_2 : vector<100x400xi32>
    %convert_element_type3A = arith.extui %eq3A : vector<100x400xi1> to vector<100x400xi32>
    %convert_element_type3A_3 = arith.sitofp %convert_element_type3A : vector<100x400xi32> to vector<100x400xf32>
    %iota3A_4 = tpu.iota {dimensions = array<i32: 0>} : vector<400x100xi32>
    %iota3A_5 = tpu.iota {dimensions = array<i32: 1>} : vector<400x100xi32>
    %mul3A_6 = arith.constant 4 : i32
    %mul3A_7 = vector.broadcast %mul3A_6 : i32 to vector<400x100xi32>
    %mul3A_8 = arith.muli %mul3A_7, %iota3A_5 : vector<400x100xi32>
    %eq3A_9 = arith.cmpi eq, %iota3A_4, %mul3A_8 : vector<400x100xi32>
    %convert_element_type3A_10 = arith.extui %eq3A_9 : vector<400x100xi1> to vector<400x100xi32>
    %convert_element_type3A_11 = arith.sitofp %convert_element_type3A_10 : vector<400x100xi32> to vector<400x100xf32>
    %broadcast_in_dim3A = arith.constant 9.99999984E+17 : f32
    %broadcast_in_dim3A_12 = vector.broadcast %broadcast_in_dim3A : f32 to vector<240xf32>
    %get3A = arith.constant 0 : index
    %get3A_13 = arith.constant 0 : index
    %get3A_14 = arith.constant 0 : index
    %get3A_15 = arith.constant 0 : index
    %get3A_16 = vector.load %arg1[%get3A, %get3A_13, %get3A_14, %get3A_15] : memref<1x3x400x400xf32, #tpu.memory_space<vmem>>, vector<1x1x400x400xf32>
    %get3A_17 = vector.shape_cast %get3A_16 : vector<1x1x400x400xf32> to vector<400x400xf32>
    %dot_general3A = arith.constant dense<0.000000e+00> : vector<100x400xf32>
    %dot_general3A_18 = tpu.matmul %convert_element_type3A_3, %get3A_17, %dot_general3A {dimension_numbers = #tpu.dot_dimension_numbers<[1], [0], [0], [1], [0, 0, 1, 1], [], []>, precision = #tpu.contract_precision<fp32>, transpose_lhs_hint = false} : vector<100x400xf32>, vector<400x400xf32>, vector<100x400xf32> -> vector<100x400xf32>
    %dot_general3A_19 = arith.constant dense<0.000000e+00> : vector<100x100xf32>
    %dot_general3A_20 = tpu.matmul %dot_general3A_18, %convert_element_type3A_11, %dot_general3A_19 {dimension_numbers = #tpu.dot_dimension_numbers<[1], [0], [0], [1], [0, 0, 1, 1], [], []>, precision = #tpu.contract_precision<fp32>, transpose_lhs_hint = false} : vector<100x400xf32>, vector<400x100xf32>, vector<100x100xf32> -> vector<100x100xf32>
    %slice3A = vector.extract_strided_slice %dot_general3A_20 {offsets = [0, 0], sizes = [1, 100], strides = [1, 1]} : vector<100x100xf32> to vector<1x100xf32>
    %squeeze3A = vector.shape_cast %slice3A : vector<1x100xf32> to vector<100xf32>
    %slice3A_21 = vector.extract_strided_slice %dot_general3A_20 {offsets = [1, 0], sizes = [1, 100], strides = [1, 1]} : vector<100x100xf32> to vector<1x100xf32>
    %squeeze3A_22 = vector.shape_cast %slice3A_21 : vector<1x100xf32> to vector<100xf32>
    %slice3A_23 = vector.extract_strided_slice %dot_general3A_20 {offsets = [2, 0], sizes = [1, 100], strides = [1, 1]} : vector<100x100xf32> to vector<1x100xf32>
    %squeeze3A_24 = vector.shape_cast %slice3A_23 : vector<1x100xf32> to vector<100xf32>
    %slice3A_25 = vector.extract_strided_slice %dot_general3A_20 {offsets = [3, 0], sizes = [1, 100], strides = [1, 1]} : vector<100x100xf32> to vector<1x100xf32>
    %squeeze3A_26 = vector.shape_cast %slice3A_25 : vector<1x100xf32> to vector<100xf32>
    %slice3A_27 = vector.extract_strided_slice %dot_general3A_20 {offsets = [4, 0], sizes = [1, 100], strides = [1, 1]} : vector<100x100xf32> to vector<1x100xf32>
    %squeeze3A_28 = vector.shape_cast %slice3A_27 : vector<1x100xf32> to vector<100xf32>
    %slice3A_29 = vector.extract_strided_slice %dot_general3A_20 {offsets = [5, 0], sizes = [1, 100], strides = [1, 1]} : vector<100x100xf32> to vector<1x100xf32>
    %squeeze3A_30 = vector.shape_cast %slice3A_29 : vector<1x100xf32> to vector<100xf32>
    %slice3A_31 = vector.extract_strided_slice %dot_general3A_20 {offsets = [6, 0], sizes = [1, 100], strides = [1, 1]} : vector<100x100xf32> to vector<1x100xf32>
    %squeeze3A_32 = vector.shape_cast %slice3A_31 : vector<1x100xf32> to vector<100xf32>
    %slice3A_33 = vector.extract_strided_slice %dot_general3A_20 {offsets = [7, 0], sizes = [1, 100], strides = [1, 1]} : vector<100x100xf32> to vector<1x100xf32>
    %squeeze3A_34 = vector.shape_cast %slice3A_33 : vector<1x100xf32> to vector<100xf32>
    %slice3A_35 = vector.extract_strided_slice %dot_general3A_20 {offsets = [8, 0], sizes = [1, 100], strides = [1, 1]} : vector<100x100xf32> to vector<1x100xf32>
    %squeeze3A_36 = vector.shape_cast %slice3A_35 : vector<1x100xf32> to vector<100xf32>
    %slice3A_37 = vector.extract_strided_slice %dot_general3A_20 {offsets = [9, 0], sizes = [1, 100], strides = [1, 1]} : vector<100x100xf32> to vector<1x100xf32>
    %squeeze3A_38 = vector.shape_cast %slice3A_37 : vector<1x100xf32> to vector<100xf32>
    %slice3A_39 = vector.extract_strided_slice %dot_general3A_20 {offsets = [10, 0], sizes = [1, 100], strides = [1, 1]} : vector<100x100xf32> to vector<1x100xf32>
    %squeeze3A_40 = vector.shape_cast %slice3A_39 : vector<1x100xf32> to vector<100xf32>
    %slice3A_41 = vector.extract_strided_slice %dot_general3A_20 {offsets = [11, 0], sizes = [1, 100], strides = [1, 1]} : vector<100x100xf32> to vector<1x100xf32>
    %squeeze3A_42 = vector.shape_cast %slice3A_41 : vector<1x100xf32> to vector<100xf32>
    %slice3A_43 = vector.extract_strided_slice %dot_general3A_20 {offsets = [12, 0], sizes = [1, 100], strides = [1, 1]} : vector<100x100xf32> to vector<1x100xf32>
    %squeeze3A_44 = vector.shape_cast %slice3A_43 : vector<1x100xf32> to vector<100xf32>
    %slice3A_45 = vector.extract_strided_slice %dot_general3A_20 {offsets = [13, 0], sizes = [1, 100], strides = [1, 1]} : vector<100x100xf32> to vector<1x100xf32>
    %squeeze3A_46 = vector.shape_cast %slice3A_45 : vector<1x100xf32> to vector<100xf32>
    %slice3A_47 = vector.extract_strided_slice %dot_general3A_20 {offsets = [14, 0], sizes = [1, 100], strides = [1, 1]} : vector<100x100xf32> to vector<1x100xf32>
    %squeeze3A_48 = vector.shape_cast %slice3A_47 : vector<1x100xf32> to vector<100xf32>
    %slice3A_49 = vector.extract_strided_slice %dot_general3A_20 {offsets = [15, 0], sizes = [1, 100], strides = [1, 1]} : vector<100x100xf32> to vector<1x100xf32>
    %squeeze3A_50 = vector.shape_cast %slice3A_49 : vector<1x100xf32> to vector<100xf32>
    %slice3A_51 = vector.extract_strided_slice %dot_general3A_20 {offsets = [16, 0], sizes = [1, 100], strides = [1, 1]} : vector<100x100xf32> to vector<1x100xf32>
    %squeeze3A_52 = vector.shape_cast %slice3A_51 : vector<1x100xf32> to vector<100xf32>
    %slice3A_53 = vector.extract_strided_slice %dot_general3A_20 {offsets = [17, 0], sizes = [1, 100], strides = [1, 1]} : vector<100x100xf32> to vector<1x100xf32>
    %squeeze3A_54 = vector.shape_cast %slice3A_53 : vector<1x100xf32> to vector<100xf32>
    %slice3A_55 = vector.extract_strided_slice %dot_general3A_20 {offsets = [18, 0], sizes = [1, 100], strides = [1, 1]} : vector<100x100xf32> to vector<1x100xf32>
    %squeeze3A_56 = vector.shape_cast %slice3A_55 : vector<1x100xf32> to vector<100xf32>
    %slice3A_57 = vector.extract_strided_slice %dot_general3A_20 {offsets = [19, 0], sizes = [1, 100], strides = [1, 1]} : vector<100x100xf32> to vector<1x100xf32>
    %squeeze3A_58 = vector.shape_cast %slice3A_57 : vector<1x100xf32> to vector<100xf32>
    %slice3A_59 = vector.extract_strided_slice %dot_general3A_20 {offsets = [20, 0], sizes = [1, 100], strides = [1, 1]} : vector<100x100xf32> to vector<1x100xf32>
    %squeeze3A_60 = vector.shape_cast %slice3A_59 : vector<1x100xf32> to vector<100xf32>
    %slice3A_61 = vector.extract_strided_slice %dot_general3A_20 {offsets = [21, 0], sizes = [1, 100], strides = [1, 1]} : vector<100x100xf32> to vector<1x100xf32>
    %squeeze3A_62 = vector.shape_cast %slice3A_61 : vector<1x100xf32> to vector<100xf32>
    %slice3A_63 = vector.extract_strided_slice %dot_general3A_20 {offsets = [22, 0], sizes = [1, 100], strides = [1, 1]} : vector<100x100xf32> to vector<1x100xf32>
    %squeeze3A_64 = vector.shape_cast %slice3A_63 : vector<1x100xf32> to vector<100xf32>
    %slice3A_65 = vector.extract_strided_slice %dot_general3A_20 {offsets = [23, 0], sizes = [1, 100], strides = [1, 1]} : vector<100x100xf32> to vector<1x100xf32>
    %squeeze3A_66 = vector.shape_cast %slice3A_65 : vector<1x100xf32> to vector<100xf32>
    %slice3A_67 = vector.extract_strided_slice %dot_general3A_20 {offsets = [24, 0], sizes = [1, 100], strides = [1, 1]} : vector<100x100xf32> to vector<1x100xf32>
    %squeeze3A_68 = vector.shape_cast %slice3A_67 : vector<1x100xf32> to vector<100xf32>
    %slice3A_69 = vector.extract_strided_slice %dot_general3A_20 {offsets = [25, 0], sizes = [1, 100], strides = [1, 1]} : vector<100x100xf32> to vector<1x100xf32>
    %squeeze3A_70 = vector.shape_cast %slice3A_69 : vector<1x100xf32> to vector<100xf32>
    %slice3A_71 = vector.extract_strided_slice %dot_general3A_20 {offsets = [26, 0], sizes = [1, 100], strides = [1, 1]} : vector<100x100xf32> to vector<1x100xf32>
    %squeeze3A_72 = vector.shape_cast %slice3A_71 : vector<1x100xf32> to vector<100xf32>
    %slice3A_73 = vector.extract_strided_slice %dot_general3A_20 {offsets = [27, 0], sizes = [1, 100], strides = [1, 1]} : vector<100x100xf32> to vector<1x100xf32>
    %squeeze3A_74 = vector.shape_cast %slice3A_73 : vector<1x100xf32> to vector<100xf32>
    %slice3A_75 = vector.extract_strided_slice %dot_general3A_20 {offsets = [28, 0], sizes = [1, 100], strides = [1, 1]} : vector<100x100xf32> to vector<1x100xf32>
    %squeeze3A_76 = vector.shape_cast %slice3A_75 : vector<1x100xf32> to vector<100xf32>
    %slice3A_77 = vector.extract_strided_slice %dot_general3A_20 {offsets = [29, 0], sizes = [1, 100], strides = [1, 1]} : vector<100x100xf32> to vector<1x100xf32>
    %squeeze3A_78 = vector.shape_cast %slice3A_77 : vector<1x100xf32> to vector<100xf32>
    %slice3A_79 = vector.extract_strided_slice %dot_general3A_20 {offsets = [30, 0], sizes = [1, 100], strides = [1, 1]} : vector<100x100xf32> to vector<1x100xf32>
    %squeeze3A_80 = vector.shape_cast %slice3A_79 : vector<1x100xf32> to vector<100xf32>
    %slice3A_81 = vector.extract_strided_slice %dot_general3A_20 {offsets = [31, 0], sizes = [1, 100], strides = [1, 1]} : vector<100x100xf32> to vector<1x100xf32>
    %squeeze3A_82 = vector.shape_cast %slice3A_81 : vector<1x100xf32> to vector<100xf32>
    %slice3A_83 = vector.extract_strided_slice %dot_general3A_20 {offsets = [32, 0], sizes = [1, 100], strides = [1, 1]} : vector<100x100xf32> to vector<1x100xf32>
    %squeeze3A_84 = vector.shape_cast %slice3A_83 : vector<1x100xf32> to vector<100xf32>
    %slice3A_85 = vector.extract_strided_slice %dot_general3A_20 {offsets = [33, 0], sizes = [1, 100], strides = [1, 1]} : vector<100x100xf32> to vector<1x100xf32>
    %squeeze3A_86 = vector.shape_cast %slice3A_85 : vector<1x100xf32> to vector<100xf32>
    %slice3A_87 = vector.extract_strided_slice %dot_general3A_20 {offsets = [34, 0], sizes = [1, 100], strides = [1, 1]} : vector<100x100xf32> to vector<1x100xf32>
    %squeeze3A_88 = vector.shape_cast %slice3A_87 : vector<1x100xf32> to vector<100xf32>
    %slice3A_89 = vector.extract_strided_slice %dot_general3A_20 {offsets = [35, 0], sizes = [1, 100], strides = [1, 1]} : vector<100x100xf32> to vector<1x100xf32>
    %squeeze3A_90 = vector.shape_cast %slice3A_89 : vector<1x100xf32> to vector<100xf32>
    %slice3A_91 = vector.extract_strided_slice %dot_general3A_20 {offsets = [36, 0], sizes = [1, 100], strides = [1, 1]} : vector<100x100xf32> to vector<1x100xf32>
    %squeeze3A_92 = vector.shape_cast %slice3A_91 : vector<1x100xf32> to vector<100xf32>
    %slice3A_93 = vector.extract_strided_slice %dot_general3A_20 {offsets = [37, 0], sizes = [1, 100], strides = [1, 1]} : vector<100x100xf32> to vector<1x100xf32>
    %squeeze3A_94 = vector.shape_cast %slice3A_93 : vector<1x100xf32> to vector<100xf32>
    %slice3A_95 = vector.extract_strided_slice %dot_general3A_20 {offsets = [38, 0], sizes = [1, 100], strides = [1, 1]} : vector<100x100xf32> to vector<1x100xf32>
    %squeeze3A_96 = vector.shape_cast %slice3A_95 : vector<1x100xf32> to vector<100xf32>
    %slice3A_97 = vector.extract_strided_slice %dot_general3A_20 {offsets = [39, 0], sizes = [1, 100], strides = [1, 1]} : vector<100x100xf32> to vector<1x100xf32>
    %squeeze3A_98 = vector.shape_cast %slice3A_97 : vector<1x100xf32> to vector<100xf32>
    %slice3A_99 = vector.extract_strided_slice %dot_general3A_20 {offsets = [40, 0], sizes = [1, 100], strides = [1, 1]} : vector<100x100xf32> to vector<1x100xf32>
    %squeeze3A_100 = vector.shape_cast %slice3A_99 : vector<1x100xf32> to vector<100xf32>
    %slice3A_101 = vector.extract_strided_slice %dot_general3A_20 {offsets = [41, 0], sizes = [1, 100], strides = [1, 1]} : vector<100x100xf32> to vector<1x100xf32>
    %squeeze3A_102 = vector.shape_cast %slice3A_101 : vector<1x100xf32> to vector<100xf32>
    %slice3A_103 = vector.extract_strided_slice %dot_general3A_20 {offsets = [42, 0], sizes = [1, 100], strides = [1, 1]} : vector<100x100xf32> to vector<1x100xf32>
    %squeeze3A_104 = vector.shape_cast %slice3A_103 : vector<1x100xf32> to vector<100xf32>
    %slice3A_105 = vector.extract_strided_slice %dot_general3A_20 {offsets = [43, 0], sizes = [1, 100], strides = [1, 1]} : vector<100x100xf32> to vector<1x100xf32>
    %squeeze3A_106 = vector.shape_cast %slice3A_105 : vector<1x100xf32> to vector<100xf32>
    %slice3A_107 = vector.extract_strided_slice %dot_general3A_20 {offsets = [44, 0], sizes = [1, 100], strides = [1, 1]} : vector<100x100xf32> to vector<1x100xf32>
    %squeeze3A_108 = vector.shape_cast %slice3A_107 : vector<1x100xf32> to vector<100xf32>
    %slice3A_109 = vector.extract_strided_slice %dot_general3A_20 {offsets = [45, 0], sizes = [1, 100], strides = [1, 1]} : vector<100x100xf32> to vector<1x100xf32>
    %squeeze3A_110 = vector.shape_cast %slice3A_109 : vector<1x100xf32> to vector<100xf32>
    %slice3A_111 = vector.extract_strided_slice %dot_general3A_20 {offsets = [46, 0], sizes = [1, 100], strides = [1, 1]} : vector<100x100xf32> to vector<1x100xf32>
    %squeeze3A_112 = vector.shape_cast %slice3A_111 : vector<1x100xf32> to vector<100xf32>
    %slice3A_113 = vector.extract_strided_slice %dot_general3A_20 {offsets = [47, 0], sizes = [1, 100], strides = [1, 1]} : vector<100x100xf32> to vector<1x100xf32>
    %squeeze3A_114 = vector.shape_cast %slice3A_113 : vector<1x100xf32> to vector<100xf32>
    %slice3A_115 = vector.extract_strided_slice %dot_general3A_20 {offsets = [48, 0], sizes = [1, 100], strides = [1, 1]} : vector<100x100xf32> to vector<1x100xf32>
    %squeeze3A_116 = vector.shape_cast %slice3A_115 : vector<1x100xf32> to vector<100xf32>
    %slice3A_117 = vector.extract_strided_slice %dot_general3A_20 {offsets = [49, 0], sizes = [1, 100], strides = [1, 1]} : vector<100x100xf32> to vector<1x100xf32>
    %squeeze3A_118 = vector.shape_cast %slice3A_117 : vector<1x100xf32> to vector<100xf32>
    %slice3A_119 = vector.extract_strided_slice %dot_general3A_20 {offsets = [50, 0], sizes = [1, 100], strides = [1, 1]} : vector<100x100xf32> to vector<1x100xf32>
    %squeeze3A_120 = vector.shape_cast %slice3A_119 : vector<1x100xf32> to vector<100xf32>
    %slice3A_121 = vector.extract_strided_slice %dot_general3A_20 {offsets = [51, 0], sizes = [1, 100], strides = [1, 1]} : vector<100x100xf32> to vector<1x100xf32>
    %squeeze3A_122 = vector.shape_cast %slice3A_121 : vector<1x100xf32> to vector<100xf32>
    %slice3A_123 = vector.extract_strided_slice %dot_general3A_20 {offsets = [52, 0], sizes = [1, 100], strides = [1, 1]} : vector<100x100xf32> to vector<1x100xf32>
    %squeeze3A_124 = vector.shape_cast %slice3A_123 : vector<1x100xf32> to vector<100xf32>
    %slice3A_125 = vector.extract_strided_slice %dot_general3A_20 {offsets = [53, 0], sizes = [1, 100], strides = [1, 1]} : vector<100x100xf32> to vector<1x100xf32>
    %squeeze3A_126 = vector.shape_cast %slice3A_125 : vector<1x100xf32> to vector<100xf32>
    %slice3A_127 = vector.extract_strided_slice %dot_general3A_20 {offsets = [54, 0], sizes = [1, 100], strides = [1, 1]} : vector<100x100xf32> to vector<1x100xf32>
    %squeeze3A_128 = vector.shape_cast %slice3A_127 : vector<1x100xf32> to vector<100xf32>
    %slice3A_129 = vector.extract_strided_slice %dot_general3A_20 {offsets = [55, 0], sizes = [1, 100], strides = [1, 1]} : vector<100x100xf32> to vector<1x100xf32>
    %squeeze3A_130 = vector.shape_cast %slice3A_129 : vector<1x100xf32> to vector<100xf32>
    %slice3A_131 = vector.extract_strided_slice %dot_general3A_20 {offsets = [56, 0], sizes = [1, 100], strides = [1, 1]} : vector<100x100xf32> to vector<1x100xf32>
    %squeeze3A_132 = vector.shape_cast %slice3A_131 : vector<1x100xf32> to vector<100xf32>
    %slice3A_133 = vector.extract_strided_slice %dot_general3A_20 {offsets = [57, 0], sizes = [1, 100], strides = [1, 1]} : vector<100x100xf32> to vector<1x100xf32>
    %squeeze3A_134 = vector.shape_cast %slice3A_133 : vector<1x100xf32> to vector<100xf32>
    %slice3A_135 = vector.extract_strided_slice %dot_general3A_20 {offsets = [58, 0], sizes = [1, 100], strides = [1, 1]} : vector<100x100xf32> to vector<1x100xf32>
    %squeeze3A_136 = vector.shape_cast %slice3A_135 : vector<1x100xf32> to vector<100xf32>
    %slice3A_137 = vector.extract_strided_slice %dot_general3A_20 {offsets = [59, 0], sizes = [1, 100], strides = [1, 1]} : vector<100x100xf32> to vector<1x100xf32>
    %squeeze3A_138 = vector.shape_cast %slice3A_137 : vector<1x100xf32> to vector<100xf32>
    %slice3A_139 = vector.extract_strided_slice %dot_general3A_20 {offsets = [60, 0], sizes = [1, 100], strides = [1, 1]} : vector<100x100xf32> to vector<1x100xf32>
    %squeeze3A_140 = vector.shape_cast %slice3A_139 : vector<1x100xf32> to vector<100xf32>
    %slice3A_141 = vector.extract_strided_slice %dot_general3A_20 {offsets = [61, 0], sizes = [1, 100], strides = [1, 1]} : vector<100x100xf32> to vector<1x100xf32>
    %squeeze3A_142 = vector.shape_cast %slice3A_141 : vector<1x100xf32> to vector<100xf32>
    %slice3A_143 = vector.extract_strided_slice %dot_general3A_20 {offsets = [62, 0], sizes = [1, 100], strides = [1, 1]} : vector<100x100xf32> to vector<1x100xf32>
    %squeeze3A_144 = vector.shape_cast %slice3A_143 : vector<1x100xf32> to vector<100xf32>
    %slice3A_145 = vector.extract_strided_slice %dot_general3A_20 {offsets = [63, 0], sizes = [1, 100], strides = [1, 1]} : vector<100x100xf32> to vector<1x100xf32>
    %squeeze3A_146 = vector.shape_cast %slice3A_145 : vector<1x100xf32> to vector<100xf32>
    %slice3A_147 = vector.extract_strided_slice %dot_general3A_20 {offsets = [64, 0], sizes = [1, 100], strides = [1, 1]} : vector<100x100xf32> to vector<1x100xf32>
    %squeeze3A_148 = vector.shape_cast %slice3A_147 : vector<1x100xf32> to vector<100xf32>
    %slice3A_149 = vector.extract_strided_slice %dot_general3A_20 {offsets = [65, 0], sizes = [1, 100], strides = [1, 1]} : vector<100x100xf32> to vector<1x100xf32>
    %squeeze3A_150 = vector.shape_cast %slice3A_149 : vector<1x100xf32> to vector<100xf32>
    %slice3A_151 = vector.extract_strided_slice %dot_general3A_20 {offsets = [66, 0], sizes = [1, 100], strides = [1, 1]} : vector<100x100xf32> to vector<1x100xf32>
    %squeeze3A_152 = vector.shape_cast %slice3A_151 : vector<1x100xf32> to vector<100xf32>
    %slice3A_153 = vector.extract_strided_slice %dot_general3A_20 {offsets = [67, 0], sizes = [1, 100], strides = [1, 1]} : vector<100x100xf32> to vector<1x100xf32>
    %squeeze3A_154 = vector.shape_cast %slice3A_153 : vector<1x100xf32> to vector<100xf32>
    %slice3A_155 = vector.extract_strided_slice %dot_general3A_20 {offsets = [68, 0], sizes = [1, 100], strides = [1, 1]} : vector<100x100xf32> to vector<1x100xf32>
    %squeeze3A_156 = vector.shape_cast %slice3A_155 : vector<1x100xf32> to vector<100xf32>
    %slice3A_157 = vector.extract_strided_slice %dot_general3A_20 {offsets = [69, 0], sizes = [1, 100], strides = [1, 1]} : vector<100x100xf32> to vector<1x100xf32>
    %squeeze3A_158 = vector.shape_cast %slice3A_157 : vector<1x100xf32> to vector<100xf32>
    %slice3A_159 = vector.extract_strided_slice %dot_general3A_20 {offsets = [70, 0], sizes = [1, 100], strides = [1, 1]} : vector<100x100xf32> to vector<1x100xf32>
    %squeeze3A_160 = vector.shape_cast %slice3A_159 : vector<1x100xf32> to vector<100xf32>
    %slice3A_161 = vector.extract_strided_slice %dot_general3A_20 {offsets = [71, 0], sizes = [1, 100], strides = [1, 1]} : vector<100x100xf32> to vector<1x100xf32>
    %squeeze3A_162 = vector.shape_cast %slice3A_161 : vector<1x100xf32> to vector<100xf32>
    %slice3A_163 = vector.extract_strided_slice %dot_general3A_20 {offsets = [72, 0], sizes = [1, 100], strides = [1, 1]} : vector<100x100xf32> to vector<1x100xf32>
    %squeeze3A_164 = vector.shape_cast %slice3A_163 : vector<1x100xf32> to vector<100xf32>
    %slice3A_165 = vector.extract_strided_slice %dot_general3A_20 {offsets = [73, 0], sizes = [1, 100], strides = [1, 1]} : vector<100x100xf32> to vector<1x100xf32>
    %squeeze3A_166 = vector.shape_cast %slice3A_165 : vector<1x100xf32> to vector<100xf32>
    %slice3A_167 = vector.extract_strided_slice %dot_general3A_20 {offsets = [74, 0], sizes = [1, 100], strides = [1, 1]} : vector<100x100xf32> to vector<1x100xf32>
    %squeeze3A_168 = vector.shape_cast %slice3A_167 : vector<1x100xf32> to vector<100xf32>
    %slice3A_169 = vector.extract_strided_slice %dot_general3A_20 {offsets = [75, 0], sizes = [1, 100], strides = [1, 1]} : vector<100x100xf32> to vector<1x100xf32>
    %squeeze3A_170 = vector.shape_cast %slice3A_169 : vector<1x100xf32> to vector<100xf32>
    %slice3A_171 = vector.extract_strided_slice %dot_general3A_20 {offsets = [76, 0], sizes = [1, 100], strides = [1, 1]} : vector<100x100xf32> to vector<1x100xf32>
    %squeeze3A_172 = vector.shape_cast %slice3A_171 : vector<1x100xf32> to vector<100xf32>
    %slice3A_173 = vector.extract_strided_slice %dot_general3A_20 {offsets = [77, 0], sizes = [1, 100], strides = [1, 1]} : vector<100x100xf32> to vector<1x100xf32>
    %squeeze3A_174 = vector.shape_cast %slice3A_173 : vector<1x100xf32> to vector<100xf32>
    %slice3A_175 = vector.extract_strided_slice %dot_general3A_20 {offsets = [78, 0], sizes = [1, 100], strides = [1, 1]} : vector<100x100xf32> to vector<1x100xf32>
    %squeeze3A_176 = vector.shape_cast %slice3A_175 : vector<1x100xf32> to vector<100xf32>
    %slice3A_177 = vector.extract_strided_slice %dot_general3A_20 {offsets = [79, 0], sizes = [1, 100], strides = [1, 1]} : vector<100x100xf32> to vector<1x100xf32>
    %squeeze3A_178 = vector.shape_cast %slice3A_177 : vector<1x100xf32> to vector<100xf32>
    %slice3A_179 = vector.extract_strided_slice %dot_general3A_20 {offsets = [80, 0], sizes = [1, 100], strides = [1, 1]} : vector<100x100xf32> to vector<1x100xf32>
    %squeeze3A_180 = vector.shape_cast %slice3A_179 : vector<1x100xf32> to vector<100xf32>
    %slice3A_181 = vector.extract_strided_slice %dot_general3A_20 {offsets = [81, 0], sizes = [1, 100], strides = [1, 1]} : vector<100x100xf32> to vector<1x100xf32>
    %squeeze3A_182 = vector.shape_cast %slice3A_181 : vector<1x100xf32> to vector<100xf32>
    %slice3A_183 = vector.extract_strided_slice %dot_general3A_20 {offsets = [82, 0], sizes = [1, 100], strides = [1, 1]} : vector<100x100xf32> to vector<1x100xf32>
    %squeeze3A_184 = vector.shape_cast %slice3A_183 : vector<1x100xf32> to vector<100xf32>
    %slice3A_185 = vector.extract_strided_slice %dot_general3A_20 {offsets = [83, 0], sizes = [1, 100], strides = [1, 1]} : vector<100x100xf32> to vector<1x100xf32>
    %squeeze3A_186 = vector.shape_cast %slice3A_185 : vector<1x100xf32> to vector<100xf32>
    %slice3A_187 = vector.extract_strided_slice %dot_general3A_20 {offsets = [84, 0], sizes = [1, 100], strides = [1, 1]} : vector<100x100xf32> to vector<1x100xf32>
    %squeeze3A_188 = vector.shape_cast %slice3A_187 : vector<1x100xf32> to vector<100xf32>
    %slice3A_189 = vector.extract_strided_slice %dot_general3A_20 {offsets = [85, 0], sizes = [1, 100], strides = [1, 1]} : vector<100x100xf32> to vector<1x100xf32>
    %squeeze3A_190 = vector.shape_cast %slice3A_189 : vector<1x100xf32> to vector<100xf32>
    %slice3A_191 = vector.extract_strided_slice %dot_general3A_20 {offsets = [86, 0], sizes = [1, 100], strides = [1, 1]} : vector<100x100xf32> to vector<1x100xf32>
    %squeeze3A_192 = vector.shape_cast %slice3A_191 : vector<1x100xf32> to vector<100xf32>
    %slice3A_193 = vector.extract_strided_slice %dot_general3A_20 {offsets = [87, 0], sizes = [1, 100], strides = [1, 1]} : vector<100x100xf32> to vector<1x100xf32>
    %squeeze3A_194 = vector.shape_cast %slice3A_193 : vector<1x100xf32> to vector<100xf32>
    %slice3A_195 = vector.extract_strided_slice %dot_general3A_20 {offsets = [88, 0], sizes = [1, 100], strides = [1, 1]} : vector<100x100xf32> to vector<1x100xf32>
    %squeeze3A_196 = vector.shape_cast %slice3A_195 : vector<1x100xf32> to vector<100xf32>
    %slice3A_197 = vector.extract_strided_slice %dot_general3A_20 {offsets = [89, 0], sizes = [1, 100], strides = [1, 1]} : vector<100x100xf32> to vector<1x100xf32>
    %squeeze3A_198 = vector.shape_cast %slice3A_197 : vector<1x100xf32> to vector<100xf32>
    %slice3A_199 = vector.extract_strided_slice %dot_general3A_20 {offsets = [90, 0], sizes = [1, 100], strides = [1, 1]} : vector<100x100xf32> to vector<1x100xf32>
    %squeeze3A_200 = vector.shape_cast %slice3A_199 : vector<1x100xf32> to vector<100xf32>
    %slice3A_201 = vector.extract_strided_slice %dot_general3A_20 {offsets = [91, 0], sizes = [1, 100], strides = [1, 1]} : vector<100x100xf32> to vector<1x100xf32>
    %squeeze3A_202 = vector.shape_cast %slice3A_201 : vector<1x100xf32> to vector<100xf32>
    %slice3A_203 = vector.extract_strided_slice %dot_general3A_20 {offsets = [92, 0], sizes = [1, 100], strides = [1, 1]} : vector<100x100xf32> to vector<1x100xf32>
    %squeeze3A_204 = vector.shape_cast %slice3A_203 : vector<1x100xf32> to vector<100xf32>
    %slice3A_205 = vector.extract_strided_slice %dot_general3A_20 {offsets = [93, 0], sizes = [1, 100], strides = [1, 1]} : vector<100x100xf32> to vector<1x100xf32>
    %squeeze3A_206 = vector.shape_cast %slice3A_205 : vector<1x100xf32> to vector<100xf32>
    %slice3A_207 = vector.extract_strided_slice %dot_general3A_20 {offsets = [94, 0], sizes = [1, 100], strides = [1, 1]} : vector<100x100xf32> to vector<1x100xf32>
    %squeeze3A_208 = vector.shape_cast %slice3A_207 : vector<1x100xf32> to vector<100xf32>
    %slice3A_209 = vector.extract_strided_slice %dot_general3A_20 {offsets = [95, 0], sizes = [1, 100], strides = [1, 1]} : vector<100x100xf32> to vector<1x100xf32>
    %squeeze3A_210 = vector.shape_cast %slice3A_209 : vector<1x100xf32> to vector<100xf32>
    %slice3A_211 = vector.extract_strided_slice %dot_general3A_20 {offsets = [96, 0], sizes = [1, 100], strides = [1, 1]} : vector<100x100xf32> to vector<1x100xf32>
    %squeeze3A_212 = vector.shape_cast %slice3A_211 : vector<1x100xf32> to vector<100xf32>
    %slice3A_213 = vector.extract_strided_slice %dot_general3A_20 {offsets = [97, 0], sizes = [1, 100], strides = [1, 1]} : vector<100x100xf32> to vector<1x100xf32>
    %squeeze3A_214 = vector.shape_cast %slice3A_213 : vector<1x100xf32> to vector<100xf32>
    %slice3A_215 = vector.extract_strided_slice %dot_general3A_20 {offsets = [98, 0], sizes = [1, 100], strides = [1, 1]} : vector<100x100xf32> to vector<1x100xf32>
    %squeeze3A_216 = vector.shape_cast %slice3A_215 : vector<1x100xf32> to vector<100xf32>
    %slice3A_217 = vector.extract_strided_slice %dot_general3A_20 {offsets = [99, 0], sizes = [1, 100], strides = [1, 1]} : vector<100x100xf32> to vector<1x100xf32>
    %squeeze3A_218 = vector.shape_cast %slice3A_217 : vector<1x100xf32> to vector<100xf32>
    %concatenate3A = tpu.concatenate %squeeze3A, %squeeze3A_22, %squeeze3A_24, %squeeze3A_26, %squeeze3A_28, %squeeze3A_30, %squeeze3A_32, %squeeze3A_34, %squeeze3A_36, %squeeze3A_38, %squeeze3A_40, %squeeze3A_42, %squeeze3A_44, %squeeze3A_46, %squeeze3A_48, %squeeze3A_50, %squeeze3A_52, %squeeze3A_54, %squeeze3A_56, %squeeze3A_58, %squeeze3A_60, %squeeze3A_62, %squeeze3A_64, %squeeze3A_66, %squeeze3A_68, %squeeze3A_70, %squeeze3A_72, %squeeze3A_74, %squeeze3A_76, %squeeze3A_78, %squeeze3A_80, %squeeze3A_82, %squeeze3A_84, %squeeze3A_86, %squeeze3A_88, %squeeze3A_90, %squeeze3A_92, %squeeze3A_94, %squeeze3A_96, %squeeze3A_98, %squeeze3A_100, %squeeze3A_102, %squeeze3A_104, %squeeze3A_106, %squeeze3A_108, %squeeze3A_110, %squeeze3A_112, %squeeze3A_114, %squeeze3A_116, %squeeze3A_118, %squeeze3A_120, %squeeze3A_122, %squeeze3A_124, %squeeze3A_126, %squeeze3A_128, %squeeze3A_130, %squeeze3A_132, %squeeze3A_134, %squeeze3A_136, %squeeze3A_138, %squeeze3A_140, %squeeze3A_142, %squeeze3A_144, %squeeze3A_146, %squeeze3A_148, %squeeze3A_150, %squeeze3A_152, %squeeze3A_154, %squeeze3A_156, %squeeze3A_158, %squeeze3A_160, %squeeze3A_162, %squeeze3A_164, %squeeze3A_166, %squeeze3A_168, %squeeze3A_170, %squeeze3A_172, %squeeze3A_174, %squeeze3A_176, %squeeze3A_178, %squeeze3A_180, %squeeze3A_182, %squeeze3A_184, %squeeze3A_186, %squeeze3A_188, %squeeze3A_190, %squeeze3A_192, %squeeze3A_194, %squeeze3A_196, %squeeze3A_198, %squeeze3A_200, %squeeze3A_202, %squeeze3A_204, %squeeze3A_206, %squeeze3A_208, %squeeze3A_210, %squeeze3A_212, %squeeze3A_214, %squeeze3A_216, %squeeze3A_218, %broadcast_in_dim3A_12 in 0 : vector<100xf32>, vector<100xf32>, vector<100xf32>, vector<100xf32>, vector<100xf32>, vector<100xf32>, vector<100xf32>, vector<100xf32>, vector<100xf32>, vector<100xf32>, vector<100xf32>, vector<100xf32>, vector<100xf32>, vector<100xf32>, vector<100xf32>, vector<100xf32>, vector<100xf32>, vector<100xf32>, vector<100xf32>, vector<100xf32>, vector<100xf32>, vector<100xf32>, vector<100xf32>, vector<100xf32>, vector<100xf32>, vector<100xf32>, vector<100xf32>, vector<100xf32>, vector<100xf32>, vector<100xf32>, vector<100xf32>, vector<100xf32>, vector<100xf32>, vector<100xf32>, vector<100xf32>, vector<100xf32>, vector<100xf32>, vector<100xf32>, vector<100xf32>, vector<100xf32>, vector<100xf32>, vector<100xf32>, vector<100xf32>, vector<100xf32>, vector<100xf32>, vector<100xf32>, vector<100xf32>, vector<100xf32>, vector<100xf32>, vector<100xf32>, vector<100xf32>, vector<100xf32>, vector<100xf32>, vector<100xf32>, vector<100xf32>, vector<100xf32>, vector<100xf32>, vector<100xf32>, vector<100xf32>, vector<100xf32>, vector<100xf32>, vector<100xf32>, vector<100xf32>, vector<100xf32>, vector<100xf32>, vector<100xf32>, vector<100xf32>, vector<100xf32>, vector<100xf32>, vector<100xf32>, vector<100xf32>, vector<100xf32>, vector<100xf32>, vector<100xf32>, vector<100xf32>, vector<100xf32>, vector<100xf32>, vector<100xf32>, vector<100xf32>, vector<100xf32>, vector<100xf32>, vector<100xf32>, vector<100xf32>, vector<100xf32>, vector<100xf32>, vector<100xf32>, vector<100xf32>, vector<100xf32>, vector<100xf32>, vector<100xf32>, vector<100xf32>, vector<100xf32>, vector<100xf32>, vector<100xf32>, vector<100xf32>, vector<100xf32>, vector<100xf32>, vector<100xf32>, vector<100xf32>, vector<100xf32>, vector<240xf32> -> vector<10240xf32>
    %get3A_219 = arith.constant 0 : index
    %get3A_220 = arith.constant 1 : index
    %get3A_221 = arith.constant 0 : index
    %get3A_222 = arith.constant 0 : index
    %get3A_223 = vector.load %arg1[%get3A_219, %get3A_220, %get3A_221, %get3A_222] : memref<1x3x400x400xf32, #tpu.memory_space<vmem>>, vector<1x1x400x400xf32>
    %get3A_224 = vector.shape_cast %get3A_223 : vector<1x1x400x400xf32> to vector<400x400xf32>
    %dot_general3A_225 = arith.constant dense<0.000000e+00> : vector<100x400xf32>
    %dot_general3A_226 = tpu.matmul %convert_element_type3A_3, %get3A_224, %dot_general3A_225 {dimension_numbers = #tpu.dot_dimension_numbers<[1], [0], [0], [1], [0, 0, 1, 1], [], []>, precision = #tpu.contract_precision<fp32>, transpose_lhs_hint = false} : vector<100x400xf32>, vector<400x400xf32>, vector<100x400xf32> -> vector<100x400xf32>
    %dot_general3A_227 = arith.constant dense<0.000000e+00> : vector<100x100xf32>
    %dot_general3A_228 = tpu.matmul %dot_general3A_226, %convert_element_type3A_11, %dot_general3A_227 {dimension_numbers = #tpu.dot_dimension_numbers<[1], [0], [0], [1], [0, 0, 1, 1], [], []>, precision = #tpu.contract_precision<fp32>, transpose_lhs_hint = false} : vector<100x400xf32>, vector<400x100xf32>, vector<100x100xf32> -> vector<100x100xf32>
    %slice3A_229 = vector.extract_strided_slice %dot_general3A_228 {offsets = [0, 0], sizes = [1, 100], strides = [1, 1]} : vector<100x100xf32> to vector<1x100xf32>
    %squeeze3A_230 = vector.shape_cast %slice3A_229 : vector<1x100xf32> to vector<100xf32>
    %slice3A_231 = vector.extract_strided_slice %dot_general3A_228 {offsets = [1, 0], sizes = [1, 100], strides = [1, 1]} : vector<100x100xf32> to vector<1x100xf32>
    %squeeze3A_232 = vector.shape_cast %slice3A_231 : vector<1x100xf32> to vector<100xf32>
    %slice3A_233 = vector.extract_strided_slice %dot_general3A_228 {offsets = [2, 0], sizes = [1, 100], strides = [1, 1]} : vector<100x100xf32> to vector<1x100xf32>
    %squeeze3A_234 = vector.shape_cast %slice3A_233 : vector<1x100xf32> to vector<100xf32>
    %slice3A_235 = vector.extract_strided_slice %dot_general3A_228 {offsets = [3, 0], sizes = [1, 100], strides = [1, 1]} : vector<100x100xf32> to vector<1x100xf32>
    %squeeze3A_236 = vector.shape_cast %slice3A_235 : vector<1x100xf32> to vector<100xf32>
    %slice3A_237 = vector.extract_strided_slice %dot_general3A_228 {offsets = [4, 0], sizes = [1, 100], strides = [1, 1]} : vector<100x100xf32> to vector<1x100xf32>
    %squeeze3A_238 = vector.shape_cast %slice3A_237 : vector<1x100xf32> to vector<100xf32>
    %slice3A_239 = vector.extract_strided_slice %dot_general3A_228 {offsets = [5, 0], sizes = [1, 100], strides = [1, 1]} : vector<100x100xf32> to vector<1x100xf32>
    %squeeze3A_240 = vector.shape_cast %slice3A_239 : vector<1x100xf32> to vector<100xf32>
    %slice3A_241 = vector.extract_strided_slice %dot_general3A_228 {offsets = [6, 0], sizes = [1, 100], strides = [1, 1]} : vector<100x100xf32> to vector<1x100xf32>
    %squeeze3A_242 = vector.shape_cast %slice3A_241 : vector<1x100xf32> to vector<100xf32>
    %slice3A_243 = vector.extract_strided_slice %dot_general3A_228 {offsets = [7, 0], sizes = [1, 100], strides = [1, 1]} : vector<100x100xf32> to vector<1x100xf32>
    %squeeze3A_244 = vector.shape_cast %slice3A_243 : vector<1x100xf32> to vector<100xf32>
    %slice3A_245 = vector.extract_strided_slice %dot_general3A_228 {offsets = [8, 0], sizes = [1, 100], strides = [1, 1]} : vector<100x100xf32> to vector<1x100xf32>
    %squeeze3A_246 = vector.shape_cast %slice3A_245 : vector<1x100xf32> to vector<100xf32>
    %slice3A_247 = vector.extract_strided_slice %dot_general3A_228 {offsets = [9, 0], sizes = [1, 100], strides = [1, 1]} : vector<100x100xf32> to vector<1x100xf32>
    %squeeze3A_248 = vector.shape_cast %slice3A_247 : vector<1x100xf32> to vector<100xf32>
    %slice3A_249 = vector.extract_strided_slice %dot_general3A_228 {offsets = [10, 0], sizes = [1, 100], strides = [1, 1]} : vector<100x100xf32> to vector<1x100xf32>
    %squeeze3A_250 = vector.shape_cast %slice3A_249 : vector<1x100xf32> to vector<100xf32>
    %slice3A_251 = vector.extract_strided_slice %dot_general3A_228 {offsets = [11, 0], sizes = [1, 100], strides = [1, 1]} : vector<100x100xf32> to vector<1x100xf32>
    %squeeze3A_252 = vector.shape_cast %slice3A_251 : vector<1x100xf32> to vector<100xf32>
    %slice3A_253 = vector.extract_strided_slice %dot_general3A_228 {offsets = [12, 0], sizes = [1, 100], strides = [1, 1]} : vector<100x100xf32> to vector<1x100xf32>
    %squeeze3A_254 = vector.shape_cast %slice3A_253 : vector<1x100xf32> to vector<100xf32>
    %slice3A_255 = vector.extract_strided_slice %dot_general3A_228 {offsets = [13, 0], sizes = [1, 100], strides = [1, 1]} : vector<100x100xf32> to vector<1x100xf32>
    %squeeze3A_256 = vector.shape_cast %slice3A_255 : vector<1x100xf32> to vector<100xf32>
    %slice3A_257 = vector.extract_strided_slice %dot_general3A_228 {offsets = [14, 0], sizes = [1, 100], strides = [1, 1]} : vector<100x100xf32> to vector<1x100xf32>
    %squeeze3A_258 = vector.shape_cast %slice3A_257 : vector<1x100xf32> to vector<100xf32>
    %slice3A_259 = vector.extract_strided_slice %dot_general3A_228 {offsets = [15, 0], sizes = [1, 100], strides = [1, 1]} : vector<100x100xf32> to vector<1x100xf32>
    %squeeze3A_260 = vector.shape_cast %slice3A_259 : vector<1x100xf32> to vector<100xf32>
    %slice3A_261 = vector.extract_strided_slice %dot_general3A_228 {offsets = [16, 0], sizes = [1, 100], strides = [1, 1]} : vector<100x100xf32> to vector<1x100xf32>
    %squeeze3A_262 = vector.shape_cast %slice3A_261 : vector<1x100xf32> to vector<100xf32>
    %slice3A_263 = vector.extract_strided_slice %dot_general3A_228 {offsets = [17, 0], sizes = [1, 100], strides = [1, 1]} : vector<100x100xf32> to vector<1x100xf32>
    %squeeze3A_264 = vector.shape_cast %slice3A_263 : vector<1x100xf32> to vector<100xf32>
    %slice3A_265 = vector.extract_strided_slice %dot_general3A_228 {offsets = [18, 0], sizes = [1, 100], strides = [1, 1]} : vector<100x100xf32> to vector<1x100xf32>
    %squeeze3A_266 = vector.shape_cast %slice3A_265 : vector<1x100xf32> to vector<100xf32>
    %slice3A_267 = vector.extract_strided_slice %dot_general3A_228 {offsets = [19, 0], sizes = [1, 100], strides = [1, 1]} : vector<100x100xf32> to vector<1x100xf32>
    %squeeze3A_268 = vector.shape_cast %slice3A_267 : vector<1x100xf32> to vector<100xf32>
    %slice3A_269 = vector.extract_strided_slice %dot_general3A_228 {offsets = [20, 0], sizes = [1, 100], strides = [1, 1]} : vector<100x100xf32> to vector<1x100xf32>
    %squeeze3A_270 = vector.shape_cast %slice3A_269 : vector<1x100xf32> to vector<100xf32>
    %slice3A_271 = vector.extract_strided_slice %dot_general3A_228 {offsets = [21, 0], sizes = [1, 100], strides = [1, 1]} : vector<100x100xf32> to vector<1x100xf32>
    %squeeze3A_272 = vector.shape_cast %slice3A_271 : vector<1x100xf32> to vector<100xf32>
    %slice3A_273 = vector.extract_strided_slice %dot_general3A_228 {offsets = [22, 0], sizes = [1, 100], strides = [1, 1]} : vector<100x100xf32> to vector<1x100xf32>
    %squeeze3A_274 = vector.shape_cast %slice3A_273 : vector<1x100xf32> to vector<100xf32>
    %slice3A_275 = vector.extract_strided_slice %dot_general3A_228 {offsets = [23, 0], sizes = [1, 100], strides = [1, 1]} : vector<100x100xf32> to vector<1x100xf32>
    %squeeze3A_276 = vector.shape_cast %slice3A_275 : vector<1x100xf32> to vector<100xf32>
    %slice3A_277 = vector.extract_strided_slice %dot_general3A_228 {offsets = [24, 0], sizes = [1, 100], strides = [1, 1]} : vector<100x100xf32> to vector<1x100xf32>
    %squeeze3A_278 = vector.shape_cast %slice3A_277 : vector<1x100xf32> to vector<100xf32>
    %slice3A_279 = vector.extract_strided_slice %dot_general3A_228 {offsets = [25, 0], sizes = [1, 100], strides = [1, 1]} : vector<100x100xf32> to vector<1x100xf32>
    %squeeze3A_280 = vector.shape_cast %slice3A_279 : vector<1x100xf32> to vector<100xf32>
    %slice3A_281 = vector.extract_strided_slice %dot_general3A_228 {offsets = [26, 0], sizes = [1, 100], strides = [1, 1]} : vector<100x100xf32> to vector<1x100xf32>
    %squeeze3A_282 = vector.shape_cast %slice3A_281 : vector<1x100xf32> to vector<100xf32>
    %slice3A_283 = vector.extract_strided_slice %dot_general3A_228 {offsets = [27, 0], sizes = [1, 100], strides = [1, 1]} : vector<100x100xf32> to vector<1x100xf32>
    %squeeze3A_284 = vector.shape_cast %slice3A_283 : vector<1x100xf32> to vector<100xf32>
    %slice3A_285 = vector.extract_strided_slice %dot_general3A_228 {offsets = [28, 0], sizes = [1, 100], strides = [1, 1]} : vector<100x100xf32> to vector<1x100xf32>
    %squeeze3A_286 = vector.shape_cast %slice3A_285 : vector<1x100xf32> to vector<100xf32>
    %slice3A_287 = vector.extract_strided_slice %dot_general3A_228 {offsets = [29, 0], sizes = [1, 100], strides = [1, 1]} : vector<100x100xf32> to vector<1x100xf32>
    %squeeze3A_288 = vector.shape_cast %slice3A_287 : vector<1x100xf32> to vector<100xf32>
    %slice3A_289 = vector.extract_strided_slice %dot_general3A_228 {offsets = [30, 0], sizes = [1, 100], strides = [1, 1]} : vector<100x100xf32> to vector<1x100xf32>
    %squeeze3A_290 = vector.shape_cast %slice3A_289 : vector<1x100xf32> to vector<100xf32>
    %slice3A_291 = vector.extract_strided_slice %dot_general3A_228 {offsets = [31, 0], sizes = [1, 100], strides = [1, 1]} : vector<100x100xf32> to vector<1x100xf32>
    %squeeze3A_292 = vector.shape_cast %slice3A_291 : vector<1x100xf32> to vector<100xf32>
    %slice3A_293 = vector.extract_strided_slice %dot_general3A_228 {offsets = [32, 0], sizes = [1, 100], strides = [1, 1]} : vector<100x100xf32> to vector<1x100xf32>
    %squeeze3A_294 = vector.shape_cast %slice3A_293 : vector<1x100xf32> to vector<100xf32>
    %slice3A_295 = vector.extract_strided_slice %dot_general3A_228 {offsets = [33, 0], sizes = [1, 100], strides = [1, 1]} : vector<100x100xf32> to vector<1x100xf32>
    %squeeze3A_296 = vector.shape_cast %slice3A_295 : vector<1x100xf32> to vector<100xf32>
    %slice3A_297 = vector.extract_strided_slice %dot_general3A_228 {offsets = [34, 0], sizes = [1, 100], strides = [1, 1]} : vector<100x100xf32> to vector<1x100xf32>
    %squeeze3A_298 = vector.shape_cast %slice3A_297 : vector<1x100xf32> to vector<100xf32>
    %slice3A_299 = vector.extract_strided_slice %dot_general3A_228 {offsets = [35, 0], sizes = [1, 100], strides = [1, 1]} : vector<100x100xf32> to vector<1x100xf32>
    %squeeze3A_300 = vector.shape_cast %slice3A_299 : vector<1x100xf32> to vector<100xf32>
    %slice3A_301 = vector.extract_strided_slice %dot_general3A_228 {offsets = [36, 0], sizes = [1, 100], strides = [1, 1]} : vector<100x100xf32> to vector<1x100xf32>
    %squeeze3A_302 = vector.shape_cast %slice3A_301 : vector<1x100xf32> to vector<100xf32>
    %slice3A_303 = vector.extract_strided_slice %dot_general3A_228 {offsets = [37, 0], sizes = [1, 100], strides = [1, 1]} : vector<100x100xf32> to vector<1x100xf32>
    %squeeze3A_304 = vector.shape_cast %slice3A_303 : vector<1x100xf32> to vector<100xf32>
    %slice3A_305 = vector.extract_strided_slice %dot_general3A_228 {offsets = [38, 0], sizes = [1, 100], strides = [1, 1]} : vector<100x100xf32> to vector<1x100xf32>
    %squeeze3A_306 = vector.shape_cast %slice3A_305 : vector<1x100xf32> to vector<100xf32>
    %slice3A_307 = vector.extract_strided_slice %dot_general3A_228 {offsets = [39, 0], sizes = [1, 100], strides = [1, 1]} : vector<100x100xf32> to vector<1x100xf32>
    %squeeze3A_308 = vector.shape_cast %slice3A_307 : vector<1x100xf32> to vector<100xf32>
    %slice3A_309 = vector.extract_strided_slice %dot_general3A_228 {offsets = [40, 0], sizes = [1, 100], strides = [1, 1]} : vector<100x100xf32> to vector<1x100xf32>
    %squeeze3A_310 = vector.shape_cast %slice3A_309 : vector<1x100xf32> to vector<100xf32>
    %slice3A_311 = vector.extract_strided_slice %dot_general3A_228 {offsets = [41, 0], sizes = [1, 100], strides = [1, 1]} : vector<100x100xf32> to vector<1x100xf32>
    %squeeze3A_312 = vector.shape_cast %slice3A_311 : vector<1x100xf32> to vector<100xf32>
    %slice3A_313 = vector.extract_strided_slice %dot_general3A_228 {offsets = [42, 0], sizes = [1, 100], strides = [1, 1]} : vector<100x100xf32> to vector<1x100xf32>
    %squeeze3A_314 = vector.shape_cast %slice3A_313 : vector<1x100xf32> to vector<100xf32>
    %slice3A_315 = vector.extract_strided_slice %dot_general3A_228 {offsets = [43, 0], sizes = [1, 100], strides = [1, 1]} : vector<100x100xf32> to vector<1x100xf32>
    %squeeze3A_316 = vector.shape_cast %slice3A_315 : vector<1x100xf32> to vector<100xf32>
    %slice3A_317 = vector.extract_strided_slice %dot_general3A_228 {offsets = [44, 0], sizes = [1, 100], strides = [1, 1]} : vector<100x100xf32> to vector<1x100xf32>
    %squeeze3A_318 = vector.shape_cast %slice3A_317 : vector<1x100xf32> to vector<100xf32>
    %slice3A_319 = vector.extract_strided_slice %dot_general3A_228 {offsets = [45, 0], sizes = [1, 100], strides = [1, 1]} : vector<100x100xf32> to vector<1x100xf32>
    %squeeze3A_320 = vector.shape_cast %slice3A_319 : vector<1x100xf32> to vector<100xf32>
    %slice3A_321 = vector.extract_strided_slice %dot_general3A_228 {offsets = [46, 0], sizes = [1, 100], strides = [1, 1]} : vector<100x100xf32> to vector<1x100xf32>
    %squeeze3A_322 = vector.shape_cast %slice3A_321 : vector<1x100xf32> to vector<100xf32>
    %slice3A_323 = vector.extract_strided_slice %dot_general3A_228 {offsets = [47, 0], sizes = [1, 100], strides = [1, 1]} : vector<100x100xf32> to vector<1x100xf32>
    %squeeze3A_324 = vector.shape_cast %slice3A_323 : vector<1x100xf32> to vector<100xf32>
    %slice3A_325 = vector.extract_strided_slice %dot_general3A_228 {offsets = [48, 0], sizes = [1, 100], strides = [1, 1]} : vector<100x100xf32> to vector<1x100xf32>
    %squeeze3A_326 = vector.shape_cast %slice3A_325 : vector<1x100xf32> to vector<100xf32>
    %slice3A_327 = vector.extract_strided_slice %dot_general3A_228 {offsets = [49, 0], sizes = [1, 100], strides = [1, 1]} : vector<100x100xf32> to vector<1x100xf32>
    %squeeze3A_328 = vector.shape_cast %slice3A_327 : vector<1x100xf32> to vector<100xf32>
    %slice3A_329 = vector.extract_strided_slice %dot_general3A_228 {offsets = [50, 0], sizes = [1, 100], strides = [1, 1]} : vector<100x100xf32> to vector<1x100xf32>
    %squeeze3A_330 = vector.shape_cast %slice3A_329 : vector<1x100xf32> to vector<100xf32>
    %slice3A_331 = vector.extract_strided_slice %dot_general3A_228 {offsets = [51, 0], sizes = [1, 100], strides = [1, 1]} : vector<100x100xf32> to vector<1x100xf32>
    %squeeze3A_332 = vector.shape_cast %slice3A_331 : vector<1x100xf32> to vector<100xf32>
    %slice3A_333 = vector.extract_strided_slice %dot_general3A_228 {offsets = [52, 0], sizes = [1, 100], strides = [1, 1]} : vector<100x100xf32> to vector<1x100xf32>
    %squeeze3A_334 = vector.shape_cast %slice3A_333 : vector<1x100xf32> to vector<100xf32>
    %slice3A_335 = vector.extract_strided_slice %dot_general3A_228 {offsets = [53, 0], sizes = [1, 100], strides = [1, 1]} : vector<100x100xf32> to vector<1x100xf32>
    %squeeze3A_336 = vector.shape_cast %slice3A_335 : vector<1x100xf32> to vector<100xf32>
    %slice3A_337 = vector.extract_strided_slice %dot_general3A_228 {offsets = [54, 0], sizes = [1, 100], strides = [1, 1]} : vector<100x100xf32> to vector<1x100xf32>
    %squeeze3A_338 = vector.shape_cast %slice3A_337 : vector<1x100xf32> to vector<100xf32>
    %slice3A_339 = vector.extract_strided_slice %dot_general3A_228 {offsets = [55, 0], sizes = [1, 100], strides = [1, 1]} : vector<100x100xf32> to vector<1x100xf32>
    %squeeze3A_340 = vector.shape_cast %slice3A_339 : vector<1x100xf32> to vector<100xf32>
    %slice3A_341 = vector.extract_strided_slice %dot_general3A_228 {offsets = [56, 0], sizes = [1, 100], strides = [1, 1]} : vector<100x100xf32> to vector<1x100xf32>
    %squeeze3A_342 = vector.shape_cast %slice3A_341 : vector<1x100xf32> to vector<100xf32>
    %slice3A_343 = vector.extract_strided_slice %dot_general3A_228 {offsets = [57, 0], sizes = [1, 100], strides = [1, 1]} : vector<100x100xf32> to vector<1x100xf32>
    %squeeze3A_344 = vector.shape_cast %slice3A_343 : vector<1x100xf32> to vector<100xf32>
    %slice3A_345 = vector.extract_strided_slice %dot_general3A_228 {offsets = [58, 0], sizes = [1, 100], strides = [1, 1]} : vector<100x100xf32> to vector<1x100xf32>
    %squeeze3A_346 = vector.shape_cast %slice3A_345 : vector<1x100xf32> to vector<100xf32>
    %slice3A_347 = vector.extract_strided_slice %dot_general3A_228 {offsets = [59, 0], sizes = [1, 100], strides = [1, 1]} : vector<100x100xf32> to vector<1x100xf32>
    %squeeze3A_348 = vector.shape_cast %slice3A_347 : vector<1x100xf32> to vector<100xf32>
    %slice3A_349 = vector.extract_strided_slice %dot_general3A_228 {offsets = [60, 0], sizes = [1, 100], strides = [1, 1]} : vector<100x100xf32> to vector<1x100xf32>
    %squeeze3A_350 = vector.shape_cast %slice3A_349 : vector<1x100xf32> to vector<100xf32>
    %slice3A_351 = vector.extract_strided_slice %dot_general3A_228 {offsets = [61, 0], sizes = [1, 100], strides = [1, 1]} : vector<100x100xf32> to vector<1x100xf32>
    %squeeze3A_352 = vector.shape_cast %slice3A_351 : vector<1x100xf32> to vector<100xf32>
    %slice3A_353 = vector.extract_strided_slice %dot_general3A_228 {offsets = [62, 0], sizes = [1, 100], strides = [1, 1]} : vector<100x100xf32> to vector<1x100xf32>
    %squeeze3A_354 = vector.shape_cast %slice3A_353 : vector<1x100xf32> to vector<100xf32>
    %slice3A_355 = vector.extract_strided_slice %dot_general3A_228 {offsets = [63, 0], sizes = [1, 100], strides = [1, 1]} : vector<100x100xf32> to vector<1x100xf32>
    %squeeze3A_356 = vector.shape_cast %slice3A_355 : vector<1x100xf32> to vector<100xf32>
    %slice3A_357 = vector.extract_strided_slice %dot_general3A_228 {offsets = [64, 0], sizes = [1, 100], strides = [1, 1]} : vector<100x100xf32> to vector<1x100xf32>
    %squeeze3A_358 = vector.shape_cast %slice3A_357 : vector<1x100xf32> to vector<100xf32>
    %slice3A_359 = vector.extract_strided_slice %dot_general3A_228 {offsets = [65, 0], sizes = [1, 100], strides = [1, 1]} : vector<100x100xf32> to vector<1x100xf32>
    %squeeze3A_360 = vector.shape_cast %slice3A_359 : vector<1x100xf32> to vector<100xf32>
    %slice3A_361 = vector.extract_strided_slice %dot_general3A_228 {offsets = [66, 0], sizes = [1, 100], strides = [1, 1]} : vector<100x100xf32> to vector<1x100xf32>
    %squeeze3A_362 = vector.shape_cast %slice3A_361 : vector<1x100xf32> to vector<100xf32>
    %slice3A_363 = vector.extract_strided_slice %dot_general3A_228 {offsets = [67, 0], sizes = [1, 100], strides = [1, 1]} : vector<100x100xf32> to vector<1x100xf32>
    %squeeze3A_364 = vector.shape_cast %slice3A_363 : vector<1x100xf32> to vector<100xf32>
    %slice3A_365 = vector.extract_strided_slice %dot_general3A_228 {offsets = [68, 0], sizes = [1, 100], strides = [1, 1]} : vector<100x100xf32> to vector<1x100xf32>
    %squeeze3A_366 = vector.shape_cast %slice3A_365 : vector<1x100xf32> to vector<100xf32>
    %slice3A_367 = vector.extract_strided_slice %dot_general3A_228 {offsets = [69, 0], sizes = [1, 100], strides = [1, 1]} : vector<100x100xf32> to vector<1x100xf32>
    %squeeze3A_368 = vector.shape_cast %slice3A_367 : vector<1x100xf32> to vector<100xf32>
    %slice3A_369 = vector.extract_strided_slice %dot_general3A_228 {offsets = [70, 0], sizes = [1, 100], strides = [1, 1]} : vector<100x100xf32> to vector<1x100xf32>
    %squeeze3A_370 = vector.shape_cast %slice3A_369 : vector<1x100xf32> to vector<100xf32>
    %slice3A_371 = vector.extract_strided_slice %dot_general3A_228 {offsets = [71, 0], sizes = [1, 100], strides = [1, 1]} : vector<100x100xf32> to vector<1x100xf32>
    %squeeze3A_372 = vector.shape_cast %slice3A_371 : vector<1x100xf32> to vector<100xf32>
    %slice3A_373 = vector.extract_strided_slice %dot_general3A_228 {offsets = [72, 0], sizes = [1, 100], strides = [1, 1]} : vector<100x100xf32> to vector<1x100xf32>
    %squeeze3A_374 = vector.shape_cast %slice3A_373 : vector<1x100xf32> to vector<100xf32>
    %slice3A_375 = vector.extract_strided_slice %dot_general3A_228 {offsets = [73, 0], sizes = [1, 100], strides = [1, 1]} : vector<100x100xf32> to vector<1x100xf32>
    %squeeze3A_376 = vector.shape_cast %slice3A_375 : vector<1x100xf32> to vector<100xf32>
    %slice3A_377 = vector.extract_strided_slice %dot_general3A_228 {offsets = [74, 0], sizes = [1, 100], strides = [1, 1]} : vector<100x100xf32> to vector<1x100xf32>
    %squeeze3A_378 = vector.shape_cast %slice3A_377 : vector<1x100xf32> to vector<100xf32>
    %slice3A_379 = vector.extract_strided_slice %dot_general3A_228 {offsets = [75, 0], sizes = [1, 100], strides = [1, 1]} : vector<100x100xf32> to vector<1x100xf32>
    %squeeze3A_380 = vector.shape_cast %slice3A_379 : vector<1x100xf32> to vector<100xf32>
    %slice3A_381 = vector.extract_strided_slice %dot_general3A_228 {offsets = [76, 0], sizes = [1, 100], strides = [1, 1]} : vector<100x100xf32> to vector<1x100xf32>
    %squeeze3A_382 = vector.shape_cast %slice3A_381 : vector<1x100xf32> to vector<100xf32>
    %slice3A_383 = vector.extract_strided_slice %dot_general3A_228 {offsets = [77, 0], sizes = [1, 100], strides = [1, 1]} : vector<100x100xf32> to vector<1x100xf32>
    %squeeze3A_384 = vector.shape_cast %slice3A_383 : vector<1x100xf32> to vector<100xf32>
    %slice3A_385 = vector.extract_strided_slice %dot_general3A_228 {offsets = [78, 0], sizes = [1, 100], strides = [1, 1]} : vector<100x100xf32> to vector<1x100xf32>
    %squeeze3A_386 = vector.shape_cast %slice3A_385 : vector<1x100xf32> to vector<100xf32>
    %slice3A_387 = vector.extract_strided_slice %dot_general3A_228 {offsets = [79, 0], sizes = [1, 100], strides = [1, 1]} : vector<100x100xf32> to vector<1x100xf32>
    %squeeze3A_388 = vector.shape_cast %slice3A_387 : vector<1x100xf32> to vector<100xf32>
    %slice3A_389 = vector.extract_strided_slice %dot_general3A_228 {offsets = [80, 0], sizes = [1, 100], strides = [1, 1]} : vector<100x100xf32> to vector<1x100xf32>
    %squeeze3A_390 = vector.shape_cast %slice3A_389 : vector<1x100xf32> to vector<100xf32>
    %slice3A_391 = vector.extract_strided_slice %dot_general3A_228 {offsets = [81, 0], sizes = [1, 100], strides = [1, 1]} : vector<100x100xf32> to vector<1x100xf32>
    %squeeze3A_392 = vector.shape_cast %slice3A_391 : vector<1x100xf32> to vector<100xf32>
    %slice3A_393 = vector.extract_strided_slice %dot_general3A_228 {offsets = [82, 0], sizes = [1, 100], strides = [1, 1]} : vector<100x100xf32> to vector<1x100xf32>
    %squeeze3A_394 = vector.shape_cast %slice3A_393 : vector<1x100xf32> to vector<100xf32>
    %slice3A_395 = vector.extract_strided_slice %dot_general3A_228 {offsets = [83, 0], sizes = [1, 100], strides = [1, 1]} : vector<100x100xf32> to vector<1x100xf32>
    %squeeze3A_396 = vector.shape_cast %slice3A_395 : vector<1x100xf32> to vector<100xf32>
    %slice3A_397 = vector.extract_strided_slice %dot_general3A_228 {offsets = [84, 0], sizes = [1, 100], strides = [1, 1]} : vector<100x100xf32> to vector<1x100xf32>
    %squeeze3A_398 = vector.shape_cast %slice3A_397 : vector<1x100xf32> to vector<100xf32>
    %slice3A_399 = vector.extract_strided_slice %dot_general3A_228 {offsets = [85, 0], sizes = [1, 100], strides = [1, 1]} : vector<100x100xf32> to vector<1x100xf32>
    %squeeze3A_400 = vector.shape_cast %slice3A_399 : vector<1x100xf32> to vector<100xf32>
    %slice3A_401 = vector.extract_strided_slice %dot_general3A_228 {offsets = [86, 0], sizes = [1, 100], strides = [1, 1]} : vector<100x100xf32> to vector<1x100xf32>
    %squeeze3A_402 = vector.shape_cast %slice3A_401 : vector<1x100xf32> to vector<100xf32>
    %slice3A_403 = vector.extract_strided_slice %dot_general3A_228 {offsets = [87, 0], sizes = [1, 100], strides = [1, 1]} : vector<100x100xf32> to vector<1x100xf32>
    %squeeze3A_404 = vector.shape_cast %slice3A_403 : vector<1x100xf32> to vector<100xf32>
    %slice3A_405 = vector.extract_strided_slice %dot_general3A_228 {offsets = [88, 0], sizes = [1, 100], strides = [1, 1]} : vector<100x100xf32> to vector<1x100xf32>
    %squeeze3A_406 = vector.shape_cast %slice3A_405 : vector<1x100xf32> to vector<100xf32>
    %slice3A_407 = vector.extract_strided_slice %dot_general3A_228 {offsets = [89, 0], sizes = [1, 100], strides = [1, 1]} : vector<100x100xf32> to vector<1x100xf32>
    %squeeze3A_408 = vector.shape_cast %slice3A_407 : vector<1x100xf32> to vector<100xf32>
    %slice3A_409 = vector.extract_strided_slice %dot_general3A_228 {offsets = [90, 0], sizes = [1, 100], strides = [1, 1]} : vector<100x100xf32> to vector<1x100xf32>
    %squeeze3A_410 = vector.shape_cast %slice3A_409 : vector<1x100xf32> to vector<100xf32>
    %slice3A_411 = vector.extract_strided_slice %dot_general3A_228 {offsets = [91, 0], sizes = [1, 100], strides = [1, 1]} : vector<100x100xf32> to vector<1x100xf32>
    %squeeze3A_412 = vector.shape_cast %slice3A_411 : vector<1x100xf32> to vector<100xf32>
    %slice3A_413 = vector.extract_strided_slice %dot_general3A_228 {offsets = [92, 0], sizes = [1, 100], strides = [1, 1]} : vector<100x100xf32> to vector<1x100xf32>
    %squeeze3A_414 = vector.shape_cast %slice3A_413 : vector<1x100xf32> to vector<100xf32>
    %slice3A_415 = vector.extract_strided_slice %dot_general3A_228 {offsets = [93, 0], sizes = [1, 100], strides = [1, 1]} : vector<100x100xf32> to vector<1x100xf32>
    %squeeze3A_416 = vector.shape_cast %slice3A_415 : vector<1x100xf32> to vector<100xf32>
    %slice3A_417 = vector.extract_strided_slice %dot_general3A_228 {offsets = [94, 0], sizes = [1, 100], strides = [1, 1]} : vector<100x100xf32> to vector<1x100xf32>
    %squeeze3A_418 = vector.shape_cast %slice3A_417 : vector<1x100xf32> to vector<100xf32>
    %slice3A_419 = vector.extract_strided_slice %dot_general3A_228 {offsets = [95, 0], sizes = [1, 100], strides = [1, 1]} : vector<100x100xf32> to vector<1x100xf32>
    %squeeze3A_420 = vector.shape_cast %slice3A_419 : vector<1x100xf32> to vector<100xf32>
    %slice3A_421 = vector.extract_strided_slice %dot_general3A_228 {offsets = [96, 0], sizes = [1, 100], strides = [1, 1]} : vector<100x100xf32> to vector<1x100xf32>
    %squeeze3A_422 = vector.shape_cast %slice3A_421 : vector<1x100xf32> to vector<100xf32>
    %slice3A_423 = vector.extract_strided_slice %dot_general3A_228 {offsets = [97, 0], sizes = [1, 100], strides = [1, 1]} : vector<100x100xf32> to vector<1x100xf32>
    %squeeze3A_424 = vector.shape_cast %slice3A_423 : vector<1x100xf32> to vector<100xf32>
    %slice3A_425 = vector.extract_strided_slice %dot_general3A_228 {offsets = [98, 0], sizes = [1, 100], strides = [1, 1]} : vector<100x100xf32> to vector<1x100xf32>
    %squeeze3A_426 = vector.shape_cast %slice3A_425 : vector<1x100xf32> to vector<100xf32>
    %slice3A_427 = vector.extract_strided_slice %dot_general3A_228 {offsets = [99, 0], sizes = [1, 100], strides = [1, 1]} : vector<100x100xf32> to vector<1x100xf32>
    %squeeze3A_428 = vector.shape_cast %slice3A_427 : vector<1x100xf32> to vector<100xf32>
    %concatenate3A_429 = tpu.concatenate %squeeze3A_230, %squeeze3A_232, %squeeze3A_234, %squeeze3A_236, %squeeze3A_238, %squeeze3A_240, %squeeze3A_242, %squeeze3A_244, %squeeze3A_246, %squeeze3A_248, %squeeze3A_250, %squeeze3A_252, %squeeze3A_254, %squeeze3A_256, %squeeze3A_258, %squeeze3A_260, %squeeze3A_262, %squeeze3A_264, %squeeze3A_266, %squeeze3A_268, %squeeze3A_270, %squeeze3A_272, %squeeze3A_274, %squeeze3A_276, %squeeze3A_278, %squeeze3A_280, %squeeze3A_282, %squeeze3A_284, %squeeze3A_286, %squeeze3A_288, %squeeze3A_290, %squeeze3A_292, %squeeze3A_294, %squeeze3A_296, %squeeze3A_298, %squeeze3A_300, %squeeze3A_302, %squeeze3A_304, %squeeze3A_306, %squeeze3A_308, %squeeze3A_310, %squeeze3A_312, %squeeze3A_314, %squeeze3A_316, %squeeze3A_318, %squeeze3A_320, %squeeze3A_322, %squeeze3A_324, %squeeze3A_326, %squeeze3A_328, %squeeze3A_330, %squeeze3A_332, %squeeze3A_334, %squeeze3A_336, %squeeze3A_338, %squeeze3A_340, %squeeze3A_342, %squeeze3A_344, %squeeze3A_346, %squeeze3A_348, %squeeze3A_350, %squeeze3A_352, %squeeze3A_354, %squeeze3A_356, %squeeze3A_358, %squeeze3A_360, %squeeze3A_362, %squeeze3A_364, %squeeze3A_366, %squeeze3A_368, %squeeze3A_370, %squeeze3A_372, %squeeze3A_374, %squeeze3A_376, %squeeze3A_378, %squeeze3A_380, %squeeze3A_382, %squeeze3A_384, %squeeze3A_386, %squeeze3A_388, %squeeze3A_390, %squeeze3A_392, %squeeze3A_394, %squeeze3A_396, %squeeze3A_398, %squeeze3A_400, %squeeze3A_402, %squeeze3A_404, %squeeze3A_406, %squeeze3A_408, %squeeze3A_410, %squeeze3A_412, %squeeze3A_414, %squeeze3A_416, %squeeze3A_418, %squeeze3A_420, %squeeze3A_422, %squeeze3A_424, %squeeze3A_426, %squeeze3A_428, %broadcast_in_dim3A_12 in 0 : vector<100xf32>, vector<100xf32>, vector<100xf32>, vector<100xf32>, vector<100xf32>, vector<100xf32>, vector<100xf32>, vector<100xf32>, vector<100xf32>, vector<100xf32>, vector<100xf32>, vector<100xf32>, vector<100xf32>, vector<100xf32>, vector<100xf32>, vector<100xf32>, vector<100xf32>, vector<100xf32>, vector<100xf32>, vector<100xf32>, vector<100xf32>, vector<100xf32>, vector<100xf32>, vector<100xf32>, vector<100xf32>, vector<100xf32>, vector<100xf32>, vector<100xf32>, vector<100xf32>, vector<100xf32>, vector<100xf32>, vector<100xf32>, vector<100xf32>, vector<100xf32>, vector<100xf32>, vector<100xf32>, vector<100xf32>, vector<100xf32>, vector<100xf32>, vector<100xf32>, vector<100xf32>, vector<100xf32>, vector<100xf32>, vector<100xf32>, vector<100xf32>, vector<100xf32>, vector<100xf32>, vector<100xf32>, vector<100xf32>, vector<100xf32>, vector<100xf32>, vector<100xf32>, vector<100xf32>, vector<100xf32>, vector<100xf32>, vector<100xf32>, vector<100xf32>, vector<100xf32>, vector<100xf32>, vector<100xf32>, vector<100xf32>, vector<100xf32>, vector<100xf32>, vector<100xf32>, vector<100xf32>, vector<100xf32>, vector<100xf32>, vector<100xf32>, vector<100xf32>, vector<100xf32>, vector<100xf32>, vector<100xf32>, vector<100xf32>, vector<100xf32>, vector<100xf32>, vector<100xf32>, vector<100xf32>, vector<100xf32>, vector<100xf32>, vector<100xf32>, vector<100xf32>, vector<100xf32>, vector<100xf32>, vector<100xf32>, vector<100xf32>, vector<100xf32>, vector<100xf32>, vector<100xf32>, vector<100xf32>, vector<100xf32>, vector<100xf32>, vector<100xf32>, vector<100xf32>, vector<100xf32>, vector<100xf32>, vector<100xf32>, vector<100xf32>, vector<100xf32>, vector<100xf32>, vector<100xf32>, vector<240xf32> -> vector<10240xf32>
    %get3A_430 = arith.constant 0 : index
    %get3A_431 = arith.constant 2 : index
    %get3A_432 = arith.constant 0 : index
    %get3A_433 = arith.constant 0 : index
    %get3A_434 = vector.load %arg1[%get3A_430, %get3A_431, %get3A_432, %get3A_433] : memref<1x3x400x400xf32, #tpu.memory_space<vmem>>, vector<1x1x400x400xf32>
    %get3A_435 = vector.shape_cast %get3A_434 : vector<1x1x400x400xf32> to vector<400x400xf32>
    %dot_general3A_436 = arith.constant dense<0.000000e+00> : vector<100x400xf32>
    %dot_general3A_437 = tpu.matmul %convert_element_type3A_3, %get3A_435, %dot_general3A_436 {dimension_numbers = #tpu.dot_dimension_numbers<[1], [0], [0], [1], [0, 0, 1, 1], [], []>, precision = #tpu.contract_precision<fp32>, transpose_lhs_hint = false} : vector<100x400xf32>, vector<400x400xf32>, vector<100x400xf32> -> vector<100x400xf32>
    %dot_general3A_438 = arith.constant dense<0.000000e+00> : vector<100x100xf32>
    %dot_general3A_439 = tpu.matmul %dot_general3A_437, %convert_element_type3A_11, %dot_general3A_438 {dimension_numbers = #tpu.dot_dimension_numbers<[1], [0], [0], [1], [0, 0, 1, 1], [], []>, precision = #tpu.contract_precision<fp32>, transpose_lhs_hint = false} : vector<100x400xf32>, vector<400x100xf32>, vector<100x100xf32> -> vector<100x100xf32>
    %slice3A_440 = vector.extract_strided_slice %dot_general3A_439 {offsets = [0, 0], sizes = [1, 100], strides = [1, 1]} : vector<100x100xf32> to vector<1x100xf32>
    %squeeze3A_441 = vector.shape_cast %slice3A_440 : vector<1x100xf32> to vector<100xf32>
    %slice3A_442 = vector.extract_strided_slice %dot_general3A_439 {offsets = [1, 0], sizes = [1, 100], strides = [1, 1]} : vector<100x100xf32> to vector<1x100xf32>
    %squeeze3A_443 = vector.shape_cast %slice3A_442 : vector<1x100xf32> to vector<100xf32>
    %slice3A_444 = vector.extract_strided_slice %dot_general3A_439 {offsets = [2, 0], sizes = [1, 100], strides = [1, 1]} : vector<100x100xf32> to vector<1x100xf32>
    %squeeze3A_445 = vector.shape_cast %slice3A_444 : vector<1x100xf32> to vector<100xf32>
    %slice3A_446 = vector.extract_strided_slice %dot_general3A_439 {offsets = [3, 0], sizes = [1, 100], strides = [1, 1]} : vector<100x100xf32> to vector<1x100xf32>
    %squeeze3A_447 = vector.shape_cast %slice3A_446 : vector<1x100xf32> to vector<100xf32>
    %slice3A_448 = vector.extract_strided_slice %dot_general3A_439 {offsets = [4, 0], sizes = [1, 100], strides = [1, 1]} : vector<100x100xf32> to vector<1x100xf32>
    %squeeze3A_449 = vector.shape_cast %slice3A_448 : vector<1x100xf32> to vector<100xf32>
    %slice3A_450 = vector.extract_strided_slice %dot_general3A_439 {offsets = [5, 0], sizes = [1, 100], strides = [1, 1]} : vector<100x100xf32> to vector<1x100xf32>
    %squeeze3A_451 = vector.shape_cast %slice3A_450 : vector<1x100xf32> to vector<100xf32>
    %slice3A_452 = vector.extract_strided_slice %dot_general3A_439 {offsets = [6, 0], sizes = [1, 100], strides = [1, 1]} : vector<100x100xf32> to vector<1x100xf32>
    %squeeze3A_453 = vector.shape_cast %slice3A_452 : vector<1x100xf32> to vector<100xf32>
    %slice3A_454 = vector.extract_strided_slice %dot_general3A_439 {offsets = [7, 0], sizes = [1, 100], strides = [1, 1]} : vector<100x100xf32> to vector<1x100xf32>
    %squeeze3A_455 = vector.shape_cast %slice3A_454 : vector<1x100xf32> to vector<100xf32>
    %slice3A_456 = vector.extract_strided_slice %dot_general3A_439 {offsets = [8, 0], sizes = [1, 100], strides = [1, 1]} : vector<100x100xf32> to vector<1x100xf32>
    %squeeze3A_457 = vector.shape_cast %slice3A_456 : vector<1x100xf32> to vector<100xf32>
    %slice3A_458 = vector.extract_strided_slice %dot_general3A_439 {offsets = [9, 0], sizes = [1, 100], strides = [1, 1]} : vector<100x100xf32> to vector<1x100xf32>
    %squeeze3A_459 = vector.shape_cast %slice3A_458 : vector<1x100xf32> to vector<100xf32>
    %slice3A_460 = vector.extract_strided_slice %dot_general3A_439 {offsets = [10, 0], sizes = [1, 100], strides = [1, 1]} : vector<100x100xf32> to vector<1x100xf32>
    %squeeze3A_461 = vector.shape_cast %slice3A_460 : vector<1x100xf32> to vector<100xf32>
    %slice3A_462 = vector.extract_strided_slice %dot_general3A_439 {offsets = [11, 0], sizes = [1, 100], strides = [1, 1]} : vector<100x100xf32> to vector<1x100xf32>
    %squeeze3A_463 = vector.shape_cast %slice3A_462 : vector<1x100xf32> to vector<100xf32>
    %slice3A_464 = vector.extract_strided_slice %dot_general3A_439 {offsets = [12, 0], sizes = [1, 100], strides = [1, 1]} : vector<100x100xf32> to vector<1x100xf32>
    %squeeze3A_465 = vector.shape_cast %slice3A_464 : vector<1x100xf32> to vector<100xf32>
    %slice3A_466 = vector.extract_strided_slice %dot_general3A_439 {offsets = [13, 0], sizes = [1, 100], strides = [1, 1]} : vector<100x100xf32> to vector<1x100xf32>
    %squeeze3A_467 = vector.shape_cast %slice3A_466 : vector<1x100xf32> to vector<100xf32>
    %slice3A_468 = vector.extract_strided_slice %dot_general3A_439 {offsets = [14, 0], sizes = [1, 100], strides = [1, 1]} : vector<100x100xf32> to vector<1x100xf32>
    %squeeze3A_469 = vector.shape_cast %slice3A_468 : vector<1x100xf32> to vector<100xf32>
    %slice3A_470 = vector.extract_strided_slice %dot_general3A_439 {offsets = [15, 0], sizes = [1, 100], strides = [1, 1]} : vector<100x100xf32> to vector<1x100xf32>
    %squeeze3A_471 = vector.shape_cast %slice3A_470 : vector<1x100xf32> to vector<100xf32>
    %slice3A_472 = vector.extract_strided_slice %dot_general3A_439 {offsets = [16, 0], sizes = [1, 100], strides = [1, 1]} : vector<100x100xf32> to vector<1x100xf32>
    %squeeze3A_473 = vector.shape_cast %slice3A_472 : vector<1x100xf32> to vector<100xf32>
    %slice3A_474 = vector.extract_strided_slice %dot_general3A_439 {offsets = [17, 0], sizes = [1, 100], strides = [1, 1]} : vector<100x100xf32> to vector<1x100xf32>
    %squeeze3A_475 = vector.shape_cast %slice3A_474 : vector<1x100xf32> to vector<100xf32>
    %slice3A_476 = vector.extract_strided_slice %dot_general3A_439 {offsets = [18, 0], sizes = [1, 100], strides = [1, 1]} : vector<100x100xf32> to vector<1x100xf32>
    %squeeze3A_477 = vector.shape_cast %slice3A_476 : vector<1x100xf32> to vector<100xf32>
    %slice3A_478 = vector.extract_strided_slice %dot_general3A_439 {offsets = [19, 0], sizes = [1, 100], strides = [1, 1]} : vector<100x100xf32> to vector<1x100xf32>
    %squeeze3A_479 = vector.shape_cast %slice3A_478 : vector<1x100xf32> to vector<100xf32>
    %slice3A_480 = vector.extract_strided_slice %dot_general3A_439 {offsets = [20, 0], sizes = [1, 100], strides = [1, 1]} : vector<100x100xf32> to vector<1x100xf32>
    %squeeze3A_481 = vector.shape_cast %slice3A_480 : vector<1x100xf32> to vector<100xf32>
    %slice3A_482 = vector.extract_strided_slice %dot_general3A_439 {offsets = [21, 0], sizes = [1, 100], strides = [1, 1]} : vector<100x100xf32> to vector<1x100xf32>
    %squeeze3A_483 = vector.shape_cast %slice3A_482 : vector<1x100xf32> to vector<100xf32>
    %slice3A_484 = vector.extract_strided_slice %dot_general3A_439 {offsets = [22, 0], sizes = [1, 100], strides = [1, 1]} : vector<100x100xf32> to vector<1x100xf32>
    %squeeze3A_485 = vector.shape_cast %slice3A_484 : vector<1x100xf32> to vector<100xf32>
    %slice3A_486 = vector.extract_strided_slice %dot_general3A_439 {offsets = [23, 0], sizes = [1, 100], strides = [1, 1]} : vector<100x100xf32> to vector<1x100xf32>
    %squeeze3A_487 = vector.shape_cast %slice3A_486 : vector<1x100xf32> to vector<100xf32>
    %slice3A_488 = vector.extract_strided_slice %dot_general3A_439 {offsets = [24, 0], sizes = [1, 100], strides = [1, 1]} : vector<100x100xf32> to vector<1x100xf32>
    %squeeze3A_489 = vector.shape_cast %slice3A_488 : vector<1x100xf32> to vector<100xf32>
    %slice3A_490 = vector.extract_strided_slice %dot_general3A_439 {offsets = [25, 0], sizes = [1, 100], strides = [1, 1]} : vector<100x100xf32> to vector<1x100xf32>
    %squeeze3A_491 = vector.shape_cast %slice3A_490 : vector<1x100xf32> to vector<100xf32>
    %slice3A_492 = vector.extract_strided_slice %dot_general3A_439 {offsets = [26, 0], sizes = [1, 100], strides = [1, 1]} : vector<100x100xf32> to vector<1x100xf32>
    %squeeze3A_493 = vector.shape_cast %slice3A_492 : vector<1x100xf32> to vector<100xf32>
    %slice3A_494 = vector.extract_strided_slice %dot_general3A_439 {offsets = [27, 0], sizes = [1, 100], strides = [1, 1]} : vector<100x100xf32> to vector<1x100xf32>
    %squeeze3A_495 = vector.shape_cast %slice3A_494 : vector<1x100xf32> to vector<100xf32>
    %slice3A_496 = vector.extract_strided_slice %dot_general3A_439 {offsets = [28, 0], sizes = [1, 100], strides = [1, 1]} : vector<100x100xf32> to vector<1x100xf32>
    %squeeze3A_497 = vector.shape_cast %slice3A_496 : vector<1x100xf32> to vector<100xf32>
    %slice3A_498 = vector.extract_strided_slice %dot_general3A_439 {offsets = [29, 0], sizes = [1, 100], strides = [1, 1]} : vector<100x100xf32> to vector<1x100xf32>
    %squeeze3A_499 = vector.shape_cast %slice3A_498 : vector<1x100xf32> to vector<100xf32>
    %slice3A_500 = vector.extract_strided_slice %dot_general3A_439 {offsets = [30, 0], sizes = [1, 100], strides = [1, 1]} : vector<100x100xf32> to vector<1x100xf32>
    %squeeze3A_501 = vector.shape_cast %slice3A_500 : vector<1x100xf32> to vector<100xf32>
    %slice3A_502 = vector.extract_strided_slice %dot_general3A_439 {offsets = [31, 0], sizes = [1, 100], strides = [1, 1]} : vector<100x100xf32> to vector<1x100xf32>
    %squeeze3A_503 = vector.shape_cast %slice3A_502 : vector<1x100xf32> to vector<100xf32>
    %slice3A_504 = vector.extract_strided_slice %dot_general3A_439 {offsets = [32, 0], sizes = [1, 100], strides = [1, 1]} : vector<100x100xf32> to vector<1x100xf32>
    %squeeze3A_505 = vector.shape_cast %slice3A_504 : vector<1x100xf32> to vector<100xf32>
    %slice3A_506 = vector.extract_strided_slice %dot_general3A_439 {offsets = [33, 0], sizes = [1, 100], strides = [1, 1]} : vector<100x100xf32> to vector<1x100xf32>
    %squeeze3A_507 = vector.shape_cast %slice3A_506 : vector<1x100xf32> to vector<100xf32>
    %slice3A_508 = vector.extract_strided_slice %dot_general3A_439 {offsets = [34, 0], sizes = [1, 100], strides = [1, 1]} : vector<100x100xf32> to vector<1x100xf32>
    %squeeze3A_509 = vector.shape_cast %slice3A_508 : vector<1x100xf32> to vector<100xf32>
    %slice3A_510 = vector.extract_strided_slice %dot_general3A_439 {offsets = [35, 0], sizes = [1, 100], strides = [1, 1]} : vector<100x100xf32> to vector<1x100xf32>
    %squeeze3A_511 = vector.shape_cast %slice3A_510 : vector<1x100xf32> to vector<100xf32>
    %slice3A_512 = vector.extract_strided_slice %dot_general3A_439 {offsets = [36, 0], sizes = [1, 100], strides = [1, 1]} : vector<100x100xf32> to vector<1x100xf32>
    %squeeze3A_513 = vector.shape_cast %slice3A_512 : vector<1x100xf32> to vector<100xf32>
    %slice3A_514 = vector.extract_strided_slice %dot_general3A_439 {offsets = [37, 0], sizes = [1, 100], strides = [1, 1]} : vector<100x100xf32> to vector<1x100xf32>
    %squeeze3A_515 = vector.shape_cast %slice3A_514 : vector<1x100xf32> to vector<100xf32>
    %slice3A_516 = vector.extract_strided_slice %dot_general3A_439 {offsets = [38, 0], sizes = [1, 100], strides = [1, 1]} : vector<100x100xf32> to vector<1x100xf32>
    %squeeze3A_517 = vector.shape_cast %slice3A_516 : vector<1x100xf32> to vector<100xf32>
    %slice3A_518 = vector.extract_strided_slice %dot_general3A_439 {offsets = [39, 0], sizes = [1, 100], strides = [1, 1]} : vector<100x100xf32> to vector<1x100xf32>
    %squeeze3A_519 = vector.shape_cast %slice3A_518 : vector<1x100xf32> to vector<100xf32>
    %slice3A_520 = vector.extract_strided_slice %dot_general3A_439 {offsets = [40, 0], sizes = [1, 100], strides = [1, 1]} : vector<100x100xf32> to vector<1x100xf32>
    %squeeze3A_521 = vector.shape_cast %slice3A_520 : vector<1x100xf32> to vector<100xf32>
    %slice3A_522 = vector.extract_strided_slice %dot_general3A_439 {offsets = [41, 0], sizes = [1, 100], strides = [1, 1]} : vector<100x100xf32> to vector<1x100xf32>
    %squeeze3A_523 = vector.shape_cast %slice3A_522 : vector<1x100xf32> to vector<100xf32>
    %slice3A_524 = vector.extract_strided_slice %dot_general3A_439 {offsets = [42, 0], sizes = [1, 100], strides = [1, 1]} : vector<100x100xf32> to vector<1x100xf32>
    %squeeze3A_525 = vector.shape_cast %slice3A_524 : vector<1x100xf32> to vector<100xf32>
    %slice3A_526 = vector.extract_strided_slice %dot_general3A_439 {offsets = [43, 0], sizes = [1, 100], strides = [1, 1]} : vector<100x100xf32> to vector<1x100xf32>
    %squeeze3A_527 = vector.shape_cast %slice3A_526 : vector<1x100xf32> to vector<100xf32>
    %slice3A_528 = vector.extract_strided_slice %dot_general3A_439 {offsets = [44, 0], sizes = [1, 100], strides = [1, 1]} : vector<100x100xf32> to vector<1x100xf32>
    %squeeze3A_529 = vector.shape_cast %slice3A_528 : vector<1x100xf32> to vector<100xf32>
    %slice3A_530 = vector.extract_strided_slice %dot_general3A_439 {offsets = [45, 0], sizes = [1, 100], strides = [1, 1]} : vector<100x100xf32> to vector<1x100xf32>
    %squeeze3A_531 = vector.shape_cast %slice3A_530 : vector<1x100xf32> to vector<100xf32>
    %slice3A_532 = vector.extract_strided_slice %dot_general3A_439 {offsets = [46, 0], sizes = [1, 100], strides = [1, 1]} : vector<100x100xf32> to vector<1x100xf32>
    %squeeze3A_533 = vector.shape_cast %slice3A_532 : vector<1x100xf32> to vector<100xf32>
    %slice3A_534 = vector.extract_strided_slice %dot_general3A_439 {offsets = [47, 0], sizes = [1, 100], strides = [1, 1]} : vector<100x100xf32> to vector<1x100xf32>
    %squeeze3A_535 = vector.shape_cast %slice3A_534 : vector<1x100xf32> to vector<100xf32>
    %slice3A_536 = vector.extract_strided_slice %dot_general3A_439 {offsets = [48, 0], sizes = [1, 100], strides = [1, 1]} : vector<100x100xf32> to vector<1x100xf32>
    %squeeze3A_537 = vector.shape_cast %slice3A_536 : vector<1x100xf32> to vector<100xf32>
    %slice3A_538 = vector.extract_strided_slice %dot_general3A_439 {offsets = [49, 0], sizes = [1, 100], strides = [1, 1]} : vector<100x100xf32> to vector<1x100xf32>
    %squeeze3A_539 = vector.shape_cast %slice3A_538 : vector<1x100xf32> to vector<100xf32>
    %slice3A_540 = vector.extract_strided_slice %dot_general3A_439 {offsets = [50, 0], sizes = [1, 100], strides = [1, 1]} : vector<100x100xf32> to vector<1x100xf32>
    %squeeze3A_541 = vector.shape_cast %slice3A_540 : vector<1x100xf32> to vector<100xf32>
    %slice3A_542 = vector.extract_strided_slice %dot_general3A_439 {offsets = [51, 0], sizes = [1, 100], strides = [1, 1]} : vector<100x100xf32> to vector<1x100xf32>
    %squeeze3A_543 = vector.shape_cast %slice3A_542 : vector<1x100xf32> to vector<100xf32>
    %slice3A_544 = vector.extract_strided_slice %dot_general3A_439 {offsets = [52, 0], sizes = [1, 100], strides = [1, 1]} : vector<100x100xf32> to vector<1x100xf32>
    %squeeze3A_545 = vector.shape_cast %slice3A_544 : vector<1x100xf32> to vector<100xf32>
    %slice3A_546 = vector.extract_strided_slice %dot_general3A_439 {offsets = [53, 0], sizes = [1, 100], strides = [1, 1]} : vector<100x100xf32> to vector<1x100xf32>
    %squeeze3A_547 = vector.shape_cast %slice3A_546 : vector<1x100xf32> to vector<100xf32>
    %slice3A_548 = vector.extract_strided_slice %dot_general3A_439 {offsets = [54, 0], sizes = [1, 100], strides = [1, 1]} : vector<100x100xf32> to vector<1x100xf32>
    %squeeze3A_549 = vector.shape_cast %slice3A_548 : vector<1x100xf32> to vector<100xf32>
    %slice3A_550 = vector.extract_strided_slice %dot_general3A_439 {offsets = [55, 0], sizes = [1, 100], strides = [1, 1]} : vector<100x100xf32> to vector<1x100xf32>
    %squeeze3A_551 = vector.shape_cast %slice3A_550 : vector<1x100xf32> to vector<100xf32>
    %slice3A_552 = vector.extract_strided_slice %dot_general3A_439 {offsets = [56, 0], sizes = [1, 100], strides = [1, 1]} : vector<100x100xf32> to vector<1x100xf32>
    %squeeze3A_553 = vector.shape_cast %slice3A_552 : vector<1x100xf32> to vector<100xf32>
    %slice3A_554 = vector.extract_strided_slice %dot_general3A_439 {offsets = [57, 0], sizes = [1, 100], strides = [1, 1]} : vector<100x100xf32> to vector<1x100xf32>
    %squeeze3A_555 = vector.shape_cast %slice3A_554 : vector<1x100xf32> to vector<100xf32>
    %slice3A_556 = vector.extract_strided_slice %dot_general3A_439 {offsets = [58, 0], sizes = [1, 100], strides = [1, 1]} : vector<100x100xf32> to vector<1x100xf32>
    %squeeze3A_557 = vector.shape_cast %slice3A_556 : vector<1x100xf32> to vector<100xf32>
    %slice3A_558 = vector.extract_strided_slice %dot_general3A_439 {offsets = [59, 0], sizes = [1, 100], strides = [1, 1]} : vector<100x100xf32> to vector<1x100xf32>
    %squeeze3A_559 = vector.shape_cast %slice3A_558 : vector<1x100xf32> to vector<100xf32>
    %slice3A_560 = vector.extract_strided_slice %dot_general3A_439 {offsets = [60, 0], sizes = [1, 100], strides = [1, 1]} : vector<100x100xf32> to vector<1x100xf32>
    %squeeze3A_561 = vector.shape_cast %slice3A_560 : vector<1x100xf32> to vector<100xf32>
    %slice3A_562 = vector.extract_strided_slice %dot_general3A_439 {offsets = [61, 0], sizes = [1, 100], strides = [1, 1]} : vector<100x100xf32> to vector<1x100xf32>
    %squeeze3A_563 = vector.shape_cast %slice3A_562 : vector<1x100xf32> to vector<100xf32>
    %slice3A_564 = vector.extract_strided_slice %dot_general3A_439 {offsets = [62, 0], sizes = [1, 100], strides = [1, 1]} : vector<100x100xf32> to vector<1x100xf32>
    %squeeze3A_565 = vector.shape_cast %slice3A_564 : vector<1x100xf32> to vector<100xf32>
    %slice3A_566 = vector.extract_strided_slice %dot_general3A_439 {offsets = [63, 0], sizes = [1, 100], strides = [1, 1]} : vector<100x100xf32> to vector<1x100xf32>
    %squeeze3A_567 = vector.shape_cast %slice3A_566 : vector<1x100xf32> to vector<100xf32>
    %slice3A_568 = vector.extract_strided_slice %dot_general3A_439 {offsets = [64, 0], sizes = [1, 100], strides = [1, 1]} : vector<100x100xf32> to vector<1x100xf32>
    %squeeze3A_569 = vector.shape_cast %slice3A_568 : vector<1x100xf32> to vector<100xf32>
    %slice3A_570 = vector.extract_strided_slice %dot_general3A_439 {offsets = [65, 0], sizes = [1, 100], strides = [1, 1]} : vector<100x100xf32> to vector<1x100xf32>
    %squeeze3A_571 = vector.shape_cast %slice3A_570 : vector<1x100xf32> to vector<100xf32>
    %slice3A_572 = vector.extract_strided_slice %dot_general3A_439 {offsets = [66, 0], sizes = [1, 100], strides = [1, 1]} : vector<100x100xf32> to vector<1x100xf32>
    %squeeze3A_573 = vector.shape_cast %slice3A_572 : vector<1x100xf32> to vector<100xf32>
    %slice3A_574 = vector.extract_strided_slice %dot_general3A_439 {offsets = [67, 0], sizes = [1, 100], strides = [1, 1]} : vector<100x100xf32> to vector<1x100xf32>
    %squeeze3A_575 = vector.shape_cast %slice3A_574 : vector<1x100xf32> to vector<100xf32>
    %slice3A_576 = vector.extract_strided_slice %dot_general3A_439 {offsets = [68, 0], sizes = [1, 100], strides = [1, 1]} : vector<100x100xf32> to vector<1x100xf32>
    %squeeze3A_577 = vector.shape_cast %slice3A_576 : vector<1x100xf32> to vector<100xf32>
    %slice3A_578 = vector.extract_strided_slice %dot_general3A_439 {offsets = [69, 0], sizes = [1, 100], strides = [1, 1]} : vector<100x100xf32> to vector<1x100xf32>
    %squeeze3A_579 = vector.shape_cast %slice3A_578 : vector<1x100xf32> to vector<100xf32>
    %slice3A_580 = vector.extract_strided_slice %dot_general3A_439 {offsets = [70, 0], sizes = [1, 100], strides = [1, 1]} : vector<100x100xf32> to vector<1x100xf32>
    %squeeze3A_581 = vector.shape_cast %slice3A_580 : vector<1x100xf32> to vector<100xf32>
    %slice3A_582 = vector.extract_strided_slice %dot_general3A_439 {offsets = [71, 0], sizes = [1, 100], strides = [1, 1]} : vector<100x100xf32> to vector<1x100xf32>
    %squeeze3A_583 = vector.shape_cast %slice3A_582 : vector<1x100xf32> to vector<100xf32>
    %slice3A_584 = vector.extract_strided_slice %dot_general3A_439 {offsets = [72, 0], sizes = [1, 100], strides = [1, 1]} : vector<100x100xf32> to vector<1x100xf32>
    %squeeze3A_585 = vector.shape_cast %slice3A_584 : vector<1x100xf32> to vector<100xf32>
    %slice3A_586 = vector.extract_strided_slice %dot_general3A_439 {offsets = [73, 0], sizes = [1, 100], strides = [1, 1]} : vector<100x100xf32> to vector<1x100xf32>
    %squeeze3A_587 = vector.shape_cast %slice3A_586 : vector<1x100xf32> to vector<100xf32>
    %slice3A_588 = vector.extract_strided_slice %dot_general3A_439 {offsets = [74, 0], sizes = [1, 100], strides = [1, 1]} : vector<100x100xf32> to vector<1x100xf32>
    %squeeze3A_589 = vector.shape_cast %slice3A_588 : vector<1x100xf32> to vector<100xf32>
    %slice3A_590 = vector.extract_strided_slice %dot_general3A_439 {offsets = [75, 0], sizes = [1, 100], strides = [1, 1]} : vector<100x100xf32> to vector<1x100xf32>
    %squeeze3A_591 = vector.shape_cast %slice3A_590 : vector<1x100xf32> to vector<100xf32>
    %slice3A_592 = vector.extract_strided_slice %dot_general3A_439 {offsets = [76, 0], sizes = [1, 100], strides = [1, 1]} : vector<100x100xf32> to vector<1x100xf32>
    %squeeze3A_593 = vector.shape_cast %slice3A_592 : vector<1x100xf32> to vector<100xf32>
    %slice3A_594 = vector.extract_strided_slice %dot_general3A_439 {offsets = [77, 0], sizes = [1, 100], strides = [1, 1]} : vector<100x100xf32> to vector<1x100xf32>
    %squeeze3A_595 = vector.shape_cast %slice3A_594 : vector<1x100xf32> to vector<100xf32>
    %slice3A_596 = vector.extract_strided_slice %dot_general3A_439 {offsets = [78, 0], sizes = [1, 100], strides = [1, 1]} : vector<100x100xf32> to vector<1x100xf32>
    %squeeze3A_597 = vector.shape_cast %slice3A_596 : vector<1x100xf32> to vector<100xf32>
    %slice3A_598 = vector.extract_strided_slice %dot_general3A_439 {offsets = [79, 0], sizes = [1, 100], strides = [1, 1]} : vector<100x100xf32> to vector<1x100xf32>
    %squeeze3A_599 = vector.shape_cast %slice3A_598 : vector<1x100xf32> to vector<100xf32>
    %slice3A_600 = vector.extract_strided_slice %dot_general3A_439 {offsets = [80, 0], sizes = [1, 100], strides = [1, 1]} : vector<100x100xf32> to vector<1x100xf32>
    %squeeze3A_601 = vector.shape_cast %slice3A_600 : vector<1x100xf32> to vector<100xf32>
    %slice3A_602 = vector.extract_strided_slice %dot_general3A_439 {offsets = [81, 0], sizes = [1, 100], strides = [1, 1]} : vector<100x100xf32> to vector<1x100xf32>
    %squeeze3A_603 = vector.shape_cast %slice3A_602 : vector<1x100xf32> to vector<100xf32>
    %slice3A_604 = vector.extract_strided_slice %dot_general3A_439 {offsets = [82, 0], sizes = [1, 100], strides = [1, 1]} : vector<100x100xf32> to vector<1x100xf32>
    %squeeze3A_605 = vector.shape_cast %slice3A_604 : vector<1x100xf32> to vector<100xf32>
    %slice3A_606 = vector.extract_strided_slice %dot_general3A_439 {offsets = [83, 0], sizes = [1, 100], strides = [1, 1]} : vector<100x100xf32> to vector<1x100xf32>
    %squeeze3A_607 = vector.shape_cast %slice3A_606 : vector<1x100xf32> to vector<100xf32>
    %slice3A_608 = vector.extract_strided_slice %dot_general3A_439 {offsets = [84, 0], sizes = [1, 100], strides = [1, 1]} : vector<100x100xf32> to vector<1x100xf32>
    %squeeze3A_609 = vector.shape_cast %slice3A_608 : vector<1x100xf32> to vector<100xf32>
    %slice3A_610 = vector.extract_strided_slice %dot_general3A_439 {offsets = [85, 0], sizes = [1, 100], strides = [1, 1]} : vector<100x100xf32> to vector<1x100xf32>
    %squeeze3A_611 = vector.shape_cast %slice3A_610 : vector<1x100xf32> to vector<100xf32>
    %slice3A_612 = vector.extract_strided_slice %dot_general3A_439 {offsets = [86, 0], sizes = [1, 100], strides = [1, 1]} : vector<100x100xf32> to vector<1x100xf32>
    %squeeze3A_613 = vector.shape_cast %slice3A_612 : vector<1x100xf32> to vector<100xf32>
    %slice3A_614 = vector.extract_strided_slice %dot_general3A_439 {offsets = [87, 0], sizes = [1, 100], strides = [1, 1]} : vector<100x100xf32> to vector<1x100xf32>
    %squeeze3A_615 = vector.shape_cast %slice3A_614 : vector<1x100xf32> to vector<100xf32>
    %slice3A_616 = vector.extract_strided_slice %dot_general3A_439 {offsets = [88, 0], sizes = [1, 100], strides = [1, 1]} : vector<100x100xf32> to vector<1x100xf32>
    %squeeze3A_617 = vector.shape_cast %slice3A_616 : vector<1x100xf32> to vector<100xf32>
    %slice3A_618 = vector.extract_strided_slice %dot_general3A_439 {offsets = [89, 0], sizes = [1, 100], strides = [1, 1]} : vector<100x100xf32> to vector<1x100xf32>
    %squeeze3A_619 = vector.shape_cast %slice3A_618 : vector<1x100xf32> to vector<100xf32>
    %slice3A_620 = vector.extract_strided_slice %dot_general3A_439 {offsets = [90, 0], sizes = [1, 100], strides = [1, 1]} : vector<100x100xf32> to vector<1x100xf32>
    %squeeze3A_621 = vector.shape_cast %slice3A_620 : vector<1x100xf32> to vector<100xf32>
    %slice3A_622 = vector.extract_strided_slice %dot_general3A_439 {offsets = [91, 0], sizes = [1, 100], strides = [1, 1]} : vector<100x100xf32> to vector<1x100xf32>
    %squeeze3A_623 = vector.shape_cast %slice3A_622 : vector<1x100xf32> to vector<100xf32>
    %slice3A_624 = vector.extract_strided_slice %dot_general3A_439 {offsets = [92, 0], sizes = [1, 100], strides = [1, 1]} : vector<100x100xf32> to vector<1x100xf32>
    %squeeze3A_625 = vector.shape_cast %slice3A_624 : vector<1x100xf32> to vector<100xf32>
    %slice3A_626 = vector.extract_strided_slice %dot_general3A_439 {offsets = [93, 0], sizes = [1, 100], strides = [1, 1]} : vector<100x100xf32> to vector<1x100xf32>
    %squeeze3A_627 = vector.shape_cast %slice3A_626 : vector<1x100xf32> to vector<100xf32>
    %slice3A_628 = vector.extract_strided_slice %dot_general3A_439 {offsets = [94, 0], sizes = [1, 100], strides = [1, 1]} : vector<100x100xf32> to vector<1x100xf32>
    %squeeze3A_629 = vector.shape_cast %slice3A_628 : vector<1x100xf32> to vector<100xf32>
    %slice3A_630 = vector.extract_strided_slice %dot_general3A_439 {offsets = [95, 0], sizes = [1, 100], strides = [1, 1]} : vector<100x100xf32> to vector<1x100xf32>
    %squeeze3A_631 = vector.shape_cast %slice3A_630 : vector<1x100xf32> to vector<100xf32>
    %slice3A_632 = vector.extract_strided_slice %dot_general3A_439 {offsets = [96, 0], sizes = [1, 100], strides = [1, 1]} : vector<100x100xf32> to vector<1x100xf32>
    %squeeze3A_633 = vector.shape_cast %slice3A_632 : vector<1x100xf32> to vector<100xf32>
    %slice3A_634 = vector.extract_strided_slice %dot_general3A_439 {offsets = [97, 0], sizes = [1, 100], strides = [1, 1]} : vector<100x100xf32> to vector<1x100xf32>
    %squeeze3A_635 = vector.shape_cast %slice3A_634 : vector<1x100xf32> to vector<100xf32>
    %slice3A_636 = vector.extract_strided_slice %dot_general3A_439 {offsets = [98, 0], sizes = [1, 100], strides = [1, 1]} : vector<100x100xf32> to vector<1x100xf32>
    %squeeze3A_637 = vector.shape_cast %slice3A_636 : vector<1x100xf32> to vector<100xf32>
    %slice3A_638 = vector.extract_strided_slice %dot_general3A_439 {offsets = [99, 0], sizes = [1, 100], strides = [1, 1]} : vector<100x100xf32> to vector<1x100xf32>
    %squeeze3A_639 = vector.shape_cast %slice3A_638 : vector<1x100xf32> to vector<100xf32>
    %concatenate3A_640 = tpu.concatenate %squeeze3A_441, %squeeze3A_443, %squeeze3A_445, %squeeze3A_447, %squeeze3A_449, %squeeze3A_451, %squeeze3A_453, %squeeze3A_455, %squeeze3A_457, %squeeze3A_459, %squeeze3A_461, %squeeze3A_463, %squeeze3A_465, %squeeze3A_467, %squeeze3A_469, %squeeze3A_471, %squeeze3A_473, %squeeze3A_475, %squeeze3A_477, %squeeze3A_479, %squeeze3A_481, %squeeze3A_483, %squeeze3A_485, %squeeze3A_487, %squeeze3A_489, %squeeze3A_491, %squeeze3A_493, %squeeze3A_495, %squeeze3A_497, %squeeze3A_499, %squeeze3A_501, %squeeze3A_503, %squeeze3A_505, %squeeze3A_507, %squeeze3A_509, %squeeze3A_511, %squeeze3A_513, %squeeze3A_515, %squeeze3A_517, %squeeze3A_519, %squeeze3A_521, %squeeze3A_523, %squeeze3A_525, %squeeze3A_527, %squeeze3A_529, %squeeze3A_531, %squeeze3A_533, %squeeze3A_535, %squeeze3A_537, %squeeze3A_539, %squeeze3A_541, %squeeze3A_543, %squeeze3A_545, %squeeze3A_547, %squeeze3A_549, %squeeze3A_551, %squeeze3A_553, %squeeze3A_555, %squeeze3A_557, %squeeze3A_559, %squeeze3A_561, %squeeze3A_563, %squeeze3A_565, %squeeze3A_567, %squeeze3A_569, %squeeze3A_571, %squeeze3A_573, %squeeze3A_575, %squeeze3A_577, %squeeze3A_579, %squeeze3A_581, %squeeze3A_583, %squeeze3A_585, %squeeze3A_587, %squeeze3A_589, %squeeze3A_591, %squeeze3A_593, %squeeze3A_595, %squeeze3A_597, %squeeze3A_599, %squeeze3A_601, %squeeze3A_603, %squeeze3A_605, %squeeze3A_607, %squeeze3A_609, %squeeze3A_611, %squeeze3A_613, %squeeze3A_615, %squeeze3A_617, %squeeze3A_619, %squeeze3A_621, %squeeze3A_623, %squeeze3A_625, %squeeze3A_627, %squeeze3A_629, %squeeze3A_631, %squeeze3A_633, %squeeze3A_635, %squeeze3A_637, %squeeze3A_639, %broadcast_in_dim3A_12 in 0 : vector<100xf32>, vector<100xf32>, vector<100xf32>, vector<100xf32>, vector<100xf32>, vector<100xf32>, vector<100xf32>, vector<100xf32>, vector<100xf32>, vector<100xf32>, vector<100xf32>, vector<100xf32>, vector<100xf32>, vector<100xf32>, vector<100xf32>, vector<100xf32>, vector<100xf32>, vector<100xf32>, vector<100xf32>, vector<100xf32>, vector<100xf32>, vector<100xf32>, vector<100xf32>, vector<100xf32>, vector<100xf32>, vector<100xf32>, vector<100xf32>, vector<100xf32>, vector<100xf32>, vector<100xf32>, vector<100xf32>, vector<100xf32>, vector<100xf32>, vector<100xf32>, vector<100xf32>, vector<100xf32>, vector<100xf32>, vector<100xf32>, vector<100xf32>, vector<100xf32>, vector<100xf32>, vector<100xf32>, vector<100xf32>, vector<100xf32>, vector<100xf32>, vector<100xf32>, vector<100xf32>, vector<100xf32>, vector<100xf32>, vector<100xf32>, vector<100xf32>, vector<100xf32>, vector<100xf32>, vector<100xf32>, vector<100xf32>, vector<100xf32>, vector<100xf32>, vector<100xf32>, vector<100xf32>, vector<100xf32>, vector<100xf32>, vector<100xf32>, vector<100xf32>, vector<100xf32>, vector<100xf32>, vector<100xf32>, vector<100xf32>, vector<100xf32>, vector<100xf32>, vector<100xf32>, vector<100xf32>, vector<100xf32>, vector<100xf32>, vector<100xf32>, vector<100xf32>, vector<100xf32>, vector<100xf32>, vector<100xf32>, vector<100xf32>, vector<100xf32>, vector<100xf32>, vector<100xf32>, vector<100xf32>, vector<100xf32>, vector<100xf32>, vector<100xf32>, vector<100xf32>, vector<100xf32>, vector<100xf32>, vector<100xf32>, vector<100xf32>, vector<100xf32>, vector<100xf32>, vector<100xf32>, vector<100xf32>, vector<100xf32>, vector<100xf32>, vector<100xf32>, vector<100xf32>, vector<100xf32>, vector<240xf32> -> vector<10240xf32>
    %stack3A = vector.shape_cast %concatenate3A : vector<10240xf32> to vector<1x10240xf32>
    %stack3A_641 = vector.shape_cast %concatenate3A_429 : vector<10240xf32> to vector<1x10240xf32>
    %stack3A_642 = vector.shape_cast %concatenate3A_640 : vector<10240xf32> to vector<1x10240xf32>
    %stack3A_643 = tpu.concatenate %stack3A, %stack3A_641, %stack3A_642 in 0 : vector<1x10240xf32>, vector<1x10240xf32>, vector<1x10240xf32> -> vector<3x10240xf32>
    %transpose3A = tpu.transpose %stack3A_643, [1, 0] : vector<3x10240xf32> -> vector<10240x3xf32>
    %swap3A = arith.constant 0 : index
    %swap3A_644 = arith.constant 0 : index
    %swap3A_645 = arith.constant 0 : index
    %swap3A_646 = vector.load %arg4[%swap3A, %swap3A_644, %swap3A_645] : memref<1x10240x16xf32, #tpu.memory_space<vmem>>, vector<1x10240x3xf32>
    %swap3A_647 = vector.shape_cast %swap3A_646 : vector<1x10240x3xf32> to vector<10240x3xf32>
    %swap3A_648 = vector.shape_cast %transpose3A : vector<10240x3xf32> to vector<1x10240x3xf32>
    tpu.vector_store %arg4[%swap3A, %swap3A_644, %swap3A_645], %swap3A_648 {strides = array<i32>} : memref<1x10240x16xf32, #tpu.memory_space<vmem>>, vector<1x10240x3xf32>,
    %broadcast_in_dim3A_649 = arith.constant 0.000000e+00 : f32
    %broadcast_in_dim3A_650 = vector.broadcast %broadcast_in_dim3A_649 : f32 to vector<10240x13xf32>
    %swap3A_651 = arith.constant 0 : index
    %swap3A_652 = arith.constant 0 : index
    %swap3A_653 = arith.constant 3 : index
    %swap3A_654 = vector.load %arg4[%swap3A_651, %swap3A_652, %swap3A_653] : memref<1x10240x16xf32, #tpu.memory_space<vmem>>, vector<1x10240x13xf32>
    %swap3A_655 = vector.shape_cast %swap3A_654 : vector<1x10240x13xf32> to vector<10240x13xf32>
    %swap3A_656 = vector.shape_cast %broadcast_in_dim3A_650 : vector<10240x13xf32> to vector<1x10240x13xf32>
    tpu.vector_store %arg4[%swap3A_651, %swap3A_652, %swap3A_653], %swap3A_656 {strides = array<i32>} : memref<1x10240x16xf32, #tpu.memory_space<vmem>>, vector<1x10240x13xf32>,
    %get3A_657 = arith.constant 0 : index
    %get3A_658 = arith.constant 0 : index
    %get3A_659 = arith.constant 0 : index
    %get3A_660 = arith.constant 0 : index
    %get3A_661 = vector.load %arg2[%get3A_657, %get3A_658, %get3A_659, %get3A_660] : memref<1x3x400x400xf32, #tpu.memory_space<vmem>>, vector<1x1x400x400xf32>
    %get3A_662 = vector.shape_cast %get3A_661 : vector<1x1x400x400xf32> to vector<400x400xf32>
    %dot_general3A_663 = arith.constant dense<0.000000e+00> : vector<100x400xf32>
    %dot_general3A_664 = tpu.matmul %convert_element_type3A_3, %get3A_662, %dot_general3A_663 {dimension_numbers = #tpu.dot_dimension_numbers<[1], [0], [0], [1], [0, 0, 1, 1], [], []>, precision = #tpu.contract_precision<fp32>, transpose_lhs_hint = false} : vector<100x400xf32>, vector<400x400xf32>, vector<100x400xf32> -> vector<100x400xf32>
    %dot_general3A_665 = arith.constant dense<0.000000e+00> : vector<100x100xf32>
    %dot_general3A_666 = tpu.matmul %dot_general3A_664, %convert_element_type3A_11, %dot_general3A_665 {dimension_numbers = #tpu.dot_dimension_numbers<[1], [0], [0], [1], [0, 0, 1, 1], [], []>, precision = #tpu.contract_precision<fp32>, transpose_lhs_hint = false} : vector<100x400xf32>, vector<400x100xf32>, vector<100x100xf32> -> vector<100x100xf32>
    %slice3A_667 = vector.extract_strided_slice %dot_general3A_666 {offsets = [0, 0], sizes = [1, 100], strides = [1, 1]} : vector<100x100xf32> to vector<1x100xf32>
    %squeeze3A_668 = vector.shape_cast %slice3A_667 : vector<1x100xf32> to vector<100xf32>
    %slice3A_669 = vector.extract_strided_slice %dot_general3A_666 {offsets = [1, 0], sizes = [1, 100], strides = [1, 1]} : vector<100x100xf32> to vector<1x100xf32>
    %squeeze3A_670 = vector.shape_cast %slice3A_669 : vector<1x100xf32> to vector<100xf32>
    %slice3A_671 = vector.extract_strided_slice %dot_general3A_666 {offsets = [2, 0], sizes = [1, 100], strides = [1, 1]} : vector<100x100xf32> to vector<1x100xf32>
    %squeeze3A_672 = vector.shape_cast %slice3A_671 : vector<1x100xf32> to vector<100xf32>
    %slice3A_673 = vector.extract_strided_slice %dot_general3A_666 {offsets = [3, 0], sizes = [1, 100], strides = [1, 1]} : vector<100x100xf32> to vector<1x100xf32>
    %squeeze3A_674 = vector.shape_cast %slice3A_673 : vector<1x100xf32> to vector<100xf32>
    %slice3A_675 = vector.extract_strided_slice %dot_general3A_666 {offsets = [4, 0], sizes = [1, 100], strides = [1, 1]} : vector<100x100xf32> to vector<1x100xf32>
    %squeeze3A_676 = vector.shape_cast %slice3A_675 : vector<1x100xf32> to vector<100xf32>
    %slice3A_677 = vector.extract_strided_slice %dot_general3A_666 {offsets = [5, 0], sizes = [1, 100], strides = [1, 1]} : vector<100x100xf32> to vector<1x100xf32>
    %squeeze3A_678 = vector.shape_cast %slice3A_677 : vector<1x100xf32> to vector<100xf32>
    %slice3A_679 = vector.extract_strided_slice %dot_general3A_666 {offsets = [6, 0], sizes = [1, 100], strides = [1, 1]} : vector<100x100xf32> to vector<1x100xf32>
    %squeeze3A_680 = vector.shape_cast %slice3A_679 : vector<1x100xf32> to vector<100xf32>
    %slice3A_681 = vector.extract_strided_slice %dot_general3A_666 {offsets = [7, 0], sizes = [1, 100], strides = [1, 1]} : vector<100x100xf32> to vector<1x100xf32>
    %squeeze3A_682 = vector.shape_cast %slice3A_681 : vector<1x100xf32> to vector<100xf32>
    %slice3A_683 = vector.extract_strided_slice %dot_general3A_666 {offsets = [8, 0], sizes = [1, 100], strides = [1, 1]} : vector<100x100xf32> to vector<1x100xf32>
    %squeeze3A_684 = vector.shape_cast %slice3A_683 : vector<1x100xf32> to vector<100xf32>
    %slice3A_685 = vector.extract_strided_slice %dot_general3A_666 {offsets = [9, 0], sizes = [1, 100], strides = [1, 1]} : vector<100x100xf32> to vector<1x100xf32>
    %squeeze3A_686 = vector.shape_cast %slice3A_685 : vector<1x100xf32> to vector<100xf32>
    %slice3A_687 = vector.extract_strided_slice %dot_general3A_666 {offsets = [10, 0], sizes = [1, 100], strides = [1, 1]} : vector<100x100xf32> to vector<1x100xf32>
    %squeeze3A_688 = vector.shape_cast %slice3A_687 : vector<1x100xf32> to vector<100xf32>
    %slice3A_689 = vector.extract_strided_slice %dot_general3A_666 {offsets = [11, 0], sizes = [1, 100], strides = [1, 1]} : vector<100x100xf32> to vector<1x100xf32>
    %squeeze3A_690 = vector.shape_cast %slice3A_689 : vector<1x100xf32> to vector<100xf32>
    %slice3A_691 = vector.extract_strided_slice %dot_general3A_666 {offsets = [12, 0], sizes = [1, 100], strides = [1, 1]} : vector<100x100xf32> to vector<1x100xf32>
    %squeeze3A_692 = vector.shape_cast %slice3A_691 : vector<1x100xf32> to vector<100xf32>
    %slice3A_693 = vector.extract_strided_slice %dot_general3A_666 {offsets = [13, 0], sizes = [1, 100], strides = [1, 1]} : vector<100x100xf32> to vector<1x100xf32>
    %squeeze3A_694 = vector.shape_cast %slice3A_693 : vector<1x100xf32> to vector<100xf32>
    %slice3A_695 = vector.extract_strided_slice %dot_general3A_666 {offsets = [14, 0], sizes = [1, 100], strides = [1, 1]} : vector<100x100xf32> to vector<1x100xf32>
    %squeeze3A_696 = vector.shape_cast %slice3A_695 : vector<1x100xf32> to vector<100xf32>
    %slice3A_697 = vector.extract_strided_slice %dot_general3A_666 {offsets = [15, 0], sizes = [1, 100], strides = [1, 1]} : vector<100x100xf32> to vector<1x100xf32>
    %squeeze3A_698 = vector.shape_cast %slice3A_697 : vector<1x100xf32> to vector<100xf32>
    %slice3A_699 = vector.extract_strided_slice %dot_general3A_666 {offsets = [16, 0], sizes = [1, 100], strides = [1, 1]} : vector<100x100xf32> to vector<1x100xf32>
    %squeeze3A_700 = vector.shape_cast %slice3A_699 : vector<1x100xf32> to vector<100xf32>
    %slice3A_701 = vector.extract_strided_slice %dot_general3A_666 {offsets = [17, 0], sizes = [1, 100], strides = [1, 1]} : vector<100x100xf32> to vector<1x100xf32>
    %squeeze3A_702 = vector.shape_cast %slice3A_701 : vector<1x100xf32> to vector<100xf32>
    %slice3A_703 = vector.extract_strided_slice %dot_general3A_666 {offsets = [18, 0], sizes = [1, 100], strides = [1, 1]} : vector<100x100xf32> to vector<1x100xf32>
    %squeeze3A_704 = vector.shape_cast %slice3A_703 : vector<1x100xf32> to vector<100xf32>
    %slice3A_705 = vector.extract_strided_slice %dot_general3A_666 {offsets = [19, 0], sizes = [1, 100], strides = [1, 1]} : vector<100x100xf32> to vector<1x100xf32>
    %squeeze3A_706 = vector.shape_cast %slice3A_705 : vector<1x100xf32> to vector<100xf32>
    %slice3A_707 = vector.extract_strided_slice %dot_general3A_666 {offsets = [20, 0], sizes = [1, 100], strides = [1, 1]} : vector<100x100xf32> to vector<1x100xf32>
    %squeeze3A_708 = vector.shape_cast %slice3A_707 : vector<1x100xf32> to vector<100xf32>
    %slice3A_709 = vector.extract_strided_slice %dot_general3A_666 {offsets = [21, 0], sizes = [1, 100], strides = [1, 1]} : vector<100x100xf32> to vector<1x100xf32>
    %squeeze3A_710 = vector.shape_cast %slice3A_709 : vector<1x100xf32> to vector<100xf32>
    %slice3A_711 = vector.extract_strided_slice %dot_general3A_666 {offsets = [22, 0], sizes = [1, 100], strides = [1, 1]} : vector<100x100xf32> to vector<1x100xf32>
    %squeeze3A_712 = vector.shape_cast %slice3A_711 : vector<1x100xf32> to vector<100xf32>
    %slice3A_713 = vector.extract_strided_slice %dot_general3A_666 {offsets = [23, 0], sizes = [1, 100], strides = [1, 1]} : vector<100x100xf32> to vector<1x100xf32>
    %squeeze3A_714 = vector.shape_cast %slice3A_713 : vector<1x100xf32> to vector<100xf32>
    %slice3A_715 = vector.extract_strided_slice %dot_general3A_666 {offsets = [24, 0], sizes = [1, 100], strides = [1, 1]} : vector<100x100xf32> to vector<1x100xf32>
    %squeeze3A_716 = vector.shape_cast %slice3A_715 : vector<1x100xf32> to vector<100xf32>
    %slice3A_717 = vector.extract_strided_slice %dot_general3A_666 {offsets = [25, 0], sizes = [1, 100], strides = [1, 1]} : vector<100x100xf32> to vector<1x100xf32>
    %squeeze3A_718 = vector.shape_cast %slice3A_717 : vector<1x100xf32> to vector<100xf32>
    %slice3A_719 = vector.extract_strided_slice %dot_general3A_666 {offsets = [26, 0], sizes = [1, 100], strides = [1, 1]} : vector<100x100xf32> to vector<1x100xf32>
    %squeeze3A_720 = vector.shape_cast %slice3A_719 : vector<1x100xf32> to vector<100xf32>
    %slice3A_721 = vector.extract_strided_slice %dot_general3A_666 {offsets = [27, 0], sizes = [1, 100], strides = [1, 1]} : vector<100x100xf32> to vector<1x100xf32>
    %squeeze3A_722 = vector.shape_cast %slice3A_721 : vector<1x100xf32> to vector<100xf32>
    %slice3A_723 = vector.extract_strided_slice %dot_general3A_666 {offsets = [28, 0], sizes = [1, 100], strides = [1, 1]} : vector<100x100xf32> to vector<1x100xf32>
    %squeeze3A_724 = vector.shape_cast %slice3A_723 : vector<1x100xf32> to vector<100xf32>
    %slice3A_725 = vector.extract_strided_slice %dot_general3A_666 {offsets = [29, 0], sizes = [1, 100], strides = [1, 1]} : vector<100x100xf32> to vector<1x100xf32>
    %squeeze3A_726 = vector.shape_cast %slice3A_725 : vector<1x100xf32> to vector<100xf32>
    %slice3A_727 = vector.extract_strided_slice %dot_general3A_666 {offsets = [30, 0], sizes = [1, 100], strides = [1, 1]} : vector<100x100xf32> to vector<1x100xf32>
    %squeeze3A_728 = vector.shape_cast %slice3A_727 : vector<1x100xf32> to vector<100xf32>
    %slice3A_729 = vector.extract_strided_slice %dot_general3A_666 {offsets = [31, 0], sizes = [1, 100], strides = [1, 1]} : vector<100x100xf32> to vector<1x100xf32>
    %squeeze3A_730 = vector.shape_cast %slice3A_729 : vector<1x100xf32> to vector<100xf32>
    %slice3A_731 = vector.extract_strided_slice %dot_general3A_666 {offsets = [32, 0], sizes = [1, 100], strides = [1, 1]} : vector<100x100xf32> to vector<1x100xf32>
    %squeeze3A_732 = vector.shape_cast %slice3A_731 : vector<1x100xf32> to vector<100xf32>
    %slice3A_733 = vector.extract_strided_slice %dot_general3A_666 {offsets = [33, 0], sizes = [1, 100], strides = [1, 1]} : vector<100x100xf32> to vector<1x100xf32>
    %squeeze3A_734 = vector.shape_cast %slice3A_733 : vector<1x100xf32> to vector<100xf32>
    %slice3A_735 = vector.extract_strided_slice %dot_general3A_666 {offsets = [34, 0], sizes = [1, 100], strides = [1, 1]} : vector<100x100xf32> to vector<1x100xf32>
    %squeeze3A_736 = vector.shape_cast %slice3A_735 : vector<1x100xf32> to vector<100xf32>
    %slice3A_737 = vector.extract_strided_slice %dot_general3A_666 {offsets = [35, 0], sizes = [1, 100], strides = [1, 1]} : vector<100x100xf32> to vector<1x100xf32>
    %squeeze3A_738 = vector.shape_cast %slice3A_737 : vector<1x100xf32> to vector<100xf32>
    %slice3A_739 = vector.extract_strided_slice %dot_general3A_666 {offsets = [36, 0], sizes = [1, 100], strides = [1, 1]} : vector<100x100xf32> to vector<1x100xf32>
    %squeeze3A_740 = vector.shape_cast %slice3A_739 : vector<1x100xf32> to vector<100xf32>
    %slice3A_741 = vector.extract_strided_slice %dot_general3A_666 {offsets = [37, 0], sizes = [1, 100], strides = [1, 1]} : vector<100x100xf32> to vector<1x100xf32>
    %squeeze3A_742 = vector.shape_cast %slice3A_741 : vector<1x100xf32> to vector<100xf32>
    %slice3A_743 = vector.extract_strided_slice %dot_general3A_666 {offsets = [38, 0], sizes = [1, 100], strides = [1, 1]} : vector<100x100xf32> to vector<1x100xf32>
    %squeeze3A_744 = vector.shape_cast %slice3A_743 : vector<1x100xf32> to vector<100xf32>
    %slice3A_745 = vector.extract_strided_slice %dot_general3A_666 {offsets = [39, 0], sizes = [1, 100], strides = [1, 1]} : vector<100x100xf32> to vector<1x100xf32>
    %squeeze3A_746 = vector.shape_cast %slice3A_745 : vector<1x100xf32> to vector<100xf32>
    %slice3A_747 = vector.extract_strided_slice %dot_general3A_666 {offsets = [40, 0], sizes = [1, 100], strides = [1, 1]} : vector<100x100xf32> to vector<1x100xf32>
    %squeeze3A_748 = vector.shape_cast %slice3A_747 : vector<1x100xf32> to vector<100xf32>
    %slice3A_749 = vector.extract_strided_slice %dot_general3A_666 {offsets = [41, 0], sizes = [1, 100], strides = [1, 1]} : vector<100x100xf32> to vector<1x100xf32>
    %squeeze3A_750 = vector.shape_cast %slice3A_749 : vector<1x100xf32> to vector<100xf32>
    %slice3A_751 = vector.extract_strided_slice %dot_general3A_666 {offsets = [42, 0], sizes = [1, 100], strides = [1, 1]} : vector<100x100xf32> to vector<1x100xf32>
    %squeeze3A_752 = vector.shape_cast %slice3A_751 : vector<1x100xf32> to vector<100xf32>
    %slice3A_753 = vector.extract_strided_slice %dot_general3A_666 {offsets = [43, 0], sizes = [1, 100], strides = [1, 1]} : vector<100x100xf32> to vector<1x100xf32>
    %squeeze3A_754 = vector.shape_cast %slice3A_753 : vector<1x100xf32> to vector<100xf32>
    %slice3A_755 = vector.extract_strided_slice %dot_general3A_666 {offsets = [44, 0], sizes = [1, 100], strides = [1, 1]} : vector<100x100xf32> to vector<1x100xf32>
    %squeeze3A_756 = vector.shape_cast %slice3A_755 : vector<1x100xf32> to vector<100xf32>
    %slice3A_757 = vector.extract_strided_slice %dot_general3A_666 {offsets = [45, 0], sizes = [1, 100], strides = [1, 1]} : vector<100x100xf32> to vector<1x100xf32>
    %squeeze3A_758 = vector.shape_cast %slice3A_757 : vector<1x100xf32> to vector<100xf32>
    %slice3A_759 = vector.extract_strided_slice %dot_general3A_666 {offsets = [46, 0], sizes = [1, 100], strides = [1, 1]} : vector<100x100xf32> to vector<1x100xf32>
    %squeeze3A_760 = vector.shape_cast %slice3A_759 : vector<1x100xf32> to vector<100xf32>
    %slice3A_761 = vector.extract_strided_slice %dot_general3A_666 {offsets = [47, 0], sizes = [1, 100], strides = [1, 1]} : vector<100x100xf32> to vector<1x100xf32>
    %squeeze3A_762 = vector.shape_cast %slice3A_761 : vector<1x100xf32> to vector<100xf32>
    %slice3A_763 = vector.extract_strided_slice %dot_general3A_666 {offsets = [48, 0], sizes = [1, 100], strides = [1, 1]} : vector<100x100xf32> to vector<1x100xf32>
    %squeeze3A_764 = vector.shape_cast %slice3A_763 : vector<1x100xf32> to vector<100xf32>
    %slice3A_765 = vector.extract_strided_slice %dot_general3A_666 {offsets = [49, 0], sizes = [1, 100], strides = [1, 1]} : vector<100x100xf32> to vector<1x100xf32>
    %squeeze3A_766 = vector.shape_cast %slice3A_765 : vector<1x100xf32> to vector<100xf32>
    %slice3A_767 = vector.extract_strided_slice %dot_general3A_666 {offsets = [50, 0], sizes = [1, 100], strides = [1, 1]} : vector<100x100xf32> to vector<1x100xf32>
    %squeeze3A_768 = vector.shape_cast %slice3A_767 : vector<1x100xf32> to vector<100xf32>
    %slice3A_769 = vector.extract_strided_slice %dot_general3A_666 {offsets = [51, 0], sizes = [1, 100], strides = [1, 1]} : vector<100x100xf32> to vector<1x100xf32>
    %squeeze3A_770 = vector.shape_cast %slice3A_769 : vector<1x100xf32> to vector<100xf32>
    %slice3A_771 = vector.extract_strided_slice %dot_general3A_666 {offsets = [52, 0], sizes = [1, 100], strides = [1, 1]} : vector<100x100xf32> to vector<1x100xf32>
    %squeeze3A_772 = vector.shape_cast %slice3A_771 : vector<1x100xf32> to vector<100xf32>
    %slice3A_773 = vector.extract_strided_slice %dot_general3A_666 {offsets = [53, 0], sizes = [1, 100], strides = [1, 1]} : vector<100x100xf32> to vector<1x100xf32>
    %squeeze3A_774 = vector.shape_cast %slice3A_773 : vector<1x100xf32> to vector<100xf32>
    %slice3A_775 = vector.extract_strided_slice %dot_general3A_666 {offsets = [54, 0], sizes = [1, 100], strides = [1, 1]} : vector<100x100xf32> to vector<1x100xf32>
    %squeeze3A_776 = vector.shape_cast %slice3A_775 : vector<1x100xf32> to vector<100xf32>
    %slice3A_777 = vector.extract_strided_slice %dot_general3A_666 {offsets = [55, 0], sizes = [1, 100], strides = [1, 1]} : vector<100x100xf32> to vector<1x100xf32>
    %squeeze3A_778 = vector.shape_cast %slice3A_777 : vector<1x100xf32> to vector<100xf32>
    %slice3A_779 = vector.extract_strided_slice %dot_general3A_666 {offsets = [56, 0], sizes = [1, 100], strides = [1, 1]} : vector<100x100xf32> to vector<1x100xf32>
    %squeeze3A_780 = vector.shape_cast %slice3A_779 : vector<1x100xf32> to vector<100xf32>
    %slice3A_781 = vector.extract_strided_slice %dot_general3A_666 {offsets = [57, 0], sizes = [1, 100], strides = [1, 1]} : vector<100x100xf32> to vector<1x100xf32>
    %squeeze3A_782 = vector.shape_cast %slice3A_781 : vector<1x100xf32> to vector<100xf32>
    %slice3A_783 = vector.extract_strided_slice %dot_general3A_666 {offsets = [58, 0], sizes = [1, 100], strides = [1, 1]} : vector<100x100xf32> to vector<1x100xf32>
    %squeeze3A_784 = vector.shape_cast %slice3A_783 : vector<1x100xf32> to vector<100xf32>
    %slice3A_785 = vector.extract_strided_slice %dot_general3A_666 {offsets = [59, 0], sizes = [1, 100], strides = [1, 1]} : vector<100x100xf32> to vector<1x100xf32>
    %squeeze3A_786 = vector.shape_cast %slice3A_785 : vector<1x100xf32> to vector<100xf32>
    %slice3A_787 = vector.extract_strided_slice %dot_general3A_666 {offsets = [60, 0], sizes = [1, 100], strides = [1, 1]} : vector<100x100xf32> to vector<1x100xf32>
    %squeeze3A_788 = vector.shape_cast %slice3A_787 : vector<1x100xf32> to vector<100xf32>
    %slice3A_789 = vector.extract_strided_slice %dot_general3A_666 {offsets = [61, 0], sizes = [1, 100], strides = [1, 1]} : vector<100x100xf32> to vector<1x100xf32>
    %squeeze3A_790 = vector.shape_cast %slice3A_789 : vector<1x100xf32> to vector<100xf32>
    %slice3A_791 = vector.extract_strided_slice %dot_general3A_666 {offsets = [62, 0], sizes = [1, 100], strides = [1, 1]} : vector<100x100xf32> to vector<1x100xf32>
    %squeeze3A_792 = vector.shape_cast %slice3A_791 : vector<1x100xf32> to vector<100xf32>
    %slice3A_793 = vector.extract_strided_slice %dot_general3A_666 {offsets = [63, 0], sizes = [1, 100], strides = [1, 1]} : vector<100x100xf32> to vector<1x100xf32>
    %squeeze3A_794 = vector.shape_cast %slice3A_793 : vector<1x100xf32> to vector<100xf32>
    %slice3A_795 = vector.extract_strided_slice %dot_general3A_666 {offsets = [64, 0], sizes = [1, 100], strides = [1, 1]} : vector<100x100xf32> to vector<1x100xf32>
    %squeeze3A_796 = vector.shape_cast %slice3A_795 : vector<1x100xf32> to vector<100xf32>
    %slice3A_797 = vector.extract_strided_slice %dot_general3A_666 {offsets = [65, 0], sizes = [1, 100], strides = [1, 1]} : vector<100x100xf32> to vector<1x100xf32>
    %squeeze3A_798 = vector.shape_cast %slice3A_797 : vector<1x100xf32> to vector<100xf32>
    %slice3A_799 = vector.extract_strided_slice %dot_general3A_666 {offsets = [66, 0], sizes = [1, 100], strides = [1, 1]} : vector<100x100xf32> to vector<1x100xf32>
    %squeeze3A_800 = vector.shape_cast %slice3A_799 : vector<1x100xf32> to vector<100xf32>
    %slice3A_801 = vector.extract_strided_slice %dot_general3A_666 {offsets = [67, 0], sizes = [1, 100], strides = [1, 1]} : vector<100x100xf32> to vector<1x100xf32>
    %squeeze3A_802 = vector.shape_cast %slice3A_801 : vector<1x100xf32> to vector<100xf32>
    %slice3A_803 = vector.extract_strided_slice %dot_general3A_666 {offsets = [68, 0], sizes = [1, 100], strides = [1, 1]} : vector<100x100xf32> to vector<1x100xf32>
    %squeeze3A_804 = vector.shape_cast %slice3A_803 : vector<1x100xf32> to vector<100xf32>
    %slice3A_805 = vector.extract_strided_slice %dot_general3A_666 {offsets = [69, 0], sizes = [1, 100], strides = [1, 1]} : vector<100x100xf32> to vector<1x100xf32>
    %squeeze3A_806 = vector.shape_cast %slice3A_805 : vector<1x100xf32> to vector<100xf32>
    %slice3A_807 = vector.extract_strided_slice %dot_general3A_666 {offsets = [70, 0], sizes = [1, 100], strides = [1, 1]} : vector<100x100xf32> to vector<1x100xf32>
    %squeeze3A_808 = vector.shape_cast %slice3A_807 : vector<1x100xf32> to vector<100xf32>
    %slice3A_809 = vector.extract_strided_slice %dot_general3A_666 {offsets = [71, 0], sizes = [1, 100], strides = [1, 1]} : vector<100x100xf32> to vector<1x100xf32>
    %squeeze3A_810 = vector.shape_cast %slice3A_809 : vector<1x100xf32> to vector<100xf32>
    %slice3A_811 = vector.extract_strided_slice %dot_general3A_666 {offsets = [72, 0], sizes = [1, 100], strides = [1, 1]} : vector<100x100xf32> to vector<1x100xf32>
    %squeeze3A_812 = vector.shape_cast %slice3A_811 : vector<1x100xf32> to vector<100xf32>
    %slice3A_813 = vector.extract_strided_slice %dot_general3A_666 {offsets = [73, 0], sizes = [1, 100], strides = [1, 1]} : vector<100x100xf32> to vector<1x100xf32>
    %squeeze3A_814 = vector.shape_cast %slice3A_813 : vector<1x100xf32> to vector<100xf32>
    %slice3A_815 = vector.extract_strided_slice %dot_general3A_666 {offsets = [74, 0], sizes = [1, 100], strides = [1, 1]} : vector<100x100xf32> to vector<1x100xf32>
    %squeeze3A_816 = vector.shape_cast %slice3A_815 : vector<1x100xf32> to vector<100xf32>
    %slice3A_817 = vector.extract_strided_slice %dot_general3A_666 {offsets = [75, 0], sizes = [1, 100], strides = [1, 1]} : vector<100x100xf32> to vector<1x100xf32>
    %squeeze3A_818 = vector.shape_cast %slice3A_817 : vector<1x100xf32> to vector<100xf32>
    %slice3A_819 = vector.extract_strided_slice %dot_general3A_666 {offsets = [76, 0], sizes = [1, 100], strides = [1, 1]} : vector<100x100xf32> to vector<1x100xf32>
    %squeeze3A_820 = vector.shape_cast %slice3A_819 : vector<1x100xf32> to vector<100xf32>
    %slice3A_821 = vector.extract_strided_slice %dot_general3A_666 {offsets = [77, 0], sizes = [1, 100], strides = [1, 1]} : vector<100x100xf32> to vector<1x100xf32>
    %squeeze3A_822 = vector.shape_cast %slice3A_821 : vector<1x100xf32> to vector<100xf32>
    %slice3A_823 = vector.extract_strided_slice %dot_general3A_666 {offsets = [78, 0], sizes = [1, 100], strides = [1, 1]} : vector<100x100xf32> to vector<1x100xf32>
    %squeeze3A_824 = vector.shape_cast %slice3A_823 : vector<1x100xf32> to vector<100xf32>
    %slice3A_825 = vector.extract_strided_slice %dot_general3A_666 {offsets = [79, 0], sizes = [1, 100], strides = [1, 1]} : vector<100x100xf32> to vector<1x100xf32>
    %squeeze3A_826 = vector.shape_cast %slice3A_825 : vector<1x100xf32> to vector<100xf32>
    %slice3A_827 = vector.extract_strided_slice %dot_general3A_666 {offsets = [80, 0], sizes = [1, 100], strides = [1, 1]} : vector<100x100xf32> to vector<1x100xf32>
    %squeeze3A_828 = vector.shape_cast %slice3A_827 : vector<1x100xf32> to vector<100xf32>
    %slice3A_829 = vector.extract_strided_slice %dot_general3A_666 {offsets = [81, 0], sizes = [1, 100], strides = [1, 1]} : vector<100x100xf32> to vector<1x100xf32>
    %squeeze3A_830 = vector.shape_cast %slice3A_829 : vector<1x100xf32> to vector<100xf32>
    %slice3A_831 = vector.extract_strided_slice %dot_general3A_666 {offsets = [82, 0], sizes = [1, 100], strides = [1, 1]} : vector<100x100xf32> to vector<1x100xf32>
    %squeeze3A_832 = vector.shape_cast %slice3A_831 : vector<1x100xf32> to vector<100xf32>
    %slice3A_833 = vector.extract_strided_slice %dot_general3A_666 {offsets = [83, 0], sizes = [1, 100], strides = [1, 1]} : vector<100x100xf32> to vector<1x100xf32>
    %squeeze3A_834 = vector.shape_cast %slice3A_833 : vector<1x100xf32> to vector<100xf32>
    %slice3A_835 = vector.extract_strided_slice %dot_general3A_666 {offsets = [84, 0], sizes = [1, 100], strides = [1, 1]} : vector<100x100xf32> to vector<1x100xf32>
    %squeeze3A_836 = vector.shape_cast %slice3A_835 : vector<1x100xf32> to vector<100xf32>
    %slice3A_837 = vector.extract_strided_slice %dot_general3A_666 {offsets = [85, 0], sizes = [1, 100], strides = [1, 1]} : vector<100x100xf32> to vector<1x100xf32>
    %squeeze3A_838 = vector.shape_cast %slice3A_837 : vector<1x100xf32> to vector<100xf32>
    %slice3A_839 = vector.extract_strided_slice %dot_general3A_666 {offsets = [86, 0], sizes = [1, 100], strides = [1, 1]} : vector<100x100xf32> to vector<1x100xf32>
    %squeeze3A_840 = vector.shape_cast %slice3A_839 : vector<1x100xf32> to vector<100xf32>
    %slice3A_841 = vector.extract_strided_slice %dot_general3A_666 {offsets = [87, 0], sizes = [1, 100], strides = [1, 1]} : vector<100x100xf32> to vector<1x100xf32>
    %squeeze3A_842 = vector.shape_cast %slice3A_841 : vector<1x100xf32> to vector<100xf32>
    %slice3A_843 = vector.extract_strided_slice %dot_general3A_666 {offsets = [88, 0], sizes = [1, 100], strides = [1, 1]} : vector<100x100xf32> to vector<1x100xf32>
    %squeeze3A_844 = vector.shape_cast %slice3A_843 : vector<1x100xf32> to vector<100xf32>
    %slice3A_845 = vector.extract_strided_slice %dot_general3A_666 {offsets = [89, 0], sizes = [1, 100], strides = [1, 1]} : vector<100x100xf32> to vector<1x100xf32>
    %squeeze3A_846 = vector.shape_cast %slice3A_845 : vector<1x100xf32> to vector<100xf32>
    %slice3A_847 = vector.extract_strided_slice %dot_general3A_666 {offsets = [90, 0], sizes = [1, 100], strides = [1, 1]} : vector<100x100xf32> to vector<1x100xf32>
    %squeeze3A_848 = vector.shape_cast %slice3A_847 : vector<1x100xf32> to vector<100xf32>
    %slice3A_849 = vector.extract_strided_slice %dot_general3A_666 {offsets = [91, 0], sizes = [1, 100], strides = [1, 1]} : vector<100x100xf32> to vector<1x100xf32>
    %squeeze3A_850 = vector.shape_cast %slice3A_849 : vector<1x100xf32> to vector<100xf32>
    %slice3A_851 = vector.extract_strided_slice %dot_general3A_666 {offsets = [92, 0], sizes = [1, 100], strides = [1, 1]} : vector<100x100xf32> to vector<1x100xf32>
    %squeeze3A_852 = vector.shape_cast %slice3A_851 : vector<1x100xf32> to vector<100xf32>
    %slice3A_853 = vector.extract_strided_slice %dot_general3A_666 {offsets = [93, 0], sizes = [1, 100], strides = [1, 1]} : vector<100x100xf32> to vector<1x100xf32>
    %squeeze3A_854 = vector.shape_cast %slice3A_853 : vector<1x100xf32> to vector<100xf32>
    %slice3A_855 = vector.extract_strided_slice %dot_general3A_666 {offsets = [94, 0], sizes = [1, 100], strides = [1, 1]} : vector<100x100xf32> to vector<1x100xf32>
    %squeeze3A_856 = vector.shape_cast %slice3A_855 : vector<1x100xf32> to vector<100xf32>
    %slice3A_857 = vector.extract_strided_slice %dot_general3A_666 {offsets = [95, 0], sizes = [1, 100], strides = [1, 1]} : vector<100x100xf32> to vector<1x100xf32>
    %squeeze3A_858 = vector.shape_cast %slice3A_857 : vector<1x100xf32> to vector<100xf32>
    %slice3A_859 = vector.extract_strided_slice %dot_general3A_666 {offsets = [96, 0], sizes = [1, 100], strides = [1, 1]} : vector<100x100xf32> to vector<1x100xf32>
    %squeeze3A_860 = vector.shape_cast %slice3A_859 : vector<1x100xf32> to vector<100xf32>
    %slice3A_861 = vector.extract_strided_slice %dot_general3A_666 {offsets = [97, 0], sizes = [1, 100], strides = [1, 1]} : vector<100x100xf32> to vector<1x100xf32>
    %squeeze3A_862 = vector.shape_cast %slice3A_861 : vector<1x100xf32> to vector<100xf32>
    %slice3A_863 = vector.extract_strided_slice %dot_general3A_666 {offsets = [98, 0], sizes = [1, 100], strides = [1, 1]} : vector<100x100xf32> to vector<1x100xf32>
    %squeeze3A_864 = vector.shape_cast %slice3A_863 : vector<1x100xf32> to vector<100xf32>
    %slice3A_865 = vector.extract_strided_slice %dot_general3A_666 {offsets = [99, 0], sizes = [1, 100], strides = [1, 1]} : vector<100x100xf32> to vector<1x100xf32>
    %squeeze3A_866 = vector.shape_cast %slice3A_865 : vector<1x100xf32> to vector<100xf32>
    %concatenate3A_867 = tpu.concatenate %squeeze3A_668, %squeeze3A_670, %squeeze3A_672, %squeeze3A_674, %squeeze3A_676, %squeeze3A_678, %squeeze3A_680, %squeeze3A_682, %squeeze3A_684, %squeeze3A_686, %squeeze3A_688, %squeeze3A_690, %squeeze3A_692, %squeeze3A_694, %squeeze3A_696, %squeeze3A_698, %squeeze3A_700, %squeeze3A_702, %squeeze3A_704, %squeeze3A_706, %squeeze3A_708, %squeeze3A_710, %squeeze3A_712, %squeeze3A_714, %squeeze3A_716, %squeeze3A_718, %squeeze3A_720, %squeeze3A_722, %squeeze3A_724, %squeeze3A_726, %squeeze3A_728, %squeeze3A_730, %squeeze3A_732, %squeeze3A_734, %squeeze3A_736, %squeeze3A_738, %squeeze3A_740, %squeeze3A_742, %squeeze3A_744, %squeeze3A_746, %squeeze3A_748, %squeeze3A_750, %squeeze3A_752, %squeeze3A_754, %squeeze3A_756, %squeeze3A_758, %squeeze3A_760, %squeeze3A_762, %squeeze3A_764, %squeeze3A_766, %squeeze3A_768, %squeeze3A_770, %squeeze3A_772, %squeeze3A_774, %squeeze3A_776, %squeeze3A_778, %squeeze3A_780, %squeeze3A_782, %squeeze3A_784, %squeeze3A_786, %squeeze3A_788, %squeeze3A_790, %squeeze3A_792, %squeeze3A_794, %squeeze3A_796, %squeeze3A_798, %squeeze3A_800, %squeeze3A_802, %squeeze3A_804, %squeeze3A_806, %squeeze3A_808, %squeeze3A_810, %squeeze3A_812, %squeeze3A_814, %squeeze3A_816, %squeeze3A_818, %squeeze3A_820, %squeeze3A_822, %squeeze3A_824, %squeeze3A_826, %squeeze3A_828, %squeeze3A_830, %squeeze3A_832, %squeeze3A_834, %squeeze3A_836, %squeeze3A_838, %squeeze3A_840, %squeeze3A_842, %squeeze3A_844, %squeeze3A_846, %squeeze3A_848, %squeeze3A_850, %squeeze3A_852, %squeeze3A_854, %squeeze3A_856, %squeeze3A_858, %squeeze3A_860, %squeeze3A_862, %squeeze3A_864, %squeeze3A_866, %broadcast_in_dim3A_12 in 0 : vector<100xf32>, vector<100xf32>, vector<100xf32>, vector<100xf32>, vector<100xf32>, vector<100xf32>, vector<100xf32>, vector<100xf32>, vector<100xf32>, vector<100xf32>, vector<100xf32>, vector<100xf32>, vector<100xf32>, vector<100xf32>, vector<100xf32>, vector<100xf32>, vector<100xf32>, vector<100xf32>, vector<100xf32>, vector<100xf32>, vector<100xf32>, vector<100xf32>, vector<100xf32>, vector<100xf32>, vector<100xf32>, vector<100xf32>, vector<100xf32>, vector<100xf32>, vector<100xf32>, vector<100xf32>, vector<100xf32>, vector<100xf32>, vector<100xf32>, vector<100xf32>, vector<100xf32>, vector<100xf32>, vector<100xf32>, vector<100xf32>, vector<100xf32>, vector<100xf32>, vector<100xf32>, vector<100xf32>, vector<100xf32>, vector<100xf32>, vector<100xf32>, vector<100xf32>, vector<100xf32>, vector<100xf32>, vector<100xf32>, vector<100xf32>, vector<100xf32>, vector<100xf32>, vector<100xf32>, vector<100xf32>, vector<100xf32>, vector<100xf32>, vector<100xf32>, vector<100xf32>, vector<100xf32>, vector<100xf32>, vector<100xf32>, vector<100xf32>, vector<100xf32>, vector<100xf32>, vector<100xf32>, vector<100xf32>, vector<100xf32>, vector<100xf32>, vector<100xf32>, vector<100xf32>, vector<100xf32>, vector<100xf32>, vector<100xf32>, vector<100xf32>, vector<100xf32>, vector<100xf32>, vector<100xf32>, vector<100xf32>, vector<100xf32>, vector<100xf32>, vector<100xf32>, vector<100xf32>, vector<100xf32>, vector<100xf32>, vector<100xf32>, vector<100xf32>, vector<100xf32>, vector<100xf32>, vector<100xf32>, vector<100xf32>, vector<100xf32>, vector<100xf32>, vector<100xf32>, vector<100xf32>, vector<100xf32>, vector<100xf32>, vector<100xf32>, vector<100xf32>, vector<100xf32>, vector<100xf32>, vector<240xf32> -> vector<10240xf32>
    %get3A_868 = arith.constant 0 : index
    %get3A_869 = arith.constant 1 : index
    %get3A_870 = arith.constant 0 : index
    %get3A_871 = arith.constant 0 : index
    %get3A_872 = vector.load %arg2[%get3A_868, %get3A_869, %get3A_870, %get3A_871] : memref<1x3x400x400xf32, #tpu.memory_space<vmem>>, vector<1x1x400x400xf32>
    %get3A_873 = vector.shape_cast %get3A_872 : vector<1x1x400x400xf32> to vector<400x400xf32>
    %dot_general3A_874 = arith.constant dense<0.000000e+00> : vector<100x400xf32>
    %dot_general3A_875 = tpu.matmul %convert_element_type3A_3, %get3A_873, %dot_general3A_874 {dimension_numbers = #tpu.dot_dimension_numbers<[1], [0], [0], [1], [0, 0, 1, 1], [], []>, precision = #tpu.contract_precision<fp32>, transpose_lhs_hint = false} : vector<100x400xf32>, vector<400x400xf32>, vector<100x400xf32> -> vector<100x400xf32>
    %dot_general3A_876 = arith.constant dense<0.000000e+00> : vector<100x100xf32>
    %dot_general3A_877 = tpu.matmul %dot_general3A_875, %convert_element_type3A_11, %dot_general3A_876 {dimension_numbers = #tpu.dot_dimension_numbers<[1], [0], [0], [1], [0, 0, 1, 1], [], []>, precision = #tpu.contract_precision<fp32>, transpose_lhs_hint = false} : vector<100x400xf32>, vector<400x100xf32>, vector<100x100xf32> -> vector<100x100xf32>
    %slice3A_878 = vector.extract_strided_slice %dot_general3A_877 {offsets = [0, 0], sizes = [1, 100], strides = [1, 1]} : vector<100x100xf32> to vector<1x100xf32>
    %squeeze3A_879 = vector.shape_cast %slice3A_878 : vector<1x100xf32> to vector<100xf32>
    %slice3A_880 = vector.extract_strided_slice %dot_general3A_877 {offsets = [1, 0], sizes = [1, 100], strides = [1, 1]} : vector<100x100xf32> to vector<1x100xf32>
    %squeeze3A_881 = vector.shape_cast %slice3A_880 : vector<1x100xf32> to vector<100xf32>
    %slice3A_882 = vector.extract_strided_slice %dot_general3A_877 {offsets = [2, 0], sizes = [1, 100], strides = [1, 1]} : vector<100x100xf32> to vector<1x100xf32>
    %squeeze3A_883 = vector.shape_cast %slice3A_882 : vector<1x100xf32> to vector<100xf32>
    %slice3A_884 = vector.extract_strided_slice %dot_general3A_877 {offsets = [3, 0], sizes = [1, 100], strides = [1, 1]} : vector<100x100xf32> to vector<1x100xf32>
    %squeeze3A_885 = vector.shape_cast %slice3A_884 : vector<1x100xf32> to vector<100xf32>
    %slice3A_886 = vector.extract_strided_slice %dot_general3A_877 {offsets = [4, 0], sizes = [1, 100], strides = [1, 1]} : vector<100x100xf32> to vector<1x100xf32>
    %squeeze3A_887 = vector.shape_cast %slice3A_886 : vector<1x100xf32> to vector<100xf32>
    %slice3A_888 = vector.extract_strided_slice %dot_general3A_877 {offsets = [5, 0], sizes = [1, 100], strides = [1, 1]} : vector<100x100xf32> to vector<1x100xf32>
    %squeeze3A_889 = vector.shape_cast %slice3A_888 : vector<1x100xf32> to vector<100xf32>
    %slice3A_890 = vector.extract_strided_slice %dot_general3A_877 {offsets = [6, 0], sizes = [1, 100], strides = [1, 1]} : vector<100x100xf32> to vector<1x100xf32>
    %squeeze3A_891 = vector.shape_cast %slice3A_890 : vector<1x100xf32> to vector<100xf32>
    %slice3A_892 = vector.extract_strided_slice %dot_general3A_877 {offsets = [7, 0], sizes = [1, 100], strides = [1, 1]} : vector<100x100xf32> to vector<1x100xf32>
    %squeeze3A_893 = vector.shape_cast %slice3A_892 : vector<1x100xf32> to vector<100xf32>
    %slice3A_894 = vector.extract_strided_slice %dot_general3A_877 {offsets = [8, 0], sizes = [1, 100], strides = [1, 1]} : vector<100x100xf32> to vector<1x100xf32>
    %squeeze3A_895 = vector.shape_cast %slice3A_894 : vector<1x100xf32> to vector<100xf32>
    %slice3A_896 = vector.extract_strided_slice %dot_general3A_877 {offsets = [9, 0], sizes = [1, 100], strides = [1, 1]} : vector<100x100xf32> to vector<1x100xf32>
    %squeeze3A_897 = vector.shape_cast %slice3A_896 : vector<1x100xf32> to vector<100xf32>
    %slice3A_898 = vector.extract_strided_slice %dot_general3A_877 {offsets = [10, 0], sizes = [1, 100], strides = [1, 1]} : vector<100x100xf32> to vector<1x100xf32>
    %squeeze3A_899 = vector.shape_cast %slice3A_898 : vector<1x100xf32> to vector<100xf32>
    %slice3A_900 = vector.extract_strided_slice %dot_general3A_877 {offsets = [11, 0], sizes = [1, 100], strides = [1, 1]} : vector<100x100xf32> to vector<1x100xf32>
    %squeeze3A_901 = vector.shape_cast %slice3A_900 : vector<1x100xf32> to vector<100xf32>
    %slice3A_902 = vector.extract_strided_slice %dot_general3A_877 {offsets = [12, 0], sizes = [1, 100], strides = [1, 1]} : vector<100x100xf32> to vector<1x100xf32>
    %squeeze3A_903 = vector.shape_cast %slice3A_902 : vector<1x100xf32> to vector<100xf32>
    %slice3A_904 = vector.extract_strided_slice %dot_general3A_877 {offsets = [13, 0], sizes = [1, 100], strides = [1, 1]} : vector<100x100xf32> to vector<1x100xf32>
    %squeeze3A_905 = vector.shape_cast %slice3A_904 : vector<1x100xf32> to vector<100xf32>
    %slice3A_906 = vector.extract_strided_slice %dot_general3A_877 {offsets = [14, 0], sizes = [1, 100], strides = [1, 1]} : vector<100x100xf32> to vector<1x100xf32>
    %squeeze3A_907 = vector.shape_cast %slice3A_906 : vector<1x100xf32> to vector<100xf32>
    %slice3A_908 = vector.extract_strided_slice %dot_general3A_877 {offsets = [15, 0], sizes = [1, 100], strides = [1, 1]} : vector<100x100xf32> to vector<1x100xf32>
    %squeeze3A_909 = vector.shape_cast %slice3A_908 : vector<1x100xf32> to vector<100xf32>
    %slice3A_910 = vector.extract_strided_slice %dot_general3A_877 {offsets = [16, 0], sizes = [1, 100], strides = [1, 1]} : vector<100x100xf32> to vector<1x100xf32>
    %squeeze3A_911 = vector.shape_cast %slice3A_910 : vector<1x100xf32> to vector<100xf32>
    %slice3A_912 = vector.extract_strided_slice %dot_general3A_877 {offsets = [17, 0], sizes = [1, 100], strides = [1, 1]} : vector<100x100xf32> to vector<1x100xf32>
    %squeeze3A_913 = vector.shape_cast %slice3A_912 : vector<1x100xf32> to vector<100xf32>
    %slice3A_914 = vector.extract_strided_slice %dot_general3A_877 {offsets = [18, 0], sizes = [1, 100], strides = [1, 1]} : vector<100x100xf32> to vector<1x100xf32>
    %squeeze3A_915 = vector.shape_cast %slice3A_914 : vector<1x100xf32> to vector<100xf32>
    %slice3A_916 = vector.extract_strided_slice %dot_general3A_877 {offsets = [19, 0], sizes = [1, 100], strides = [1, 1]} : vector<100x100xf32> to vector<1x100xf32>
    %squeeze3A_917 = vector.shape_cast %slice3A_916 : vector<1x100xf32> to vector<100xf32>
    %slice3A_918 = vector.extract_strided_slice %dot_general3A_877 {offsets = [20, 0], sizes = [1, 100], strides = [1, 1]} : vector<100x100xf32> to vector<1x100xf32>
    %squeeze3A_919 = vector.shape_cast %slice3A_918 : vector<1x100xf32> to vector<100xf32>
    %slice3A_920 = vector.extract_strided_slice %dot_general3A_877 {offsets = [21, 0], sizes = [1, 100], strides = [1, 1]} : vector<100x100xf32> to vector<1x100xf32>
    %squeeze3A_921 = vector.shape_cast %slice3A_920 : vector<1x100xf32> to vector<100xf32>
    %slice3A_922 = vector.extract_strided_slice %dot_general3A_877 {offsets = [22, 0], sizes = [1, 100], strides = [1, 1]} : vector<100x100xf32> to vector<1x100xf32>
    %squeeze3A_923 = vector.shape_cast %slice3A_922 : vector<1x100xf32> to vector<100xf32>
    %slice3A_924 = vector.extract_strided_slice %dot_general3A_877 {offsets = [23, 0], sizes = [1, 100], strides = [1, 1]} : vector<100x100xf32> to vector<1x100xf32>
    %squeeze3A_925 = vector.shape_cast %slice3A_924 : vector<1x100xf32> to vector<100xf32>
    %slice3A_926 = vector.extract_strided_slice %dot_general3A_877 {offsets = [24, 0], sizes = [1, 100], strides = [1, 1]} : vector<100x100xf32> to vector<1x100xf32>
    %squeeze3A_927 = vector.shape_cast %slice3A_926 : vector<1x100xf32> to vector<100xf32>
    %slice3A_928 = vector.extract_strided_slice %dot_general3A_877 {offsets = [25, 0], sizes = [1, 100], strides = [1, 1]} : vector<100x100xf32> to vector<1x100xf32>
    %squeeze3A_929 = vector.shape_cast %slice3A_928 : vector<1x100xf32> to vector<100xf32>
    %slice3A_930 = vector.extract_strided_slice %dot_general3A_877 {offsets = [26, 0], sizes = [1, 100], strides = [1, 1]} : vector<100x100xf32> to vector<1x100xf32>
    %squeeze3A_931 = vector.shape_cast %slice3A_930 : vector<1x100xf32> to vector<100xf32>
    %slice3A_932 = vector.extract_strided_slice %dot_general3A_877 {offsets = [27, 0], sizes = [1, 100], strides = [1, 1]} : vector<100x100xf32> to vector<1x100xf32>
    %squeeze3A_933 = vector.shape_cast %slice3A_932 : vector<1x100xf32> to vector<100xf32>
    %slice3A_934 = vector.extract_strided_slice %dot_general3A_877 {offsets = [28, 0], sizes = [1, 100], strides = [1, 1]} : vector<100x100xf32> to vector<1x100xf32>
    %squeeze3A_935 = vector.shape_cast %slice3A_934 : vector<1x100xf32> to vector<100xf32>
    %slice3A_936 = vector.extract_strided_slice %dot_general3A_877 {offsets = [29, 0], sizes = [1, 100], strides = [1, 1]} : vector<100x100xf32> to vector<1x100xf32>
    %squeeze3A_937 = vector.shape_cast %slice3A_936 : vector<1x100xf32> to vector<100xf32>
    %slice3A_938 = vector.extract_strided_slice %dot_general3A_877 {offsets = [30, 0], sizes = [1, 100], strides = [1, 1]} : vector<100x100xf32> to vector<1x100xf32>
    %squeeze3A_939 = vector.shape_cast %slice3A_938 : vector<1x100xf32> to vector<100xf32>
    %slice3A_940 = vector.extract_strided_slice %dot_general3A_877 {offsets = [31, 0], sizes = [1, 100], strides = [1, 1]} : vector<100x100xf32> to vector<1x100xf32>
    %squeeze3A_941 = vector.shape_cast %slice3A_940 : vector<1x100xf32> to vector<100xf32>
    %slice3A_942 = vector.extract_strided_slice %dot_general3A_877 {offsets = [32, 0], sizes = [1, 100], strides = [1, 1]} : vector<100x100xf32> to vector<1x100xf32>
    %squeeze3A_943 = vector.shape_cast %slice3A_942 : vector<1x100xf32> to vector<100xf32>
    %slice3A_944 = vector.extract_strided_slice %dot_general3A_877 {offsets = [33, 0], sizes = [1, 100], strides = [1, 1]} : vector<100x100xf32> to vector<1x100xf32>
    %squeeze3A_945 = vector.shape_cast %slice3A_944 : vector<1x100xf32> to vector<100xf32>
    %slice3A_946 = vector.extract_strided_slice %dot_general3A_877 {offsets = [34, 0], sizes = [1, 100], strides = [1, 1]} : vector<100x100xf32> to vector<1x100xf32>
    %squeeze3A_947 = vector.shape_cast %slice3A_946 : vector<1x100xf32> to vector<100xf32>
    %slice3A_948 = vector.extract_strided_slice %dot_general3A_877 {offsets = [35, 0], sizes = [1, 100], strides = [1, 1]} : vector<100x100xf32> to vector<1x100xf32>
    %squeeze3A_949 = vector.shape_cast %slice3A_948 : vector<1x100xf32> to vector<100xf32>
    %slice3A_950 = vector.extract_strided_slice %dot_general3A_877 {offsets = [36, 0], sizes = [1, 100], strides = [1, 1]} : vector<100x100xf32> to vector<1x100xf32>
    %squeeze3A_951 = vector.shape_cast %slice3A_950 : vector<1x100xf32> to vector<100xf32>
    %slice3A_952 = vector.extract_strided_slice %dot_general3A_877 {offsets = [37, 0], sizes = [1, 100], strides = [1, 1]} : vector<100x100xf32> to vector<1x100xf32>
    %squeeze3A_953 = vector.shape_cast %slice3A_952 : vector<1x100xf32> to vector<100xf32>
    %slice3A_954 = vector.extract_strided_slice %dot_general3A_877 {offsets = [38, 0], sizes = [1, 100], strides = [1, 1]} : vector<100x100xf32> to vector<1x100xf32>
    %squeeze3A_955 = vector.shape_cast %slice3A_954 : vector<1x100xf32> to vector<100xf32>
    %slice3A_956 = vector.extract_strided_slice %dot_general3A_877 {offsets = [39, 0], sizes = [1, 100], strides = [1, 1]} : vector<100x100xf32> to vector<1x100xf32>
    %squeeze3A_957 = vector.shape_cast %slice3A_956 : vector<1x100xf32> to vector<100xf32>
    %slice3A_958 = vector.extract_strided_slice %dot_general3A_877 {offsets = [40, 0], sizes = [1, 100], strides = [1, 1]} : vector<100x100xf32> to vector<1x100xf32>
    %squeeze3A_959 = vector.shape_cast %slice3A_958 : vector<1x100xf32> to vector<100xf32>
    %slice3A_960 = vector.extract_strided_slice %dot_general3A_877 {offsets = [41, 0], sizes = [1, 100], strides = [1, 1]} : vector<100x100xf32> to vector<1x100xf32>
    %squeeze3A_961 = vector.shape_cast %slice3A_960 : vector<1x100xf32> to vector<100xf32>
    %slice3A_962 = vector.extract_strided_slice %dot_general3A_877 {offsets = [42, 0], sizes = [1, 100], strides = [1, 1]} : vector<100x100xf32> to vector<1x100xf32>
    %squeeze3A_963 = vector.shape_cast %slice3A_962 : vector<1x100xf32> to vector<100xf32>
    %slice3A_964 = vector.extract_strided_slice %dot_general3A_877 {offsets = [43, 0], sizes = [1, 100], strides = [1, 1]} : vector<100x100xf32> to vector<1x100xf32>
    %squeeze3A_965 = vector.shape_cast %slice3A_964 : vector<1x100xf32> to vector<100xf32>
    %slice3A_966 = vector.extract_strided_slice %dot_general3A_877 {offsets = [44, 0], sizes = [1, 100], strides = [1, 1]} : vector<100x100xf32> to vector<1x100xf32>
    %squeeze3A_967 = vector.shape_cast %slice3A_966 : vector<1x100xf32> to vector<100xf32>
    %slice3A_968 = vector.extract_strided_slice %dot_general3A_877 {offsets = [45, 0], sizes = [1, 100], strides = [1, 1]} : vector<100x100xf32> to vector<1x100xf32>
    %squeeze3A_969 = vector.shape_cast %slice3A_968 : vector<1x100xf32> to vector<100xf32>
    %slice3A_970 = vector.extract_strided_slice %dot_general3A_877 {offsets = [46, 0], sizes = [1, 100], strides = [1, 1]} : vector<100x100xf32> to vector<1x100xf32>
    %squeeze3A_971 = vector.shape_cast %slice3A_970 : vector<1x100xf32> to vector<100xf32>
    %slice3A_972 = vector.extract_strided_slice %dot_general3A_877 {offsets = [47, 0], sizes = [1, 100], strides = [1, 1]} : vector<100x100xf32> to vector<1x100xf32>
    %squeeze3A_973 = vector.shape_cast %slice3A_972 : vector<1x100xf32> to vector<100xf32>
    %slice3A_974 = vector.extract_strided_slice %dot_general3A_877 {offsets = [48, 0], sizes = [1, 100], strides = [1, 1]} : vector<100x100xf32> to vector<1x100xf32>
    %squeeze3A_975 = vector.shape_cast %slice3A_974 : vector<1x100xf32> to vector<100xf32>
    %slice3A_976 = vector.extract_strided_slice %dot_general3A_877 {offsets = [49, 0], sizes = [1, 100], strides = [1, 1]} : vector<100x100xf32> to vector<1x100xf32>
    %squeeze3A_977 = vector.shape_cast %slice3A_976 : vector<1x100xf32> to vector<100xf32>
    %slice3A_978 = vector.extract_strided_slice %dot_general3A_877 {offsets = [50, 0], sizes = [1, 100], strides = [1, 1]} : vector<100x100xf32> to vector<1x100xf32>
    %squeeze3A_979 = vector.shape_cast %slice3A_978 : vector<1x100xf32> to vector<100xf32>
    %slice3A_980 = vector.extract_strided_slice %dot_general3A_877 {offsets = [51, 0], sizes = [1, 100], strides = [1, 1]} : vector<100x100xf32> to vector<1x100xf32>
    %squeeze3A_981 = vector.shape_cast %slice3A_980 : vector<1x100xf32> to vector<100xf32>
    %slice3A_982 = vector.extract_strided_slice %dot_general3A_877 {offsets = [52, 0], sizes = [1, 100], strides = [1, 1]} : vector<100x100xf32> to vector<1x100xf32>
    %squeeze3A_983 = vector.shape_cast %slice3A_982 : vector<1x100xf32> to vector<100xf32>
    %slice3A_984 = vector.extract_strided_slice %dot_general3A_877 {offsets = [53, 0], sizes = [1, 100], strides = [1, 1]} : vector<100x100xf32> to vector<1x100xf32>
    %squeeze3A_985 = vector.shape_cast %slice3A_984 : vector<1x100xf32> to vector<100xf32>
    %slice3A_986 = vector.extract_strided_slice %dot_general3A_877 {offsets = [54, 0], sizes = [1, 100], strides = [1, 1]} : vector<100x100xf32> to vector<1x100xf32>
    %squeeze3A_987 = vector.shape_cast %slice3A_986 : vector<1x100xf32> to vector<100xf32>
    %slice3A_988 = vector.extract_strided_slice %dot_general3A_877 {offsets = [55, 0], sizes = [1, 100], strides = [1, 1]} : vector<100x100xf32> to vector<1x100xf32>
    %squeeze3A_989 = vector.shape_cast %slice3A_988 : vector<1x100xf32> to vector<100xf32>
    %slice3A_990 = vector.extract_strided_slice %dot_general3A_877 {offsets = [56, 0], sizes = [1, 100], strides = [1, 1]} : vector<100x100xf32> to vector<1x100xf32>
    %squeeze3A_991 = vector.shape_cast %slice3A_990 : vector<1x100xf32> to vector<100xf32>
    %slice3A_992 = vector.extract_strided_slice %dot_general3A_877 {offsets = [57, 0], sizes = [1, 100], strides = [1, 1]} : vector<100x100xf32> to vector<1x100xf32>
    %squeeze3A_993 = vector.shape_cast %slice3A_992 : vector<1x100xf32> to vector<100xf32>
    %slice3A_994 = vector.extract_strided_slice %dot_general3A_877 {offsets = [58, 0], sizes = [1, 100], strides = [1, 1]} : vector<100x100xf32> to vector<1x100xf32>
    %squeeze3A_995 = vector.shape_cast %slice3A_994 : vector<1x100xf32> to vector<100xf32>
    %slice3A_996 = vector.extract_strided_slice %dot_general3A_877 {offsets = [59, 0], sizes = [1, 100], strides = [1, 1]} : vector<100x100xf32> to vector<1x100xf32>
    %squeeze3A_997 = vector.shape_cast %slice3A_996 : vector<1x100xf32> to vector<100xf32>
    %slice3A_998 = vector.extract_strided_slice %dot_general3A_877 {offsets = [60, 0], sizes = [1, 100], strides = [1, 1]} : vector<100x100xf32> to vector<1x100xf32>
    %squeeze3A_999 = vector.shape_cast %slice3A_998 : vector<1x100xf32> to vector<100xf32>
    %slice3A_1000 = vector.extract_strided_slice %dot_general3A_877 {offsets = [61, 0], sizes = [1, 100], strides = [1, 1]} : vector<100x100xf32> to vector<1x100xf32>
    %squeeze3A_1001 = vector.shape_cast %slice3A_1000 : vector<1x100xf32> to vector<100xf32>
    %slice3A_1002 = vector.extract_strided_slice %dot_general3A_877 {offsets = [62, 0], sizes = [1, 100], strides = [1, 1]} : vector<100x100xf32> to vector<1x100xf32>
    %squeeze3A_1003 = vector.shape_cast %slice3A_1002 : vector<1x100xf32> to vector<100xf32>
    %slice3A_1004 = vector.extract_strided_slice %dot_general3A_877 {offsets = [63, 0], sizes = [1, 100], strides = [1, 1]} : vector<100x100xf32> to vector<1x100xf32>
    %squeeze3A_1005 = vector.shape_cast %slice3A_1004 : vector<1x100xf32> to vector<100xf32>
    %slice3A_1006 = vector.extract_strided_slice %dot_general3A_877 {offsets = [64, 0], sizes = [1, 100], strides = [1, 1]} : vector<100x100xf32> to vector<1x100xf32>
    %squeeze3A_1007 = vector.shape_cast %slice3A_1006 : vector<1x100xf32> to vector<100xf32>
    %slice3A_1008 = vector.extract_strided_slice %dot_general3A_877 {offsets = [65, 0], sizes = [1, 100], strides = [1, 1]} : vector<100x100xf32> to vector<1x100xf32>
    %squeeze3A_1009 = vector.shape_cast %slice3A_1008 : vector<1x100xf32> to vector<100xf32>
    %slice3A_1010 = vector.extract_strided_slice %dot_general3A_877 {offsets = [66, 0], sizes = [1, 100], strides = [1, 1]} : vector<100x100xf32> to vector<1x100xf32>
    %squeeze3A_1011 = vector.shape_cast %slice3A_1010 : vector<1x100xf32> to vector<100xf32>
    %slice3A_1012 = vector.extract_strided_slice %dot_general3A_877 {offsets = [67, 0], sizes = [1, 100], strides = [1, 1]} : vector<100x100xf32> to vector<1x100xf32>
    %squeeze3A_1013 = vector.shape_cast %slice3A_1012 : vector<1x100xf32> to vector<100xf32>
    %slice3A_1014 = vector.extract_strided_slice %dot_general3A_877 {offsets = [68, 0], sizes = [1, 100], strides = [1, 1]} : vector<100x100xf32> to vector<1x100xf32>
    %squeeze3A_1015 = vector.shape_cast %slice3A_1014 : vector<1x100xf32> to vector<100xf32>
    %slice3A_1016 = vector.extract_strided_slice %dot_general3A_877 {offsets = [69, 0], sizes = [1, 100], strides = [1, 1]} : vector<100x100xf32> to vector<1x100xf32>
    %squeeze3A_1017 = vector.shape_cast %slice3A_1016 : vector<1x100xf32> to vector<100xf32>
    %slice3A_1018 = vector.extract_strided_slice %dot_general3A_877 {offsets = [70, 0], sizes = [1, 100], strides = [1, 1]} : vector<100x100xf32> to vector<1x100xf32>
    %squeeze3A_1019 = vector.shape_cast %slice3A_1018 : vector<1x100xf32> to vector<100xf32>
    %slice3A_1020 = vector.extract_strided_slice %dot_general3A_877 {offsets = [71, 0], sizes = [1, 100], strides = [1, 1]} : vector<100x100xf32> to vector<1x100xf32>
    %squeeze3A_1021 = vector.shape_cast %slice3A_1020 : vector<1x100xf32> to vector<100xf32>
    %slice3A_1022 = vector.extract_strided_slice %dot_general3A_877 {offsets = [72, 0], sizes = [1, 100], strides = [1, 1]} : vector<100x100xf32> to vector<1x100xf32>
    %squeeze3A_1023 = vector.shape_cast %slice3A_1022 : vector<1x100xf32> to vector<100xf32>
    %slice3A_1024 = vector.extract_strided_slice %dot_general3A_877 {offsets = [73, 0], sizes = [1, 100], strides = [1, 1]} : vector<100x100xf32> to vector<1x100xf32>
    %squeeze3A_1025 = vector.shape_cast %slice3A_1024 : vector<1x100xf32> to vector<100xf32>
    %slice3A_1026 = vector.extract_strided_slice %dot_general3A_877 {offsets = [74, 0], sizes = [1, 100], strides = [1, 1]} : vector<100x100xf32> to vector<1x100xf32>
    %squeeze3A_1027 = vector.shape_cast %slice3A_1026 : vector<1x100xf32> to vector<100xf32>
    %slice3A_1028 = vector.extract_strided_slice %dot_general3A_877 {offsets = [75, 0], sizes = [1, 100], strides = [1, 1]} : vector<100x100xf32> to vector<1x100xf32>
    %squeeze3A_1029 = vector.shape_cast %slice3A_1028 : vector<1x100xf32> to vector<100xf32>
    %slice3A_1030 = vector.extract_strided_slice %dot_general3A_877 {offsets = [76, 0], sizes = [1, 100], strides = [1, 1]} : vector<100x100xf32> to vector<1x100xf32>
    %squeeze3A_1031 = vector.shape_cast %slice3A_1030 : vector<1x100xf32> to vector<100xf32>
    %slice3A_1032 = vector.extract_strided_slice %dot_general3A_877 {offsets = [77, 0], sizes = [1, 100], strides = [1, 1]} : vector<100x100xf32> to vector<1x100xf32>
    %squeeze3A_1033 = vector.shape_cast %slice3A_1032 : vector<1x100xf32> to vector<100xf32>
    %slice3A_1034 = vector.extract_strided_slice %dot_general3A_877 {offsets = [78, 0], sizes = [1, 100], strides = [1, 1]} : vector<100x100xf32> to vector<1x100xf32>
    %squeeze3A_1035 = vector.shape_cast %slice3A_1034 : vector<1x100xf32> to vector<100xf32>
    %slice3A_1036 = vector.extract_strided_slice %dot_general3A_877 {offsets = [79, 0], sizes = [1, 100], strides = [1, 1]} : vector<100x100xf32> to vector<1x100xf32>
    %squeeze3A_1037 = vector.shape_cast %slice3A_1036 : vector<1x100xf32> to vector<100xf32>
    %slice3A_1038 = vector.extract_strided_slice %dot_general3A_877 {offsets = [80, 0], sizes = [1, 100], strides = [1, 1]} : vector<100x100xf32> to vector<1x100xf32>
    %squeeze3A_1039 = vector.shape_cast %slice3A_1038 : vector<1x100xf32> to vector<100xf32>
    %slice3A_1040 = vector.extract_strided_slice %dot_general3A_877 {offsets = [81, 0], sizes = [1, 100], strides = [1, 1]} : vector<100x100xf32> to vector<1x100xf32>
    %squeeze3A_1041 = vector.shape_cast %slice3A_1040 : vector<1x100xf32> to vector<100xf32>
    %slice3A_1042 = vector.extract_strided_slice %dot_general3A_877 {offsets = [82, 0], sizes = [1, 100], strides = [1, 1]} : vector<100x100xf32> to vector<1x100xf32>
    %squeeze3A_1043 = vector.shape_cast %slice3A_1042 : vector<1x100xf32> to vector<100xf32>
    %slice3A_1044 = vector.extract_strided_slice %dot_general3A_877 {offsets = [83, 0], sizes = [1, 100], strides = [1, 1]} : vector<100x100xf32> to vector<1x100xf32>
    %squeeze3A_1045 = vector.shape_cast %slice3A_1044 : vector<1x100xf32> to vector<100xf32>
    %slice3A_1046 = vector.extract_strided_slice %dot_general3A_877 {offsets = [84, 0], sizes = [1, 100], strides = [1, 1]} : vector<100x100xf32> to vector<1x100xf32>
    %squeeze3A_1047 = vector.shape_cast %slice3A_1046 : vector<1x100xf32> to vector<100xf32>
    %slice3A_1048 = vector.extract_strided_slice %dot_general3A_877 {offsets = [85, 0], sizes = [1, 100], strides = [1, 1]} : vector<100x100xf32> to vector<1x100xf32>
    %squeeze3A_1049 = vector.shape_cast %slice3A_1048 : vector<1x100xf32> to vector<100xf32>
    %slice3A_1050 = vector.extract_strided_slice %dot_general3A_877 {offsets = [86, 0], sizes = [1, 100], strides = [1, 1]} : vector<100x100xf32> to vector<1x100xf32>
    %squeeze3A_1051 = vector.shape_cast %slice3A_1050 : vector<1x100xf32> to vector<100xf32>
    %slice3A_1052 = vector.extract_strided_slice %dot_general3A_877 {offsets = [87, 0], sizes = [1, 100], strides = [1, 1]} : vector<100x100xf32> to vector<1x100xf32>
    %squeeze3A_1053 = vector.shape_cast %slice3A_1052 : vector<1x100xf32> to vector<100xf32>
    %slice3A_1054 = vector.extract_strided_slice %dot_general3A_877 {offsets = [88, 0], sizes = [1, 100], strides = [1, 1]} : vector<100x100xf32> to vector<1x100xf32>
    %squeeze3A_1055 = vector.shape_cast %slice3A_1054 : vector<1x100xf32> to vector<100xf32>
    %slice3A_1056 = vector.extract_strided_slice %dot_general3A_877 {offsets = [89, 0], sizes = [1, 100], strides = [1, 1]} : vector<100x100xf32> to vector<1x100xf32>
    %squeeze3A_1057 = vector.shape_cast %slice3A_1056 : vector<1x100xf32> to vector<100xf32>
    %slice3A_1058 = vector.extract_strided_slice %dot_general3A_877 {offsets = [90, 0], sizes = [1, 100], strides = [1, 1]} : vector<100x100xf32> to vector<1x100xf32>
    %squeeze3A_1059 = vector.shape_cast %slice3A_1058 : vector<1x100xf32> to vector<100xf32>
    %slice3A_1060 = vector.extract_strided_slice %dot_general3A_877 {offsets = [91, 0], sizes = [1, 100], strides = [1, 1]} : vector<100x100xf32> to vector<1x100xf32>
    %squeeze3A_1061 = vector.shape_cast %slice3A_1060 : vector<1x100xf32> to vector<100xf32>
    %slice3A_1062 = vector.extract_strided_slice %dot_general3A_877 {offsets = [92, 0], sizes = [1, 100], strides = [1, 1]} : vector<100x100xf32> to vector<1x100xf32>
    %squeeze3A_1063 = vector.shape_cast %slice3A_1062 : vector<1x100xf32> to vector<100xf32>
    %slice3A_1064 = vector.extract_strided_slice %dot_general3A_877 {offsets = [93, 0], sizes = [1, 100], strides = [1, 1]} : vector<100x100xf32> to vector<1x100xf32>
    %squeeze3A_1065 = vector.shape_cast %slice3A_1064 : vector<1x100xf32> to vector<100xf32>
    %slice3A_1066 = vector.extract_strided_slice %dot_general3A_877 {offsets = [94, 0], sizes = [1, 100], strides = [1, 1]} : vector<100x100xf32> to vector<1x100xf32>
    %squeeze3A_1067 = vector.shape_cast %slice3A_1066 : vector<1x100xf32> to vector<100xf32>
    %slice3A_1068 = vector.extract_strided_slice %dot_general3A_877 {offsets = [95, 0], sizes = [1, 100], strides = [1, 1]} : vector<100x100xf32> to vector<1x100xf32>
    %squeeze3A_1069 = vector.shape_cast %slice3A_1068 : vector<1x100xf32> to vector<100xf32>
    %slice3A_1070 = vector.extract_strided_slice %dot_general3A_877 {offsets = [96, 0], sizes = [1, 100], strides = [1, 1]} : vector<100x100xf32> to vector<1x100xf32>
    %squeeze3A_1071 = vector.shape_cast %slice3A_1070 : vector<1x100xf32> to vector<100xf32>
    %slice3A_1072 = vector.extract_strided_slice %dot_general3A_877 {offsets = [97, 0], sizes = [1, 100], strides = [1, 1]} : vector<100x100xf32> to vector<1x100xf32>
    %squeeze3A_1073 = vector.shape_cast %slice3A_1072 : vector<1x100xf32> to vector<100xf32>
    %slice3A_1074 = vector.extract_strided_slice %dot_general3A_877 {offsets = [98, 0], sizes = [1, 100], strides = [1, 1]} : vector<100x100xf32> to vector<1x100xf32>
    %squeeze3A_1075 = vector.shape_cast %slice3A_1074 : vector<1x100xf32> to vector<100xf32>
    %slice3A_1076 = vector.extract_strided_slice %dot_general3A_877 {offsets = [99, 0], sizes = [1, 100], strides = [1, 1]} : vector<100x100xf32> to vector<1x100xf32>
    %squeeze3A_1077 = vector.shape_cast %slice3A_1076 : vector<1x100xf32> to vector<100xf32>
    %concatenate3A_1078 = tpu.concatenate %squeeze3A_879, %squeeze3A_881, %squeeze3A_883, %squeeze3A_885, %squeeze3A_887, %squeeze3A_889, %squeeze3A_891, %squeeze3A_893, %squeeze3A_895, %squeeze3A_897, %squeeze3A_899, %squeeze3A_901, %squeeze3A_903, %squeeze3A_905, %squeeze3A_907, %squeeze3A_909, %squeeze3A_911, %squeeze3A_913, %squeeze3A_915, %squeeze3A_917, %squeeze3A_919, %squeeze3A_921, %squeeze3A_923, %squeeze3A_925, %squeeze3A_927, %squeeze3A_929, %squeeze3A_931, %squeeze3A_933, %squeeze3A_935, %squeeze3A_937, %squeeze3A_939, %squeeze3A_941, %squeeze3A_943, %squeeze3A_945, %squeeze3A_947, %squeeze3A_949, %squeeze3A_951, %squeeze3A_953, %squeeze3A_955, %squeeze3A_957, %squeeze3A_959, %squeeze3A_961, %squeeze3A_963, %squeeze3A_965, %squeeze3A_967, %squeeze3A_969, %squeeze3A_971, %squeeze3A_973, %squeeze3A_975, %squeeze3A_977, %squeeze3A_979, %squeeze3A_981, %squeeze3A_983, %squeeze3A_985, %squeeze3A_987, %squeeze3A_989, %squeeze3A_991, %squeeze3A_993, %squeeze3A_995, %squeeze3A_997, %squeeze3A_999, %squeeze3A_1001, %squeeze3A_1003, %squeeze3A_1005, %squeeze3A_1007, %squeeze3A_1009, %squeeze3A_1011, %squeeze3A_1013, %squeeze3A_1015, %squeeze3A_1017, %squeeze3A_1019, %squeeze3A_1021, %squeeze3A_1023, %squeeze3A_1025, %squeeze3A_1027, %squeeze3A_1029, %squeeze3A_1031, %squeeze3A_1033, %squeeze3A_1035, %squeeze3A_1037, %squeeze3A_1039, %squeeze3A_1041, %squeeze3A_1043, %squeeze3A_1045, %squeeze3A_1047, %squeeze3A_1049, %squeeze3A_1051, %squeeze3A_1053, %squeeze3A_1055, %squeeze3A_1057, %squeeze3A_1059, %squeeze3A_1061, %squeeze3A_1063, %squeeze3A_1065, %squeeze3A_1067, %squeeze3A_1069, %squeeze3A_1071, %squeeze3A_1073, %squeeze3A_1075, %squeeze3A_1077, %broadcast_in_dim3A_12 in 0 : vector<100xf32>, vector<100xf32>, vector<100xf32>, vector<100xf32>, vector<100xf32>, vector<100xf32>, vector<100xf32>, vector<100xf32>, vector<100xf32>, vector<100xf32>, vector<100xf32>, vector<100xf32>, vector<100xf32>, vector<100xf32>, vector<100xf32>, vector<100xf32>, vector<100xf32>, vector<100xf32>, vector<100xf32>, vector<100xf32>, vector<100xf32>, vector<100xf32>, vector<100xf32>, vector<100xf32>, vector<100xf32>, vector<100xf32>, vector<100xf32>, vector<100xf32>, vector<100xf32>, vector<100xf32>, vector<100xf32>, vector<100xf32>, vector<100xf32>, vector<100xf32>, vector<100xf32>, vector<100xf32>, vector<100xf32>, vector<100xf32>, vector<100xf32>, vector<100xf32>, vector<100xf32>, vector<100xf32>, vector<100xf32>, vector<100xf32>, vector<100xf32>, vector<100xf32>, vector<100xf32>, vector<100xf32>, vector<100xf32>, vector<100xf32>, vector<100xf32>, vector<100xf32>, vector<100xf32>, vector<100xf32>, vector<100xf32>, vector<100xf32>, vector<100xf32>, vector<100xf32>, vector<100xf32>, vector<100xf32>, vector<100xf32>, vector<100xf32>, vector<100xf32>, vector<100xf32>, vector<100xf32>, vector<100xf32>, vector<100xf32>, vector<100xf32>, vector<100xf32>, vector<100xf32>, vector<100xf32>, vector<100xf32>, vector<100xf32>, vector<100xf32>, vector<100xf32>, vector<100xf32>, vector<100xf32>, vector<100xf32>, vector<100xf32>, vector<100xf32>, vector<100xf32>, vector<100xf32>, vector<100xf32>, vector<100xf32>, vector<100xf32>, vector<100xf32>, vector<100xf32>, vector<100xf32>, vector<100xf32>, vector<100xf32>, vector<100xf32>, vector<100xf32>, vector<100xf32>, vector<100xf32>, vector<100xf32>, vector<100xf32>, vector<100xf32>, vector<100xf32>, vector<100xf32>, vector<100xf32>, vector<240xf32> -> vector<10240xf32>
    %get3A_1079 = arith.constant 0 : index
    %get3A_1080 = arith.constant 2 : index
    %get3A_1081 = arith.constant 0 : index
    %get3A_1082 = arith.constant 0 : index
    %get3A_1083 = vector.load %arg2[%get3A_1079, %get3A_1080, %get3A_1081, %get3A_1082] : memref<1x3x400x400xf32, #tpu.memory_space<vmem>>, vector<1x1x400x400xf32>
    %get3A_1084 = vector.shape_cast %get3A_1083 : vector<1x1x400x400xf32> to vector<400x400xf32>
    %dot_general3A_1085 = arith.constant dense<0.000000e+00> : vector<100x400xf32>
    %dot_general3A_1086 = tpu.matmul %convert_element_type3A_3, %get3A_1084, %dot_general3A_1085 {dimension_numbers = #tpu.dot_dimension_numbers<[1], [0], [0], [1], [0, 0, 1, 1], [], []>, precision = #tpu.contract_precision<fp32>, transpose_lhs_hint = false} : vector<100x400xf32>, vector<400x400xf32>, vector<100x400xf32> -> vector<100x400xf32>
    %dot_general3A_1087 = arith.constant dense<0.000000e+00> : vector<100x100xf32>
    %dot_general3A_1088 = tpu.matmul %dot_general3A_1086, %convert_element_type3A_11, %dot_general3A_1087 {dimension_numbers = #tpu.dot_dimension_numbers<[1], [0], [0], [1], [0, 0, 1, 1], [], []>, precision = #tpu.contract_precision<fp32>, transpose_lhs_hint = false} : vector<100x400xf32>, vector<400x100xf32>, vector<100x100xf32> -> vector<100x100xf32>
    %slice3A_1089 = vector.extract_strided_slice %dot_general3A_1088 {offsets = [0, 0], sizes = [1, 100], strides = [1, 1]} : vector<100x100xf32> to vector<1x100xf32>
    %squeeze3A_1090 = vector.shape_cast %slice3A_1089 : vector<1x100xf32> to vector<100xf32>
    %slice3A_1091 = vector.extract_strided_slice %dot_general3A_1088 {offsets = [1, 0], sizes = [1, 100], strides = [1, 1]} : vector<100x100xf32> to vector<1x100xf32>
    %squeeze3A_1092 = vector.shape_cast %slice3A_1091 : vector<1x100xf32> to vector<100xf32>
    %slice3A_1093 = vector.extract_strided_slice %dot_general3A_1088 {offsets = [2, 0], sizes = [1, 100], strides = [1, 1]} : vector<100x100xf32> to vector<1x100xf32>
    %squeeze3A_1094 = vector.shape_cast %slice3A_1093 : vector<1x100xf32> to vector<100xf32>
    %slice3A_1095 = vector.extract_strided_slice %dot_general3A_1088 {offsets = [3, 0], sizes = [1, 100], strides = [1, 1]} : vector<100x100xf32> to vector<1x100xf32>
    %squeeze3A_1096 = vector.shape_cast %slice3A_1095 : vector<1x100xf32> to vector<100xf32>
    %slice3A_1097 = vector.extract_strided_slice %dot_general3A_1088 {offsets = [4, 0], sizes = [1, 100], strides = [1, 1]} : vector<100x100xf32> to vector<1x100xf32>
    %squeeze3A_1098 = vector.shape_cast %slice3A_1097 : vector<1x100xf32> to vector<100xf32>
    %slice3A_1099 = vector.extract_strided_slice %dot_general3A_1088 {offsets = [5, 0], sizes = [1, 100], strides = [1, 1]} : vector<100x100xf32> to vector<1x100xf32>
    %squeeze3A_1100 = vector.shape_cast %slice3A_1099 : vector<1x100xf32> to vector<100xf32>
    %slice3A_1101 = vector.extract_strided_slice %dot_general3A_1088 {offsets = [6, 0], sizes = [1, 100], strides = [1, 1]} : vector<100x100xf32> to vector<1x100xf32>
    %squeeze3A_1102 = vector.shape_cast %slice3A_1101 : vector<1x100xf32> to vector<100xf32>
    %slice3A_1103 = vector.extract_strided_slice %dot_general3A_1088 {offsets = [7, 0], sizes = [1, 100], strides = [1, 1]} : vector<100x100xf32> to vector<1x100xf32>
    %squeeze3A_1104 = vector.shape_cast %slice3A_1103 : vector<1x100xf32> to vector<100xf32>
    %slice3A_1105 = vector.extract_strided_slice %dot_general3A_1088 {offsets = [8, 0], sizes = [1, 100], strides = [1, 1]} : vector<100x100xf32> to vector<1x100xf32>
    %squeeze3A_1106 = vector.shape_cast %slice3A_1105 : vector<1x100xf32> to vector<100xf32>
    %slice3A_1107 = vector.extract_strided_slice %dot_general3A_1088 {offsets = [9, 0], sizes = [1, 100], strides = [1, 1]} : vector<100x100xf32> to vector<1x100xf32>
    %squeeze3A_1108 = vector.shape_cast %slice3A_1107 : vector<1x100xf32> to vector<100xf32>
    %slice3A_1109 = vector.extract_strided_slice %dot_general3A_1088 {offsets = [10, 0], sizes = [1, 100], strides = [1, 1]} : vector<100x100xf32> to vector<1x100xf32>
    %squeeze3A_1110 = vector.shape_cast %slice3A_1109 : vector<1x100xf32> to vector<100xf32>
    %slice3A_1111 = vector.extract_strided_slice %dot_general3A_1088 {offsets = [11, 0], sizes = [1, 100], strides = [1, 1]} : vector<100x100xf32> to vector<1x100xf32>
    %squeeze3A_1112 = vector.shape_cast %slice3A_1111 : vector<1x100xf32> to vector<100xf32>
    %slice3A_1113 = vector.extract_strided_slice %dot_general3A_1088 {offsets = [12, 0], sizes = [1, 100], strides = [1, 1]} : vector<100x100xf32> to vector<1x100xf32>
    %squeeze3A_1114 = vector.shape_cast %slice3A_1113 : vector<1x100xf32> to vector<100xf32>
    %slice3A_1115 = vector.extract_strided_slice %dot_general3A_1088 {offsets = [13, 0], sizes = [1, 100], strides = [1, 1]} : vector<100x100xf32> to vector<1x100xf32>
    %squeeze3A_1116 = vector.shape_cast %slice3A_1115 : vector<1x100xf32> to vector<100xf32>
    %slice3A_1117 = vector.extract_strided_slice %dot_general3A_1088 {offsets = [14, 0], sizes = [1, 100], strides = [1, 1]} : vector<100x100xf32> to vector<1x100xf32>
    %squeeze3A_1118 = vector.shape_cast %slice3A_1117 : vector<1x100xf32> to vector<100xf32>
    %slice3A_1119 = vector.extract_strided_slice %dot_general3A_1088 {offsets = [15, 0], sizes = [1, 100], strides = [1, 1]} : vector<100x100xf32> to vector<1x100xf32>
    %squeeze3A_1120 = vector.shape_cast %slice3A_1119 : vector<1x100xf32> to vector<100xf32>
    %slice3A_1121 = vector.extract_strided_slice %dot_general3A_1088 {offsets = [16, 0], sizes = [1, 100], strides = [1, 1]} : vector<100x100xf32> to vector<1x100xf32>
    %squeeze3A_1122 = vector.shape_cast %slice3A_1121 : vector<1x100xf32> to vector<100xf32>
    %slice3A_1123 = vector.extract_strided_slice %dot_general3A_1088 {offsets = [17, 0], sizes = [1, 100], strides = [1, 1]} : vector<100x100xf32> to vector<1x100xf32>
    %squeeze3A_1124 = vector.shape_cast %slice3A_1123 : vector<1x100xf32> to vector<100xf32>
    %slice3A_1125 = vector.extract_strided_slice %dot_general3A_1088 {offsets = [18, 0], sizes = [1, 100], strides = [1, 1]} : vector<100x100xf32> to vector<1x100xf32>
    %squeeze3A_1126 = vector.shape_cast %slice3A_1125 : vector<1x100xf32> to vector<100xf32>
    %slice3A_1127 = vector.extract_strided_slice %dot_general3A_1088 {offsets = [19, 0], sizes = [1, 100], strides = [1, 1]} : vector<100x100xf32> to vector<1x100xf32>
    %squeeze3A_1128 = vector.shape_cast %slice3A_1127 : vector<1x100xf32> to vector<100xf32>
    %slice3A_1129 = vector.extract_strided_slice %dot_general3A_1088 {offsets = [20, 0], sizes = [1, 100], strides = [1, 1]} : vector<100x100xf32> to vector<1x100xf32>
    %squeeze3A_1130 = vector.shape_cast %slice3A_1129 : vector<1x100xf32> to vector<100xf32>
    %slice3A_1131 = vector.extract_strided_slice %dot_general3A_1088 {offsets = [21, 0], sizes = [1, 100], strides = [1, 1]} : vector<100x100xf32> to vector<1x100xf32>
    %squeeze3A_1132 = vector.shape_cast %slice3A_1131 : vector<1x100xf32> to vector<100xf32>
    %slice3A_1133 = vector.extract_strided_slice %dot_general3A_1088 {offsets = [22, 0], sizes = [1, 100], strides = [1, 1]} : vector<100x100xf32> to vector<1x100xf32>
    %squeeze3A_1134 = vector.shape_cast %slice3A_1133 : vector<1x100xf32> to vector<100xf32>
    %slice3A_1135 = vector.extract_strided_slice %dot_general3A_1088 {offsets = [23, 0], sizes = [1, 100], strides = [1, 1]} : vector<100x100xf32> to vector<1x100xf32>
    %squeeze3A_1136 = vector.shape_cast %slice3A_1135 : vector<1x100xf32> to vector<100xf32>
    %slice3A_1137 = vector.extract_strided_slice %dot_general3A_1088 {offsets = [24, 0], sizes = [1, 100], strides = [1, 1]} : vector<100x100xf32> to vector<1x100xf32>
    %squeeze3A_1138 = vector.shape_cast %slice3A_1137 : vector<1x100xf32> to vector<100xf32>
    %slice3A_1139 = vector.extract_strided_slice %dot_general3A_1088 {offsets = [25, 0], sizes = [1, 100], strides = [1, 1]} : vector<100x100xf32> to vector<1x100xf32>
    %squeeze3A_1140 = vector.shape_cast %slice3A_1139 : vector<1x100xf32> to vector<100xf32>
    %slice3A_1141 = vector.extract_strided_slice %dot_general3A_1088 {offsets = [26, 0], sizes = [1, 100], strides = [1, 1]} : vector<100x100xf32> to vector<1x100xf32>
    %squeeze3A_1142 = vector.shape_cast %slice3A_1141 : vector<1x100xf32> to vector<100xf32>
    %slice3A_1143 = vector.extract_strided_slice %dot_general3A_1088 {offsets = [27, 0], sizes = [1, 100], strides = [1, 1]} : vector<100x100xf32> to vector<1x100xf32>
    %squeeze3A_1144 = vector.shape_cast %slice3A_1143 : vector<1x100xf32> to vector<100xf32>
    %slice3A_1145 = vector.extract_strided_slice %dot_general3A_1088 {offsets = [28, 0], sizes = [1, 100], strides = [1, 1]} : vector<100x100xf32> to vector<1x100xf32>
    %squeeze3A_1146 = vector.shape_cast %slice3A_1145 : vector<1x100xf32> to vector<100xf32>
    %slice3A_1147 = vector.extract_strided_slice %dot_general3A_1088 {offsets = [29, 0], sizes = [1, 100], strides = [1, 1]} : vector<100x100xf32> to vector<1x100xf32>
    %squeeze3A_1148 = vector.shape_cast %slice3A_1147 : vector<1x100xf32> to vector<100xf32>
    %slice3A_1149 = vector.extract_strided_slice %dot_general3A_1088 {offsets = [30, 0], sizes = [1, 100], strides = [1, 1]} : vector<100x100xf32> to vector<1x100xf32>
    %squeeze3A_1150 = vector.shape_cast %slice3A_1149 : vector<1x100xf32> to vector<100xf32>
    %slice3A_1151 = vector.extract_strided_slice %dot_general3A_1088 {offsets = [31, 0], sizes = [1, 100], strides = [1, 1]} : vector<100x100xf32> to vector<1x100xf32>
    %squeeze3A_1152 = vector.shape_cast %slice3A_1151 : vector<1x100xf32> to vector<100xf32>
    %slice3A_1153 = vector.extract_strided_slice %dot_general3A_1088 {offsets = [32, 0], sizes = [1, 100], strides = [1, 1]} : vector<100x100xf32> to vector<1x100xf32>
    %squeeze3A_1154 = vector.shape_cast %slice3A_1153 : vector<1x100xf32> to vector<100xf32>
    %slice3A_1155 = vector.extract_strided_slice %dot_general3A_1088 {offsets = [33, 0], sizes = [1, 100], strides = [1, 1]} : vector<100x100xf32> to vector<1x100xf32>
    %squeeze3A_1156 = vector.shape_cast %slice3A_1155 : vector<1x100xf32> to vector<100xf32>
    %slice3A_1157 = vector.extract_strided_slice %dot_general3A_1088 {offsets = [34, 0], sizes = [1, 100], strides = [1, 1]} : vector<100x100xf32> to vector<1x100xf32>
    %squeeze3A_1158 = vector.shape_cast %slice3A_1157 : vector<1x100xf32> to vector<100xf32>
    %slice3A_1159 = vector.extract_strided_slice %dot_general3A_1088 {offsets = [35, 0], sizes = [1, 100], strides = [1, 1]} : vector<100x100xf32> to vector<1x100xf32>
    %squeeze3A_1160 = vector.shape_cast %slice3A_1159 : vector<1x100xf32> to vector<100xf32>
    %slice3A_1161 = vector.extract_strided_slice %dot_general3A_1088 {offsets = [36, 0], sizes = [1, 100], strides = [1, 1]} : vector<100x100xf32> to vector<1x100xf32>
    %squeeze3A_1162 = vector.shape_cast %slice3A_1161 : vector<1x100xf32> to vector<100xf32>
    %slice3A_1163 = vector.extract_strided_slice %dot_general3A_1088 {offsets = [37, 0], sizes = [1, 100], strides = [1, 1]} : vector<100x100xf32> to vector<1x100xf32>
    %squeeze3A_1164 = vector.shape_cast %slice3A_1163 : vector<1x100xf32> to vector<100xf32>
    %slice3A_1165 = vector.extract_strided_slice %dot_general3A_1088 {offsets = [38, 0], sizes = [1, 100], strides = [1, 1]} : vector<100x100xf32> to vector<1x100xf32>
    %squeeze3A_1166 = vector.shape_cast %slice3A_1165 : vector<1x100xf32> to vector<100xf32>
    %slice3A_1167 = vector.extract_strided_slice %dot_general3A_1088 {offsets = [39, 0], sizes = [1, 100], strides = [1, 1]} : vector<100x100xf32> to vector<1x100xf32>
    %squeeze3A_1168 = vector.shape_cast %slice3A_1167 : vector<1x100xf32> to vector<100xf32>
    %slice3A_1169 = vector.extract_strided_slice %dot_general3A_1088 {offsets = [40, 0], sizes = [1, 100], strides = [1, 1]} : vector<100x100xf32> to vector<1x100xf32>
    %squeeze3A_1170 = vector.shape_cast %slice3A_1169 : vector<1x100xf32> to vector<100xf32>
    %slice3A_1171 = vector.extract_strided_slice %dot_general3A_1088 {offsets = [41, 0], sizes = [1, 100], strides = [1, 1]} : vector<100x100xf32> to vector<1x100xf32>
    %squeeze3A_1172 = vector.shape_cast %slice3A_1171 : vector<1x100xf32> to vector<100xf32>
    %slice3A_1173 = vector.extract_strided_slice %dot_general3A_1088 {offsets = [42, 0], sizes = [1, 100], strides = [1, 1]} : vector<100x100xf32> to vector<1x100xf32>
    %squeeze3A_1174 = vector.shape_cast %slice3A_1173 : vector<1x100xf32> to vector<100xf32>
    %slice3A_1175 = vector.extract_strided_slice %dot_general3A_1088 {offsets = [43, 0], sizes = [1, 100], strides = [1, 1]} : vector<100x100xf32> to vector<1x100xf32>
    %squeeze3A_1176 = vector.shape_cast %slice3A_1175 : vector<1x100xf32> to vector<100xf32>
    %slice3A_1177 = vector.extract_strided_slice %dot_general3A_1088 {offsets = [44, 0], sizes = [1, 100], strides = [1, 1]} : vector<100x100xf32> to vector<1x100xf32>
    %squeeze3A_1178 = vector.shape_cast %slice3A_1177 : vector<1x100xf32> to vector<100xf32>
    %slice3A_1179 = vector.extract_strided_slice %dot_general3A_1088 {offsets = [45, 0], sizes = [1, 100], strides = [1, 1]} : vector<100x100xf32> to vector<1x100xf32>
    %squeeze3A_1180 = vector.shape_cast %slice3A_1179 : vector<1x100xf32> to vector<100xf32>
    %slice3A_1181 = vector.extract_strided_slice %dot_general3A_1088 {offsets = [46, 0], sizes = [1, 100], strides = [1, 1]} : vector<100x100xf32> to vector<1x100xf32>
    %squeeze3A_1182 = vector.shape_cast %slice3A_1181 : vector<1x100xf32> to vector<100xf32>
    %slice3A_1183 = vector.extract_strided_slice %dot_general3A_1088 {offsets = [47, 0], sizes = [1, 100], strides = [1, 1]} : vector<100x100xf32> to vector<1x100xf32>
    %squeeze3A_1184 = vector.shape_cast %slice3A_1183 : vector<1x100xf32> to vector<100xf32>
    %slice3A_1185 = vector.extract_strided_slice %dot_general3A_1088 {offsets = [48, 0], sizes = [1, 100], strides = [1, 1]} : vector<100x100xf32> to vector<1x100xf32>
    %squeeze3A_1186 = vector.shape_cast %slice3A_1185 : vector<1x100xf32> to vector<100xf32>
    %slice3A_1187 = vector.extract_strided_slice %dot_general3A_1088 {offsets = [49, 0], sizes = [1, 100], strides = [1, 1]} : vector<100x100xf32> to vector<1x100xf32>
    %squeeze3A_1188 = vector.shape_cast %slice3A_1187 : vector<1x100xf32> to vector<100xf32>
    %slice3A_1189 = vector.extract_strided_slice %dot_general3A_1088 {offsets = [50, 0], sizes = [1, 100], strides = [1, 1]} : vector<100x100xf32> to vector<1x100xf32>
    %squeeze3A_1190 = vector.shape_cast %slice3A_1189 : vector<1x100xf32> to vector<100xf32>
    %slice3A_1191 = vector.extract_strided_slice %dot_general3A_1088 {offsets = [51, 0], sizes = [1, 100], strides = [1, 1]} : vector<100x100xf32> to vector<1x100xf32>
    %squeeze3A_1192 = vector.shape_cast %slice3A_1191 : vector<1x100xf32> to vector<100xf32>
    %slice3A_1193 = vector.extract_strided_slice %dot_general3A_1088 {offsets = [52, 0], sizes = [1, 100], strides = [1, 1]} : vector<100x100xf32> to vector<1x100xf32>
    %squeeze3A_1194 = vector.shape_cast %slice3A_1193 : vector<1x100xf32> to vector<100xf32>
    %slice3A_1195 = vector.extract_strided_slice %dot_general3A_1088 {offsets = [53, 0], sizes = [1, 100], strides = [1, 1]} : vector<100x100xf32> to vector<1x100xf32>
    %squeeze3A_1196 = vector.shape_cast %slice3A_1195 : vector<1x100xf32> to vector<100xf32>
    %slice3A_1197 = vector.extract_strided_slice %dot_general3A_1088 {offsets = [54, 0], sizes = [1, 100], strides = [1, 1]} : vector<100x100xf32> to vector<1x100xf32>
    %squeeze3A_1198 = vector.shape_cast %slice3A_1197 : vector<1x100xf32> to vector<100xf32>
    %slice3A_1199 = vector.extract_strided_slice %dot_general3A_1088 {offsets = [55, 0], sizes = [1, 100], strides = [1, 1]} : vector<100x100xf32> to vector<1x100xf32>
    %squeeze3A_1200 = vector.shape_cast %slice3A_1199 : vector<1x100xf32> to vector<100xf32>
    %slice3A_1201 = vector.extract_strided_slice %dot_general3A_1088 {offsets = [56, 0], sizes = [1, 100], strides = [1, 1]} : vector<100x100xf32> to vector<1x100xf32>
    %squeeze3A_1202 = vector.shape_cast %slice3A_1201 : vector<1x100xf32> to vector<100xf32>
    %slice3A_1203 = vector.extract_strided_slice %dot_general3A_1088 {offsets = [57, 0], sizes = [1, 100], strides = [1, 1]} : vector<100x100xf32> to vector<1x100xf32>
    %squeeze3A_1204 = vector.shape_cast %slice3A_1203 : vector<1x100xf32> to vector<100xf32>
    %slice3A_1205 = vector.extract_strided_slice %dot_general3A_1088 {offsets = [58, 0], sizes = [1, 100], strides = [1, 1]} : vector<100x100xf32> to vector<1x100xf32>
    %squeeze3A_1206 = vector.shape_cast %slice3A_1205 : vector<1x100xf32> to vector<100xf32>
    %slice3A_1207 = vector.extract_strided_slice %dot_general3A_1088 {offsets = [59, 0], sizes = [1, 100], strides = [1, 1]} : vector<100x100xf32> to vector<1x100xf32>
    %squeeze3A_1208 = vector.shape_cast %slice3A_1207 : vector<1x100xf32> to vector<100xf32>
    %slice3A_1209 = vector.extract_strided_slice %dot_general3A_1088 {offsets = [60, 0], sizes = [1, 100], strides = [1, 1]} : vector<100x100xf32> to vector<1x100xf32>
    %squeeze3A_1210 = vector.shape_cast %slice3A_1209 : vector<1x100xf32> to vector<100xf32>
    %slice3A_1211 = vector.extract_strided_slice %dot_general3A_1088 {offsets = [61, 0], sizes = [1, 100], strides = [1, 1]} : vector<100x100xf32> to vector<1x100xf32>
    %squeeze3A_1212 = vector.shape_cast %slice3A_1211 : vector<1x100xf32> to vector<100xf32>
    %slice3A_1213 = vector.extract_strided_slice %dot_general3A_1088 {offsets = [62, 0], sizes = [1, 100], strides = [1, 1]} : vector<100x100xf32> to vector<1x100xf32>
    %squeeze3A_1214 = vector.shape_cast %slice3A_1213 : vector<1x100xf32> to vector<100xf32>
    %slice3A_1215 = vector.extract_strided_slice %dot_general3A_1088 {offsets = [63, 0], sizes = [1, 100], strides = [1, 1]} : vector<100x100xf32> to vector<1x100xf32>
    %squeeze3A_1216 = vector.shape_cast %slice3A_1215 : vector<1x100xf32> to vector<100xf32>
    %slice3A_1217 = vector.extract_strided_slice %dot_general3A_1088 {offsets = [64, 0], sizes = [1, 100], strides = [1, 1]} : vector<100x100xf32> to vector<1x100xf32>
    %squeeze3A_1218 = vector.shape_cast %slice3A_1217 : vector<1x100xf32> to vector<100xf32>
    %slice3A_1219 = vector.extract_strided_slice %dot_general3A_1088 {offsets = [65, 0], sizes = [1, 100], strides = [1, 1]} : vector<100x100xf32> to vector<1x100xf32>
    %squeeze3A_1220 = vector.shape_cast %slice3A_1219 : vector<1x100xf32> to vector<100xf32>
    %slice3A_1221 = vector.extract_strided_slice %dot_general3A_1088 {offsets = [66, 0], sizes = [1, 100], strides = [1, 1]} : vector<100x100xf32> to vector<1x100xf32>
    %squeeze3A_1222 = vector.shape_cast %slice3A_1221 : vector<1x100xf32> to vector<100xf32>
    %slice3A_1223 = vector.extract_strided_slice %dot_general3A_1088 {offsets = [67, 0], sizes = [1, 100], strides = [1, 1]} : vector<100x100xf32> to vector<1x100xf32>
    %squeeze3A_1224 = vector.shape_cast %slice3A_1223 : vector<1x100xf32> to vector<100xf32>
    %slice3A_1225 = vector.extract_strided_slice %dot_general3A_1088 {offsets = [68, 0], sizes = [1, 100], strides = [1, 1]} : vector<100x100xf32> to vector<1x100xf32>
    %squeeze3A_1226 = vector.shape_cast %slice3A_1225 : vector<1x100xf32> to vector<100xf32>
    %slice3A_1227 = vector.extract_strided_slice %dot_general3A_1088 {offsets = [69, 0], sizes = [1, 100], strides = [1, 1]} : vector<100x100xf32> to vector<1x100xf32>
    %squeeze3A_1228 = vector.shape_cast %slice3A_1227 : vector<1x100xf32> to vector<100xf32>
    %slice3A_1229 = vector.extract_strided_slice %dot_general3A_1088 {offsets = [70, 0], sizes = [1, 100], strides = [1, 1]} : vector<100x100xf32> to vector<1x100xf32>
    %squeeze3A_1230 = vector.shape_cast %slice3A_1229 : vector<1x100xf32> to vector<100xf32>
    %slice3A_1231 = vector.extract_strided_slice %dot_general3A_1088 {offsets = [71, 0], sizes = [1, 100], strides = [1, 1]} : vector<100x100xf32> to vector<1x100xf32>
    %squeeze3A_1232 = vector.shape_cast %slice3A_1231 : vector<1x100xf32> to vector<100xf32>
    %slice3A_1233 = vector.extract_strided_slice %dot_general3A_1088 {offsets = [72, 0], sizes = [1, 100], strides = [1, 1]} : vector<100x100xf32> to vector<1x100xf32>
    %squeeze3A_1234 = vector.shape_cast %slice3A_1233 : vector<1x100xf32> to vector<100xf32>
    %slice3A_1235 = vector.extract_strided_slice %dot_general3A_1088 {offsets = [73, 0], sizes = [1, 100], strides = [1, 1]} : vector<100x100xf32> to vector<1x100xf32>
    %squeeze3A_1236 = vector.shape_cast %slice3A_1235 : vector<1x100xf32> to vector<100xf32>
    %slice3A_1237 = vector.extract_strided_slice %dot_general3A_1088 {offsets = [74, 0], sizes = [1, 100], strides = [1, 1]} : vector<100x100xf32> to vector<1x100xf32>
    %squeeze3A_1238 = vector.shape_cast %slice3A_1237 : vector<1x100xf32> to vector<100xf32>
    %slice3A_1239 = vector.extract_strided_slice %dot_general3A_1088 {offsets = [75, 0], sizes = [1, 100], strides = [1, 1]} : vector<100x100xf32> to vector<1x100xf32>
    %squeeze3A_1240 = vector.shape_cast %slice3A_1239 : vector<1x100xf32> to vector<100xf32>
    %slice3A_1241 = vector.extract_strided_slice %dot_general3A_1088 {offsets = [76, 0], sizes = [1, 100], strides = [1, 1]} : vector<100x100xf32> to vector<1x100xf32>
    %squeeze3A_1242 = vector.shape_cast %slice3A_1241 : vector<1x100xf32> to vector<100xf32>
    %slice3A_1243 = vector.extract_strided_slice %dot_general3A_1088 {offsets = [77, 0], sizes = [1, 100], strides = [1, 1]} : vector<100x100xf32> to vector<1x100xf32>
    %squeeze3A_1244 = vector.shape_cast %slice3A_1243 : vector<1x100xf32> to vector<100xf32>
    %slice3A_1245 = vector.extract_strided_slice %dot_general3A_1088 {offsets = [78, 0], sizes = [1, 100], strides = [1, 1]} : vector<100x100xf32> to vector<1x100xf32>
    %squeeze3A_1246 = vector.shape_cast %slice3A_1245 : vector<1x100xf32> to vector<100xf32>
    %slice3A_1247 = vector.extract_strided_slice %dot_general3A_1088 {offsets = [79, 0], sizes = [1, 100], strides = [1, 1]} : vector<100x100xf32> to vector<1x100xf32>
    %squeeze3A_1248 = vector.shape_cast %slice3A_1247 : vector<1x100xf32> to vector<100xf32>
    %slice3A_1249 = vector.extract_strided_slice %dot_general3A_1088 {offsets = [80, 0], sizes = [1, 100], strides = [1, 1]} : vector<100x100xf32> to vector<1x100xf32>
    %squeeze3A_1250 = vector.shape_cast %slice3A_1249 : vector<1x100xf32> to vector<100xf32>
    %slice3A_1251 = vector.extract_strided_slice %dot_general3A_1088 {offsets = [81, 0], sizes = [1, 100], strides = [1, 1]} : vector<100x100xf32> to vector<1x100xf32>
    %squeeze3A_1252 = vector.shape_cast %slice3A_1251 : vector<1x100xf32> to vector<100xf32>
    %slice3A_1253 = vector.extract_strided_slice %dot_general3A_1088 {offsets = [82, 0], sizes = [1, 100], strides = [1, 1]} : vector<100x100xf32> to vector<1x100xf32>
    %squeeze3A_1254 = vector.shape_cast %slice3A_1253 : vector<1x100xf32> to vector<100xf32>
    %slice3A_1255 = vector.extract_strided_slice %dot_general3A_1088 {offsets = [83, 0], sizes = [1, 100], strides = [1, 1]} : vector<100x100xf32> to vector<1x100xf32>
    %squeeze3A_1256 = vector.shape_cast %slice3A_1255 : vector<1x100xf32> to vector<100xf32>
    %slice3A_1257 = vector.extract_strided_slice %dot_general3A_1088 {offsets = [84, 0], sizes = [1, 100], strides = [1, 1]} : vector<100x100xf32> to vector<1x100xf32>
    %squeeze3A_1258 = vector.shape_cast %slice3A_1257 : vector<1x100xf32> to vector<100xf32>
    %slice3A_1259 = vector.extract_strided_slice %dot_general3A_1088 {offsets = [85, 0], sizes = [1, 100], strides = [1, 1]} : vector<100x100xf32> to vector<1x100xf32>
    %squeeze3A_1260 = vector.shape_cast %slice3A_1259 : vector<1x100xf32> to vector<100xf32>
    %slice3A_1261 = vector.extract_strided_slice %dot_general3A_1088 {offsets = [86, 0], sizes = [1, 100], strides = [1, 1]} : vector<100x100xf32> to vector<1x100xf32>
    %squeeze3A_1262 = vector.shape_cast %slice3A_1261 : vector<1x100xf32> to vector<100xf32>
    %slice3A_1263 = vector.extract_strided_slice %dot_general3A_1088 {offsets = [87, 0], sizes = [1, 100], strides = [1, 1]} : vector<100x100xf32> to vector<1x100xf32>
    %squeeze3A_1264 = vector.shape_cast %slice3A_1263 : vector<1x100xf32> to vector<100xf32>
    %slice3A_1265 = vector.extract_strided_slice %dot_general3A_1088 {offsets = [88, 0], sizes = [1, 100], strides = [1, 1]} : vector<100x100xf32> to vector<1x100xf32>
    %squeeze3A_1266 = vector.shape_cast %slice3A_1265 : vector<1x100xf32> to vector<100xf32>
    %slice3A_1267 = vector.extract_strided_slice %dot_general3A_1088 {offsets = [89, 0], sizes = [1, 100], strides = [1, 1]} : vector<100x100xf32> to vector<1x100xf32>
    %squeeze3A_1268 = vector.shape_cast %slice3A_1267 : vector<1x100xf32> to vector<100xf32>
    %slice3A_1269 = vector.extract_strided_slice %dot_general3A_1088 {offsets = [90, 0], sizes = [1, 100], strides = [1, 1]} : vector<100x100xf32> to vector<1x100xf32>
    %squeeze3A_1270 = vector.shape_cast %slice3A_1269 : vector<1x100xf32> to vector<100xf32>
    %slice3A_1271 = vector.extract_strided_slice %dot_general3A_1088 {offsets = [91, 0], sizes = [1, 100], strides = [1, 1]} : vector<100x100xf32> to vector<1x100xf32>
    %squeeze3A_1272 = vector.shape_cast %slice3A_1271 : vector<1x100xf32> to vector<100xf32>
    %slice3A_1273 = vector.extract_strided_slice %dot_general3A_1088 {offsets = [92, 0], sizes = [1, 100], strides = [1, 1]} : vector<100x100xf32> to vector<1x100xf32>
    %squeeze3A_1274 = vector.shape_cast %slice3A_1273 : vector<1x100xf32> to vector<100xf32>
    %slice3A_1275 = vector.extract_strided_slice %dot_general3A_1088 {offsets = [93, 0], sizes = [1, 100], strides = [1, 1]} : vector<100x100xf32> to vector<1x100xf32>
    %squeeze3A_1276 = vector.shape_cast %slice3A_1275 : vector<1x100xf32> to vector<100xf32>
    %slice3A_1277 = vector.extract_strided_slice %dot_general3A_1088 {offsets = [94, 0], sizes = [1, 100], strides = [1, 1]} : vector<100x100xf32> to vector<1x100xf32>
    %squeeze3A_1278 = vector.shape_cast %slice3A_1277 : vector<1x100xf32> to vector<100xf32>
    %slice3A_1279 = vector.extract_strided_slice %dot_general3A_1088 {offsets = [95, 0], sizes = [1, 100], strides = [1, 1]} : vector<100x100xf32> to vector<1x100xf32>
    %squeeze3A_1280 = vector.shape_cast %slice3A_1279 : vector<1x100xf32> to vector<100xf32>
    %slice3A_1281 = vector.extract_strided_slice %dot_general3A_1088 {offsets = [96, 0], sizes = [1, 100], strides = [1, 1]} : vector<100x100xf32> to vector<1x100xf32>
    %squeeze3A_1282 = vector.shape_cast %slice3A_1281 : vector<1x100xf32> to vector<100xf32>
    %slice3A_1283 = vector.extract_strided_slice %dot_general3A_1088 {offsets = [97, 0], sizes = [1, 100], strides = [1, 1]} : vector<100x100xf32> to vector<1x100xf32>
    %squeeze3A_1284 = vector.shape_cast %slice3A_1283 : vector<1x100xf32> to vector<100xf32>
    %slice3A_1285 = vector.extract_strided_slice %dot_general3A_1088 {offsets = [98, 0], sizes = [1, 100], strides = [1, 1]} : vector<100x100xf32> to vector<1x100xf32>
    %squeeze3A_1286 = vector.shape_cast %slice3A_1285 : vector<1x100xf32> to vector<100xf32>
    %slice3A_1287 = vector.extract_strided_slice %dot_general3A_1088 {offsets = [99, 0], sizes = [1, 100], strides = [1, 1]} : vector<100x100xf32> to vector<1x100xf32>
    %squeeze3A_1288 = vector.shape_cast %slice3A_1287 : vector<1x100xf32> to vector<100xf32>
    %concatenate3A_1289 = tpu.concatenate %squeeze3A_1090, %squeeze3A_1092, %squeeze3A_1094, %squeeze3A_1096, %squeeze3A_1098, %squeeze3A_1100, %squeeze3A_1102, %squeeze3A_1104, %squeeze3A_1106, %squeeze3A_1108, %squeeze3A_1110, %squeeze3A_1112, %squeeze3A_1114, %squeeze3A_1116, %squeeze3A_1118, %squeeze3A_1120, %squeeze3A_1122, %squeeze3A_1124, %squeeze3A_1126, %squeeze3A_1128, %squeeze3A_1130, %squeeze3A_1132, %squeeze3A_1134, %squeeze3A_1136, %squeeze3A_1138, %squeeze3A_1140, %squeeze3A_1142, %squeeze3A_1144, %squeeze3A_1146, %squeeze3A_1148, %squeeze3A_1150, %squeeze3A_1152, %squeeze3A_1154, %squeeze3A_1156, %squeeze3A_1158, %squeeze3A_1160, %squeeze3A_1162, %squeeze3A_1164, %squeeze3A_1166, %squeeze3A_1168, %squeeze3A_1170, %squeeze3A_1172, %squeeze3A_1174, %squeeze3A_1176, %squeeze3A_1178, %squeeze3A_1180, %squeeze3A_1182, %squeeze3A_1184, %squeeze3A_1186, %squeeze3A_1188, %squeeze3A_1190, %squeeze3A_1192, %squeeze3A_1194, %squeeze3A_1196, %squeeze3A_1198, %squeeze3A_1200, %squeeze3A_1202, %squeeze3A_1204, %squeeze3A_1206, %squeeze3A_1208, %squeeze3A_1210, %squeeze3A_1212, %squeeze3A_1214, %squeeze3A_1216, %squeeze3A_1218, %squeeze3A_1220, %squeeze3A_1222, %squeeze3A_1224, %squeeze3A_1226, %squeeze3A_1228, %squeeze3A_1230, %squeeze3A_1232, %squeeze3A_1234, %squeeze3A_1236, %squeeze3A_1238, %squeeze3A_1240, %squeeze3A_1242, %squeeze3A_1244, %squeeze3A_1246, %squeeze3A_1248, %squeeze3A_1250, %squeeze3A_1252, %squeeze3A_1254, %squeeze3A_1256, %squeeze3A_1258, %squeeze3A_1260, %squeeze3A_1262, %squeeze3A_1264, %squeeze3A_1266, %squeeze3A_1268, %squeeze3A_1270, %squeeze3A_1272, %squeeze3A_1274, %squeeze3A_1276, %squeeze3A_1278, %squeeze3A_1280, %squeeze3A_1282, %squeeze3A_1284, %squeeze3A_1286, %squeeze3A_1288, %broadcast_in_dim3A_12 in 0 : vector<100xf32>, vector<100xf32>, vector<100xf32>, vector<100xf32>, vector<100xf32>, vector<100xf32>, vector<100xf32>, vector<100xf32>, vector<100xf32>, vector<100xf32>, vector<100xf32>, vector<100xf32>, vector<100xf32>, vector<100xf32>, vector<100xf32>, vector<100xf32>, vector<100xf32>, vector<100xf32>, vector<100xf32>, vector<100xf32>, vector<100xf32>, vector<100xf32>, vector<100xf32>, vector<100xf32>, vector<100xf32>, vector<100xf32>, vector<100xf32>, vector<100xf32>, vector<100xf32>, vector<100xf32>, vector<100xf32>, vector<100xf32>, vector<100xf32>, vector<100xf32>, vector<100xf32>, vector<100xf32>, vector<100xf32>, vector<100xf32>, vector<100xf32>, vector<100xf32>, vector<100xf32>, vector<100xf32>, vector<100xf32>, vector<100xf32>, vector<100xf32>, vector<100xf32>, vector<100xf32>, vector<100xf32>, vector<100xf32>, vector<100xf32>, vector<100xf32>, vector<100xf32>, vector<100xf32>, vector<100xf32>, vector<100xf32>, vector<100xf32>, vector<100xf32>, vector<100xf32>, vector<100xf32>, vector<100xf32>, vector<100xf32>, vector<100xf32>, vector<100xf32>, vector<100xf32>, vector<100xf32>, vector<100xf32>, vector<100xf32>, vector<100xf32>, vector<100xf32>, vector<100xf32>, vector<100xf32>, vector<100xf32>, vector<100xf32>, vector<100xf32>, vector<100xf32>, vector<100xf32>, vector<100xf32>, vector<100xf32>, vector<100xf32>, vector<100xf32>, vector<100xf32>, vector<100xf32>, vector<100xf32>, vector<100xf32>, vector<100xf32>, vector<100xf32>, vector<100xf32>, vector<100xf32>, vector<100xf32>, vector<100xf32>, vector<100xf32>, vector<100xf32>, vector<100xf32>, vector<100xf32>, vector<100xf32>, vector<100xf32>, vector<100xf32>, vector<100xf32>, vector<100xf32>, vector<100xf32>, vector<240xf32> -> vector<10240xf32>
    %stack3A_1290 = vector.shape_cast %concatenate3A_867 : vector<10240xf32> to vector<1x10240xf32>
    %stack3A_1291 = vector.shape_cast %concatenate3A_1078 : vector<10240xf32> to vector<1x10240xf32>
    %stack3A_1292 = vector.shape_cast %concatenate3A_1289 : vector<10240xf32> to vector<1x10240xf32>
    %stack3A_1293 = tpu.concatenate %stack3A_1290, %stack3A_1291, %stack3A_1292 in 0 : vector<1x10240xf32>, vector<1x10240xf32>, vector<1x10240xf32> -> vector<3x10240xf32>
    %mul3A_1294 = arith.mulf %stack3A_1293, %stack3A_1293 : vector<3x10240xf32>
    %reduce_sum3A = arith.constant dense<0.000000e+00> : vector<10240xf32>
    %reduce_sum3A_1295 = vector.multi_reduction <add>, %mul3A_1294, %reduce_sum3A [0] : vector<3x10240xf32> to vector<10240xf32>
    %broadcast_in_dim3A_1296 = vector.shape_cast %reduce_sum3A_1295 : vector<10240xf32> to vector<1x10240xf32>
    %concatenate3A_1297 = tpu.concatenate %stack3A_1293, %broadcast_in_dim3A_1296 in 0 : vector<3x10240xf32>, vector<1x10240xf32> -> vector<4x10240xf32>
    %swap3A_1298 = arith.constant 0 : index
    %swap3A_1299 = arith.constant 0 : index
    %swap3A_1300 = arith.constant 0 : index
    %swap3A_1301 = vector.load %arg3[%swap3A_1298, %swap3A_1299, %swap3A_1300] : memref<1x4x10240xf32, #tpu.memory_space<vmem>>, vector<1x4x10240xf32>
    %swap3A_1302 = vector.shape_cast %swap3A_1301 : vector<1x4x10240xf32> to vector<4x10240xf32>
    %swap3A_1303 = vector.shape_cast %concatenate3A_1297 : vector<4x10240xf32> to vector<1x4x10240xf32>
    tpu.vector_store %arg3[%swap3A_1298, %swap3A_1299, %swap3A_1300], %swap3A_1303 {strides = array<i32>} : memref<1x4x10240xf32, #tpu.memory_space<vmem>>, vector<1x4x10240xf32>,
    %transpose3A_1304 = tpu.transpose %stack3A_1293, [1, 0] : vector<3x10240xf32> -> vector<10240x3xf32>
    %swap3A_1305 = arith.constant 0 : index
    %swap3A_1306 = arith.constant 0 : index
    %swap3A_1307 = arith.constant 0 : index
    %swap3A_1308 = vector.load %arg5[%swap3A_1305, %swap3A_1306, %swap3A_1307] : memref<1x10240x16xf32, #tpu.memory_space<vmem>>, vector<1x10240x3xf32>
    %swap3A_1309 = vector.shape_cast %swap3A_1308 : vector<1x10240x3xf32> to vector<10240x3xf32>
    %swap3A_1310 = vector.shape_cast %transpose3A_1304 : vector<10240x3xf32> to vector<1x10240x3xf32>
    tpu.vector_store %arg5[%swap3A_1305, %swap3A_1306, %swap3A_1307], %swap3A_1310 {strides = array<i32>} : memref<1x10240x16xf32, #tpu.memory_space<vmem>>, vector<1x10240x3xf32>,
    %broadcast_in_dim3A_1311 = arith.constant 0.000000e+00 : f32
    %broadcast_in_dim3A_1312 = vector.broadcast %broadcast_in_dim3A_1311 : f32 to vector<10240x13xf32>
    %swap3A_1313 = arith.constant 0 : index
    %swap3A_1314 = arith.constant 0 : index
    %swap3A_1315 = arith.constant 3 : index
    %swap3A_1316 = vector.load %arg5[%swap3A_1313, %swap3A_1314, %swap3A_1315] : memref<1x10240x16xf32, #tpu.memory_space<vmem>>, vector<1x10240x13xf32>
    %swap3A_1317 = vector.shape_cast %swap3A_1316 : vector<1x10240x13xf32> to vector<10240x13xf32>
    %swap3A_1318 = vector.shape_cast %broadcast_in_dim3A_1312 : vector<10240x13xf32> to vector<1x10240x13xf32>
    tpu.vector_store %arg5[%swap3A_1313, %swap3A_1314, %swap3A_1315], %swap3A_1318 {strides = array<i32>} : memref<1x10240x16xf32, #tpu.memory_space<vmem>>, vector<1x10240x13xf32>,
    return
  }
  func.func @transform_0(%arg0: i32) -> (i32, i32, i32, i32) {
    %c0_i32 = arith.constant 0 : i32
    %c0_i32_0 = arith.constant 0 : i32
    %c0_i32_1 = arith.constant 0 : i32
    %c0_i32_2 = arith.constant 0 : i32
    return %arg0, %c0_i32, %c0_i32_0, %c0_i32_1 : i32, i32, i32, i32
  }
  func.func @transform_1(%arg0: i32) -> (i32, i32, i32, i32) {
    %c0_i32 = arith.constant 0 : i32
    %c0_i32_0 = arith.constant 0 : i32
    %c0_i32_1 = arith.constant 0 : i32
    %c0_i32_2 = arith.constant 0 : i32
    return %arg0, %c0_i32, %c0_i32_0, %c0_i32_1 : i32, i32, i32, i32
  }
  func.func @transform_2(%arg0: i32) -> (i32, i32, i32) {
    %c0_i32 = arith.constant 0 : i32
    %c0_i32_0 = arith.constant 0 : i32
    %c0_i32_1 = arith.constant 0 : i32
    return %arg0, %c0_i32, %c0_i32_0 : i32, i32, i32
  }
  func.func @transform_3(%arg0: i32) -> (i32, i32, i32) {
    %c0_i32 = arith.constant 0 : i32
    %c0_i32_0 = arith.constant 0 : i32
    %c0_i32_1 = arith.constant 0 : i32
    return %arg0, %c0_i32, %c0_i32_0 : i32, i32, i32
  }
  func.func @transform_4(%arg0: i32) -> (i32, i32, i32) {
    %c0_i32 = arith.constant 0 : i32
    %c0_i32_0 = arith.constant 0 : i32
    %c0_i32_1 = arith.constant 0 : i32
    return %arg0, %c0_i32, %c0_i32_0 : i32, i32, i32
  }
}

</mosaic_0001>

<sc_bundles>
// kernel: kernel.5.cloned.1.call-start
scs
__scs_entry_jumppad:
0x0: {  	(pc) =	sbr.rel $0x88, $3  }
0x1: {  	(tag) =	ssettag $0x0;
	lr =	simm.s32 $0x1  }
0x2: {  	[smem:$0x3F9F] =	sst lr;
	_ =	strace $0xD0000000  }
0x3: {  	_ = 	snop  }
0x4: {  	_ = 	snop  }
0x5: {  	_ = 	snop  }
0x6: {  	_ = 	snop  }
0x7: {  	_ = 	snop  }
__scs_overlays_trampoline_lowered:
0x8: {  	[smem:$0x3FAE] =	sst s0  }
0x9: {  	[smem:$0x3FAF] =	sst s1  }
0xa: {  	[smem:$0x3FB0] =	sst s2  }
0xb: {  	[smem:$0x3FB1] =	sst s3  }
0xc: {  	[smem:$0x3FB2] =	sst s4  }
0xd: {  	[smem:$0x3FB3] =	sst s5  }
0xe: {  	[smem:$0x3FB4] =	sst s6  }
0xf: {  	[smem:$0x3FB5] =	sst s7  }
0x10: {  	[smem:$0x3FB6] =	sst s8  }
0x11: {  	[smem:$0x3FB7] =	sst s9;
	s0 =	simm.s32 @!p0 $0x0  }
0x12: {  	s1 =	sld [smem:$0x3F9D];
	s0 =	simm.s32 @p0 $0x1  }
0x13: {  	[smem:$0x3FB8] =	sst s0;
	s0 =	simm.s32 @!p1 $0x0  }
0x14: {  	s2 =	sld [smem:$0x3F9C];
	s0 =	simm.s32 @p1 $0x1  }
0x15: {  	[smem:$0x3FB9] =	sst s0;
	s0 =	simm.s32 @!p2 $0x0  }
0x16: {  	s3 =	sld [smem:$0x3FDB];
	s0 =	simm.s32 @p2 $0x1  }
0x17: {  	s4 =	simm.s32 $0x1BF5;
	[smem:$0x3FBB] =	sst s0  }
0x18: {  	s0 =	sld [smem:$0x3F9E];
	_ =	swait.ge [sflag:s4], $0x0  }
0x19: {  	s7 =	sld [smem:$0x3F9F]  }
0x1a: {  	s8 =	sadd.s32 $0xFFFFE003, lr  }
0x1b: {  	s9 =	sadd.s32 $0xFFFFFEF7, lr;
	s5 =	simm.s32 $0xFFFFFFFF;
	p2 =	slt.u32 s8, $0xFFFFF086  }
0x1c: {  	p1 =	slt.u32 s9, $0xF7A;
	s5 =	simm.s32 @!p2 $0x0  }
0x1d: {  	s5 =	simm.s32 @p1 $0x1;
	p0 =	seq.s32 s7, s2  }
0x1e: {  	s7 =	smul.u32 @!p0 $0xF7A, s2;
	p2 =	seq.s32 @!p0 s5, $0x0  }
0x1f: {  	s9 =	smul.u32 $0xF7A, s1;
	s8 =	simm.s32 @!p0 $0x1BF5;
	p2 =	por !p2, p0  }
0x20: {  	[sflag:s8] =	ssyncset.s32 @!p0 $0xFFFFF086;
	s6 =	sadd.s32 @!p0 s3, s7;
	s7 =	simm.s32 @!p0 $0x108  }
0x21: {  	s3 =	sadd.s32 s3, s9;
	s6 =	sadd.s32 @!p0 $0x88, s6;
	s7 =	simm.s32 @p2 $0x1082  }
0x22: {  	[simem:s7], [sflag:s8] =	dma.local @!p0 [hbm:s6], $0xF7A  }
0x23: {  	s9 =	sor.u32 $0xD0000000, s2;
	s6 =	simm.s32 $0x108;
	_ =	swait.ge @!p0 [sflag:s8], $0x0  }
0x24: {  	s3 =	sadd.s32 $0x88, s3;
	s6 =	simm.s32 @!p1 $0x1082;
	[sflag:s4] =	ssyncset.s32 $0xFFFFF086  }
0x25: {  	[simem:s6], [sflag:s4] =	dma.local [hbm:s3], $0xF7A  }
0x26: {  	[smem:$0x3F9F] =	sst s1;
	(tag) =	ssettag s2;
	_ =	strace s9  }
0x27: {  	s1 =	sld [smem:$0x3FAF]  }
0x28: {  	s2 =	sld [smem:$0x3FB0]  }
0x29: {  	s4 =	sld [smem:$0x3FB2]  }
0x2a: {  	p0 =	seq.s32 s5, $0x0;
	s5 =	sld [smem:$0x3FB3]  }
0x2b: {  	s6 =	sld [smem:$0x3FB4]  }
0x2c: {  	s7 =	sld [smem:$0x3FB5]  }
0x2d: {  	s3 =	simm.s32 $0x108;
	s8 =	sld [smem:$0x3FB6]  }
0x2e: {  	s3 =	simm.s32 @!p0 $0x1082;
	s9 =	sld [smem:$0x3FB7]  }
0x2f: {  	lr =	sadd.s32 s0, s3;
	s0 =	sld [smem:$0x3FAE]  }
0x30: {  	s3 =	sld [smem:$0x3FB1]  }
0x31: {  	[smem:$0x3FBA] =	sst s10  }
0x32: {  	s10 =	sld [smem:$0x3FB8];
	_ =	sdelay $0x3  }
0x33: {  	p0 =	seq.s32 s10, $0x1;
	s10 =	sld [smem:$0x3FBA];
	_ =	sdelay $0x3  }
0x34: {  	[smem:$0x3FBA] =	sst s10  }
0x35: {  	s10 =	sld [smem:$0x3FB9];
	_ =	sdelay $0x3  }
0x36: {  	p1 =	seq.s32 s10, $0x1;
	s10 =	sld [smem:$0x3FBA];
	_ =	sdelay $0x3  }
0x37: {  	[smem:$0x3FBA] =	sst s10  }
0x38: {  	s10 =	sld [smem:$0x3FBB]  }
0x39: {  	_ = 	snop;
	(pc) =	sbr.ind lr, $3  }
0x3a: {  	_ = 	snop  }
0x3b: {  	_ = 	snop  }
0x3c: {  	p2 =	seq.s32 s10, $0x1;
	s10 =	sld [smem:$0x3FBA]  }
0x3d: {  	_ =	shalt  }
0x3e: {  	_ =	shalt  }
0x3f: {  	_ =	shalt  }
0x40: {  	_ =	shalt  }
0x41: {  	_ =	shalt  }
0x42: {  	_ =	shalt  }
0x43: {  	_ =	shalt  }
0x44: {  	_ =	shalt  }
0x45: {  	_ =	shalt  }
0x46: {  	_ =	shalt  }
0x47: {  	_ =	shalt  }
0x48: {  	_ =	shalt  }
0x49: {  	_ =	shalt  }
0x4a: {  	_ =	shalt  }
0x4b: {  	_ =	shalt  }
0x4c: {  	_ =	shalt  }
0x4d: {  	_ =	shalt  }
0x4e: {  	_ =	shalt  }
0x4f: {  	_ =	shalt  }
0x50: {  	_ =	shalt  }
0x51: {  	_ =	shalt  }
0x52: {  	_ =	shalt  }
0x53: {  	_ =	shalt  }
0x54: {  	_ =	shalt  }
0x55: {  	_ =	shalt  }
0x56: {  	_ =	shalt  }
0x57: {  	_ =	shalt  }
0x58: {  	_ =	shalt  }
0x59: {  	_ =	shalt  }
0x5a: {  	_ =	shalt  }
0x5b: {  	_ =	shalt  }
0x5c: {  	_ =	shalt  }
0x5d: {  	_ =	shalt  }
0x5e: {  	_ =	shalt  }
0x5f: {  	_ =	shalt  }
0x60: {  	_ =	shalt  }
0x61: {  	_ =	shalt  }
0x62: {  	_ =	shalt  }
0x63: {  	_ =	shalt  }
0x64: {  	_ =	shalt  }
0x65: {  	_ =	shalt  }
0x66: {  	_ =	shalt  }
0x67: {  	_ =	shalt  }
0x68: {  	_ =	shalt  }
0x69: {  	_ =	shalt  }
0x6a: {  	_ =	shalt  }
0x6b: {  	_ =	shalt  }
0x6c: {  	_ =	shalt  }
0x6d: {  	_ =	shalt  }
0x6e: {  	_ =	shalt  }
0x6f: {  	_ =	shalt  }
0x70: {  	_ =	shalt  }
0x71: {  	_ =	shalt  }
0x72: {  	_ =	shalt  }
0x73: {  	_ =	shalt  }
0x74: {  	_ =	shalt  }
0x75: {  	_ =	shalt  }
0x76: {  	_ =	shalt  }
0x77: {  	_ =	shalt  }
0x78: {  	_ =	shalt  }
0x79: {  	_ =	shalt  }
0x7a: {  	_ =	shalt  }
0x7b: {  	_ =	shalt  }
0x7c: {  	_ =	shalt  }
0x7d: {  	_ =	shalt  }
0x7e: {  	_ =	shalt  }
0x7f: {  	_ =	shalt  }
0x80: {  	_ =	shalt  }
0x81: {  	_ =	shalt  }
0x82: {  	_ =	shalt  }
0x83: {  	_ =	shalt  }
0x84: {  	_ =	shalt  }
0x85: {  	_ =	shalt  }
0x86: {  	_ =	shalt  }
0x87: {  	_ =	shalt  }
.Lfunc_end0:
.L_simem_size_0:
called_computation_lowered:
.L_overlay_start_0:
0x88: {  	s2 =	sld [smem:$0x3FD9]  }
0x89: {  	s3 =	sld [smem:$0x3FFE];
	_ =	sdelay $0x1  }
0x8a: {  	s1 =	srdreg.scid  }
0x8b: {  	s0 =	sand.u32 $0x1, s1  }
0x8c: {  	s16 =	sshll.u32 s0, $0xA;
	s2 =	sadd.s32 s3, s2  }
0x8d: {  	s2 =	sadd.s32 s2, s16  }
0x8e: {  	[smem:$0x3FC6] =	sst s2  }
0x8f: {  	_ = 	snop  }
0x90: {  	(tm) =	ssettm $0x1  }
0x91: {  	s17 =	sld [smem:$0x3FFB];
	_ =	sdelay $0x3  }
0x92: {  	_ =	strace s17  }
0x93: {  	s2 =	sld [smem:$0x3FFC];
	_ =	sdelay $0x3  }
0x94: {  	_ =	strace s2  }
0x95: {  	s2 =	sld [smem:$0x3FFD];
	_ =	sdelay $0x3  }
0x96: {  	_ =	strace s2  }
0x97: {  	_ =	strace $0x8FFFFFFF  }
0x98: {  	s18 =	sld [smem:$0x3FDB];
	_ =	sdelay $0x1  }
0x99: {  	s19 =	simm.s32 $_scs_section_size  }
0x9a: {  	s4 =	simm.s32 $_size__tile_overlayer_lowered;
	s5 =	simm.s32 $_tile_overlayer_lowered  }
0x9b: {  	s22 =	simm.s32 $0x1BFF;
	s21 =	sshll.u32 s5, $0x1;
	s2 =	sadd.s32 s19, s18  }
0x9c: {  	s6 =	simm.s32 $0x0;
	s20 =	sshll.u32 s4, $0x1;
	s4 =	sadd.s32 s21, s2  }
0x9d: {  	[timem:s6], [sflag:s22] =	dma.local [hbm:s4], s20  }
0x9e: {  	_ =	swait.ge [sflag:s22], s20  }
0x9f: {  	s3 =	ssub.s32 $0x0, s20;
	[sflag:s22] =	ssyncset.done $0x0  }
0xa0: {  	[sflag:s22] =	ssyncadd.s32 s3;
	_ =	sdelay $0x1  }
0xa1: {  	s23 =	simm.s32 $0x1B8B  }
0xa2: {  	_ =	swait.ge [sflag:s23], $0x1  }
0xa3: {  	[sflag:s23] =	ssyncset.done $0x0  }
0xa4: {  	s25 =	simm.s32 $0x1B8E;
	s24 =	sld [smem:$0x3FFE];
	[sflag:s23] =	ssyncadd.s32 $0xFFFFFFFF  }
0xa5: {  	s26 =	simm.s32 $execute0_lowered;
	[smem:$0x3FD2] =	sst s25  }
0xa6: {  	s4 =	sshll.u32 s26, $0x1;
	_ =	strace $0x80000046;
	[dreg:$0x1] =	wrdreg $0xFFFFFFFF  }
0xa7: {  	s28 =	simm.s32 $_size_execute0_lowered;
	s2 =	sadd.s32 s2, s4;
	[dreg:$0x0] =	wrdreg $0x0  }
0xa8: {  	s4 =	sshll.u32 s28, $0x1;
	[dreg:$0x2] =	wrdreg s2  }
0xa9: {  	[dreg:$0x3] =	wrdreg s4  }
0xaa: {  	[dreg:$0x4] =	wrdreg $0xC0  }
0xab: {  	_ =	task [dreg:s6], $0x5FFFF  }
0xac: {  	[dreg:$0x1] =	wrdreg $0xFFFFFFFF  }
0xad: {  	[dreg:$0x0] =	wrdreg $0x60  }
0xae: {  	[dreg:$0x2] =	wrdreg s24  }
0xaf: {  	[dreg:$0x3] =	wrdreg $0x9  }
0xb0: {  	_ =	task.clear_ibuf [dreg:s6], $0x4FFFF;
	_ =	strace $0x90000046  }
0xb1: {  	s29 =	simm.s32 $0x9;
	_ =	strace $0x80000048  }
0xb2: {  	_ =	swait.ge [sflag:s29], $0x1  }
0xb3: {  	[sflag:s29] =	ssyncadd.s32 $0xFFFFFFFF  }
0xb4: {  	_ =	strace $0x90000048  }
0xb5: {  	_ =	sfence  }
0xb6: {  	s30 =	sld [smem:$0x0];
	_ =	sdelay $0x2  }
0xb7: {  	s31 =	sshll.u32 s1, $0xD;
	s1 =	sshrl.u32 s1, $0x2  }
0xb8: {  	s3 =	sand.u32 $0x4000, s31;
	s1 =	sadd.s32 s1, s30  }
0xb9: {  	s0 =	sor.u32 s3, s0;
	s1 =	sshll.u32 s1, $0x11  }
0xba: {  	s0 =	sor.u32 s1, s0  }
0xbb: {  	s0 =	sadd.s32 $0x8F2B, s0  }
0xbc: {  	[sflag:s0] =	ssyncadd.remote.s32 $0x1  }
0xbd: {  	_ =	sfence.sel $0xFFFF  }
0xbe: {  	[dreg:$0x0] =	wrdreg $0xFFFFFFFF;
	(pc) =	sbr.abs _section_cstart, $3  }
0xbf: {  	[dreg:$0x1] =	wrdreg $0xFFFFFFFF  }
0xc0: {  	_ =	task.clear_ibuf [dreg:s6], $0x2FFFF;
	_ =	strace $0x9FFFFFFF  }
0xc1: {  	(tm) =	ssettm $0x7FFFFFFF  }
tec
execute0_lowered:
.L_overlay_start_1:
0x0: {  	(tag) =	ssettag $0x1  }
0x1: {  	s1 =	srdreg.scid;
	s0 =	stileid.u32  }
0x2: {  	s4 =	rddreg [dreg:$0x0];
	s2 =	simm.s32 $0x0;
	s11 =	simm.s32 $0x280  }
0x3: {  	s12 =	simm.s32 $0xA80;
	s13 =	simm.s32 $0x100;
	s14 =	simm.s32 $0x1280  }
0x4: {  	s15 =	simm.s32 $0x180;
	s16 =	simm.s32 $0x1A80;
	s17 =	simm.s32 $0x200  }
0x5: {  	s18 =	simm.s32 $0x2280;
	s19 =	simm.s32 $0x1;
	s20 =	simm.s32 $0x5280  }
0x6: {  	s3 =	sand.u32 $0x1, s1;
	s5 =	sshll.u32 s0, $0x1;
	s1 =	rddreg [dreg:$0x1]  }
0x7: {  	s21 =	simm.s32 $0x0;
	[smem:$0x7FF] =	sst s2;
	s5 =	sor.u32 s3, s5  }
0x8: {  	_ =	strace $0x80000047;
	s8 =	ssub.s32 $0x2, s3;
	s6 =	smul.u32 $0x50, s5  }
0x9: {  	s7 =	smul.u32 $0x500, s5;
	s5 =	sshll.u32 s5, $0x1;
	s9 =	sshrl.u32 s8, $0x1  }
0xa: {  	s3 =	sadd.s32 $0x50800, s4;
	s10 =	sadd.s32 s5, s4;
	s8 =	ssub.s32 s8, s9  }
0xb: {  	s9 =	simm.s32 $0x2A80;
	s6 =	sadd.s32 s6, s4;
	s7 =	sadd.s32 s7, s4  }
0xc: {  	s4 =	sadd.s32 $0x800, s6;
	s5 =	sadd.s32 $0x1200, s7;
	s6 =	sadd.s32 $0xB200, s10  }
0xd: {  	s7 =	smax.u32 s8, $0x1;
	s8 =	simm.s32 $0x2;
	s10 =	simm.s32 $0x80  }
.LBB2_1:
0xe: {  	[tilespmem:s2], [sflag:$0x2] =	stream.linear.gather [hbm4b:s4+s2], $0x280, $0x38;
	[tilespmem:$0x5290] =	vst v63  }
0xf: {  	_ =	swait.ge [sflag:s8], $0x280  }
0x10: {  	[sflag:s8] =	ssyncset.done $0x0  }
0x11: {  	[sflag:s8] =	ssyncadd.s32 $0xFFFFFD80  }
0x12: {  	[tilespmem:s9], [sflag:$0x2] =	stream.linear.gather [hbm4b:s5+s2], $0x2800, $0x38;
	[tilespmem:$0x5290] =	vst v63  }
0x13: {  	_ =	swait.ge [sflag:s8], $0x2800  }
0x14: {  	[sflag:s8] =	ssyncset.done $0x0  }
0x15: {  	[sflag:s8] =	ssyncadd.s32 $0xFFFFD800  }
0x16: {  	[tilespmem:s11], [sflag:$0x1] =	stream.indirect.gather [hbm4b:s3+s10], $0x10, s2, s10, $0xb8;
	[tilespmem:$0x5290] =	vst v63  }
0x17: {  	_ = 	snop  }
0x18: {  	[tilespmem:s12], [sflag:$0x1] =	stream.indirect.gather [hbm4b:s3+s10], $0x10, s10, s10, $0xb8;
	[tilespmem:$0x5290] =	vst v63  }
0x19: {  	_ = 	snop  }
0x1a: {  	[tilespmem:s14], [sflag:$0x1] =	stream.indirect.gather [hbm4b:s3+s10], $0x10, s13, s10, $0xb8;
	[tilespmem:$0x5290] =	vst v63  }
0x1b: {  	_ = 	snop  }
0x1c: {  	[tilespmem:s16], [sflag:$0x1] =	stream.indirect.gather [hbm4b:s3+s10], $0x10, s15, s10, $0xb8;
	[tilespmem:$0x5290] =	vst v63  }
0x1d: {  	_ = 	snop  }
0x1e: {  	[tilespmem:s18], [sflag:$0x1] =	stream.indirect.gather [hbm4b:s3+s10], $0x10, s17, s10, $0xb8;
	[tilespmem:$0x5290] =	vst v63  }
0x1f: {  	_ =	swait.ge [sflag:s19], $0x800  }
0x20: {  	[sflag:s19] =	ssyncset.done $0x0  }
0x21: {  	[sflag:s19] =	ssyncadd.s32 $0xFFFFF800  }
0x22: {  	_ =	swait.ge [sflag:s19], $0x800  }
0x23: {  	[sflag:s19] =	ssyncset.done $0x0  }
0x24: {  	[sflag:s19] =	ssyncadd.s32 $0xFFFFF800  }
0x25: {  	_ =	swait.ge [sflag:s19], $0x800  }
0x26: {  	[sflag:s19] =	ssyncset.done $0x0  }
0x27: {  	[sflag:s19] =	ssyncadd.s32 $0xFFFFF800  }
0x28: {  	_ =	swait.ge [sflag:s19], $0x800  }
0x29: {  	[sflag:s19] =	ssyncset.done $0x0  }
0x2a: {  	[sflag:s19] =	ssyncadd.s32 $0xFFFFF800  }
0x2b: {  	_ =	swait.ge [sflag:s19], $0x800  }
0x2c: {  	[sflag:s19] =	ssyncset.done $0x0  }
0x2d: {  	s23 =	simm.s32 $0x0;
	[sflag:s19] =	ssyncadd.s32 $0xFFFFF800  }
0x2e: {  	v1 =	vld [tilespmem:s23+$0x280]  }
0x2f: {  	v2 =	vld [tilespmem:s23+$0x2A80];
	_ =	sdelay $0x2  }
0x30: {  	v0 =	vimm.f32 $0.0e+00;
	s22 =	simm.s32 $0x40  }
.LBB2_2:
0x31: {  	s23 =	sshra.s32 s22, $0x2;
	p0 =	sne.s32 s22, $0x9FC0  }
.Ltmp0:
0x32: {  	s22 =	sadd.s32 $0x40, s22;
	v3 =	vsub.f32 v1, v2;
	v1 =	vld [tilespmem:s23+$0x280];
	(pc) =	sbr.rel @p0 .LBB2_2-.Ltmp0, $3  }
0x33: {  	v2 =	vld [tilespmem:s23+$0x2A80]  }
0x34: {  	v3 =	vmul.f32 v3, v3;
	_ =	sdelay $0x1  }
0x35: {  	v0 =	vadd.f32 v3, v0  }
0x36: {  	_ = 	snop  }
0x37: {  	v1 =	vsub.f32 v1, v2;
	_ =	sdelay $0x1  }
0x38: {  	v1 =	vmul.f32 v1, v1;
	_ =	sdelay $0x1  }
0x39: {  	s21 =	sadd.s32 $0x1, s21;
	v0 =	vadd.f32 v1, v0  }
0x3a: {  	p0 =	sne.s32 s21, s7  }
.Ltmp1:
0x3b: {  	[tilespmem:$0x5280] =	vst v0;
	(pc) =	sbr.rel @p0 .LBB2_1-.Ltmp1, $4  }
0x3c: {  	[hbm4b:s6+s2] =	stream.linear.scatter [tilespmem:s20], [sflag:$0x2], $0x10, $0x38;
	[tilespmem:$0x5290] =	vst v63  }
0x3d: {  	_ =	swait.ge [sflag:s8], $0x10  }
0x3e: {  	[sflag:s8] =	ssyncset.done $0x0  }
0x3f: {  	[sflag:s8] =	ssyncadd.s32 $0xFFFFFFF0  }
0x40: {  	_ =	sfence.sel $0x180000  }
0x41: {  	[bflag:$0x0] =	sbarrier.arrive $0xFFFF  }
0x42: {  	p0 =	sne.s32 s0, $0x0;
	_ =	strace $0x90000047  }
0x43: {  	s0 =	sadd.s32 @!p0 $0x100000, s1;
	[bflag:$0x2] =	sbarrier.arrive $0xFFFF  }
0x44: {  	[sflag:s0] =	ssyncadd.tile.s32 @!p0 $0x1;
	_ =	shalt  }
.Lfunc_end2:
_tile_overlayer_lowered:
.L_overlay_start_2:
0x45: {  	(tag) =	ssettag $0x2  }
0x46: {  	s0 =	rddreg [dreg:$0x0];
	s2 =	stileid.u32  }
0x47: {  	s1 =	rddreg [dreg:$0x1];
	p0 =	sne.s32 s2, $0x0  }
0x48: {  	s3 =	rddreg [dreg:$0x2];
	[bflag:$0x3] =	sbarrier.arrive $0xFFFF;
	s2 =	simm.s32 @!p0 $0x1C02  }
0x49: {  	[timem:s3], [sflag:s2] =	dma.local @!p0 [hbm:s0], s1  }
0x4a: {  	s0 =	simm.s32 @!p0 $0x2  }
0x4b: {  	_ =	swait.ge @!p0 [sflag:s0], s1  }
0x4c: {  	s1 =	ssub.s32 @!p0 $0x0, s1;
	[sflag:s0] =	ssyncset.done @!p0 $0x0  }
0x4d: {  	[sflag:s0] =	ssyncadd.s32 @!p0 s1  }
0x4e: {  	[bflag:$0x3] =	sbarrier.arrive $0xFFFF  }
0x4f: {  	_ =	shalt  }

</sc_bundles>
